<compile_context>
chip_gen: v7x
topology: tpu7x:2x2x1
jax: 0.10.2.dev20260603
libtpu: 0.0.44.dev20260713+nightly
codegen_flags: <defaults>
</compile_context>

<pallas_src>
import functools

import jax
import jax.numpy as jnp
from jax import lax
from jax.experimental import pallas as pl
from jax.experimental.pallas import tpu as pltpu
from jax.experimental.pallas import tpu_sc as plsc

_D = 1024
_L = 16


@functools.lru_cache(maxsize=None)
def _make_sc_kernel(N, CH, NC, NS):
    NW = NC * NS
    rows_per_w = N // NW
    n_chunks = rows_per_w // CH
    assert n_chunks % 2 == 0
    mesh = plsc.VectorSubcoreMesh(core_axis_name="c", subcore_axis_name="s")

    @functools.partial(
        pl.kernel,
        mesh=mesh,
        out_type=jax.ShapeDtypeStruct((N, _D), jnp.float32),
        compiler_params=pltpu.CompilerParams(
            needs_layout_passes=False,
            skip_device_barrier=True,
            disable_bounds_checks=True,
            disable_semaphore_checks=True,
        ),
        scratch_types=[
            pltpu.VMEM((rows_per_w,), jnp.int32),
            pltpu.VMEM((2, CH, _D), jnp.float32),
            pltpu.VMEM((3 * _D,), jnp.float32),
            pltpu.SemaphoreType.DMA,
            pltpu.SemaphoreType.DMA,
            pltpu.SemaphoreType.DMA,
            pltpu.SemaphoreType.DMA,
            pltpu.SemaphoreType.DMA,
            pltpu.SemaphoreType.DMA,
        ],
    )
    def k(
        x_hbm, mask_hbm, w_hbm, out_hbm, mask_v, xbuf, w_v,
        sx0, sx1, so0, so1, sw, sm,
    ):
        c = lax.axis_index("c")
        s = lax.axis_index("s")
        wid = s * NC + c
        base = wid * rows_per_w
        sx = (sx0, sx1)
        so = (so0, so1)

        w_copy = pltpu.async_copy(w_hbm, w_v, sw)
        m_copy = pltpu.async_copy(mask_hbm.at[pl.ds(base, rows_per_w)], mask_v, sm)

        def issue_in(i, b):
            pltpu.async_copy(
                x_hbm.at[pl.ds(base + i * CH, CH)], xbuf.at[b], sx[b]
            )

        def wait_in(b):
            pltpu.make_async_copy(x_hbm.at[pl.ds(0, CH)], xbuf.at[b], sx[b]).wait()

        def wait_out(b):
            pltpu.make_async_copy(xbuf.at[b], out_hbm.at[pl.ds(0, CH)], so[b]).wait()

        def compute_and_flush(i, b):
            wait_in(b)
            c1 = []
            c2 = []
            for ri in range(CH):
                mb = plsc.load_gather(
                    mask_v, [jnp.full((_L,), i * CH + ri, jnp.int32)]
                )
                mf = mb.astype(jnp.float32)
                c1.append(jnp.minimum(mf, 1.0))
                c2.append(jnp.maximum(mf - 1.0, 0.0))

            UNROLL = 4

            def col_body(jo, carry):
                for ju in range(UNROLL):
                    j = jo * UNROLL + ju
                    w0 = w_v[pl.ds(j * _L, _L)]
                    w1 = w_v[pl.ds(_D + j * _L, _L)]
                    w2 = w_v[pl.ds(2 * _D + j * _L, _L)]
                    d10 = w1 - w0
                    d21 = w2 - w1
                    for ri in range(CH):
                        t = w0 + c1[ri] * d10 + c2[ri] * d21
                        plsc.addupdate(xbuf.at[b, ri, pl.ds(j * _L, _L)], t)
                return carry

            lax.fori_loop(0, _D // _L // UNROLL, col_body, 0)
            pltpu.async_copy(
                xbuf.at[b], out_hbm.at[pl.ds(base + i * CH, CH)], so[b]
            )

        issue_in(0, 0)
        w_copy.wait()
        m_copy.wait()

        def pair_body(g, carry):
            for b in range(2):
                i = 2 * g + b
                nb = (b + 1) % 2

                @pl.when(i + 1 < n_chunks)
                def _():
                    @pl.when(i >= 1)
                    def _():
                        wait_out(nb)

                    issue_in(i + 1, nb)

                compute_and_flush(i, b)
            return carry

        lax.fori_loop(0, n_chunks // 2, pair_body, 0)
        wait_out(0)
        wait_out(1)

    return k


def kernel(x, motion_mask, motion_embed_weight):
    B, P, D = x.shape
    if motion_mask.ndim == 1:
        motion_mask = jnp.broadcast_to(motion_mask[None, :], (B, P))
    mask = motion_mask.astype(jnp.int32).reshape(-1)
    N = B * P
    info = plsc.get_sparse_core_info()
    k = _make_sc_kernel(N, 16, info.num_cores, info.num_subcores)
    out = k(x.reshape(N, D), mask, motion_embed_weight.reshape(-1))
    return out.reshape(B, P, D)

# --- scband reference (transcript-rebuilt; emitter-appended) ---
"""Pipeline reference for scband-motion-transition-embedding-32126355374814 (READ-ONLY COPY).

The authoritative reference and input builder live on the scoring server;
editing this copy changes nothing except your own understanding.
"""

import jax, jax.numpy as jnp
import numpy as np

EMBED_DIM = 1024
NUM_STATES = 3  # ignore_padding=False -> 3-row embedding table
B = 4
NUM_PATCHES = 4096

def setup_inputs(seed: int = 0) -> dict:
    key = jax.random.key(seed)
    k1, k2, k3 = jax.random.split(key, 3)
    x = jax.random.normal(k1, (B, NUM_PATCHES, EMBED_DIM), dtype=jnp.float32)
    motion_mask = jax.random.randint(k2, (B, NUM_PATCHES), 0, NUM_STATES, dtype=jnp.int64)
    # learned embedding table, nn.Embedding default init ~ N(0,1)
    motion_embed_weight = jax.random.normal(k3, (NUM_STATES, EMBED_DIM), dtype=jnp.float32)
    return {"x": x, "motion_mask": motion_mask, "motion_embed_weight": motion_embed_weight}

def reference(x, motion_mask, motion_embed_weight):
    # if motion_mask.dim() == 1: broadcast over batch
    if motion_mask.ndim == 1:
        motion_mask = jnp.broadcast_to(motion_mask[None, :], (x.shape[0], motion_mask.shape[0]))
    motion_mask = motion_mask.astype(jnp.int32)
    # embedding lookup: gather rows of the table
    motion_embeddings = jnp.take(motion_embed_weight, motion_mask, axis=0)  # [B, P, D]
    out = x + motion_embeddings
    # dropout is identity in eval/reference mode
    return out

if __name__ == "__main__":
    import jax
    _d = setup_inputs()
    print(jax.jit(kernel)(*tuple(_d.values())))

</pallas_src>

<mosaic_0001>
#map = affine_map<(d0, d1) -> (0, 0)>
#map1 = affine_map<(d0, d1) -> (0)>
module attributes {stable_mosaic.version = 14 : i64} {
  func.func @k(%arg0: i32, %arg1: i32, %arg2: memref<16384x1024xf32, #tpu.memory_space<hbm>>, %arg3: memref<16384xi32, #tpu.memory_space<hbm>>, %arg4: memref<3072xf32, #tpu.memory_space<hbm>>, %arg5: memref<16384x1024xf32, #tpu.memory_space<hbm>>, %arg6: memref<512xi32, #tpu.memory_space<vmem>>, %arg7: memref<2x16x1024xf32, #tpu.memory_space<vmem>>, %arg8: memref<3072xf32, #tpu.memory_space<vmem>>, %arg9: memref<!tpu.dma_semaphore, #tpu.memory_space<semaphore_mem>>, %arg10: memref<!tpu.dma_semaphore, #tpu.memory_space<semaphore_mem>>, %arg11: memref<!tpu.dma_semaphore, #tpu.memory_space<semaphore_mem>>, %arg12: memref<!tpu.dma_semaphore, #tpu.memory_space<semaphore_mem>>, %arg13: memref<!tpu.dma_semaphore, #tpu.memory_space<semaphore_mem>>, %arg14: memref<!tpu.dma_semaphore, #tpu.memory_space<semaphore_mem>>) attributes {dimension_semantics = [#tpu.dimension_semantics<core_parallel>, #tpu.dimension_semantics<subcore_parallel>], iteration_bounds = array<i64: 2, 16>, scalar_prefetch = 0 : i64, scratch_operands = 9 : i64, tpu.core_type = #tpu.core_type<sc_vector_subcore>, window_params = [{transform_indices = #map}, {transform_indices = #map1}, {transform_indices = #map1}, {transform_indices = #map}]} {
    %mul3A = arith.constant 2 : i32
    %mul3A_0 = arith.muli %arg1, %mul3A : i32
    %add3A = arith.addi %mul3A_0, %arg0 : i32
    %mul3A_1 = arith.constant 512 : i32
    %mul3A_2 = arith.muli %add3A, %mul3A_1 : i32
    tpu.enqueue_dma source(%arg4 : memref<3072xf32, #tpu.memory_space<hbm>>) target(%arg8 : memref<3072xf32, #tpu.memory_space<vmem>>) target_semaphore(%arg13 : memref<!tpu.dma_semaphore, #tpu.memory_space<semaphore_mem>>)
    %dma_start3A = tpu.memref_slice %arg3[%mul3A_2] : memref<16384xi32, #tpu.memory_space<hbm>> -> memref<512xi32, #tpu.memory_space<hbm>>
    %dma_start3A_3 = tpu.memref_slice %arg3[%mul3A_2] : memref<16384xi32, #tpu.memory_space<hbm>> -> memref<512xi32, #tpu.memory_space<hbm>>
    tpu.enqueue_dma source(%dma_start3A_3 : memref<512xi32, #tpu.memory_space<hbm>>) target(%arg6 : memref<512xi32, #tpu.memory_space<vmem>>) target_semaphore(%arg14 : memref<!tpu.dma_semaphore, #tpu.memory_space<semaphore_mem>>)
    %add3A_4 = arith.constant 0 : i32
    %add3A_5 = arith.addi %mul3A_2, %add3A_4 : i32
    %dma_start3A_6 = arith.constant 0 : i32
    %dma_start3A_7 = arith.constant 0 : i32
    %dma_start3A_8 = arith.constant 0 : i32
    %dma_start3A_9 = tpu.memref_slice %arg7[%dma_start3A_6, %dma_start3A_7, %dma_start3A_8] : memref<2x16x1024xf32, #tpu.memory_space<vmem>> -> memref<1x16x1024xf32, #tpu.memory_space<vmem>>
    %dma_start3A_10 = tpu.memref_squeeze %dma_start3A_9 : memref<1x16x1024xf32, #tpu.memory_space<vmem>> -> memref<16x1024xf32, #tpu.memory_space<vmem>>
    %dma_start3A_11 = arith.constant 0 : i32
    %dma_start3A_12 = tpu.memref_slice %arg2[%add3A_5, %dma_start3A_11] : memref<16384x1024xf32, #tpu.memory_space<hbm>> -> memref<16x1024xf32, #tpu.memory_space<hbm>>
    %dma_start3A_13 = arith.constant 0 : i32
    %dma_start3A_14 = arith.constant 0 : i32
    %dma_start3A_15 = tpu.memref_slice %arg7[%dma_start3A_6, %dma_start3A_13, %dma_start3A_14] : memref<2x16x1024xf32, #tpu.memory_space<vmem>> -> memref<1x16x1024xf32, #tpu.memory_space<vmem>>
    %dma_start3A_16 = tpu.memref_squeeze %dma_start3A_15 : memref<1x16x1024xf32, #tpu.memory_space<vmem>> -> memref<16x1024xf32, #tpu.memory_space<vmem>>
    %dma_start3A_17 = arith.constant 0 : i32
    %dma_start3A_18 = tpu.memref_slice %arg2[%add3A_5, %dma_start3A_17] : memref<16384x1024xf32, #tpu.memory_space<hbm>> -> memref<16x1024xf32, #tpu.memory_space<hbm>>
    tpu.enqueue_dma source(%dma_start3A_18 : memref<16x1024xf32, #tpu.memory_space<hbm>>) target(%dma_start3A_16 : memref<16x1024xf32, #tpu.memory_space<vmem>>) target_semaphore(%arg9 : memref<!tpu.dma_semaphore, #tpu.memory_space<semaphore_mem>>)
    tpu.wait_dma2 semaphore(%arg13 : memref<!tpu.dma_semaphore, #tpu.memory_space<semaphore_mem>>) src(%arg4 : memref<3072xf32, #tpu.memory_space<hbm>>) dst(%arg8 : memref<3072xf32, #tpu.memory_space<vmem>>)
    %dma_wait3A = tpu.memref_slice %arg3[%mul3A_2] : memref<16384xi32, #tpu.memory_space<hbm>> -> memref<512xi32, #tpu.memory_space<hbm>>
    %dma_wait3A_19 = tpu.memref_slice %arg3[%mul3A_2] : memref<16384xi32, #tpu.memory_space<hbm>> -> memref<512xi32, #tpu.memory_space<hbm>>
    tpu.wait_dma2 semaphore(%arg14 : memref<!tpu.dma_semaphore, #tpu.memory_space<semaphore_mem>>) src(%dma_wait3A_19 : memref<512xi32, #tpu.memory_space<hbm>>) dst(%arg6 : memref<512xi32, #tpu.memory_space<vmem>>)
    %scan3A = arith.constant 0 : i32
    %scan3A_20 = arith.constant 0 : i32
    %scan3A_21 = arith.constant 16 : i32
    %scan3A_22 = arith.addi %scan3A_20, %scan3A_21 : i32
    %scan3A_23 = arith.constant 1 : i32
    scf.for %scan3A_55 = %scan3A_20 to %scan3A_22 step %scan3A_23  : i32 {
      %mul3A_56 = arith.constant 2 : i32
      %mul3A_57 = arith.muli %mul3A_56, %scan3A_55 : i32
      %add3A_58 = arith.constant 0 : i32
      %add3A_59 = arith.addi %mul3A_57, %add3A_58 : i32
      %add3A_60 = arith.constant 1 : i32
      %add3A_61 = arith.addi %add3A_59, %add3A_60 : i32
      %lt3A = arith.constant 32 : i32
      %lt3A_62 = arith.cmpi slt, %add3A_61, %lt3A : i32
      %convert_element_type3A = arith.extui %lt3A_62 : i1 to i32
      %cond3A = arith.constant 0 : i32
      %cond3A_63 = arith.cmpi ne, %convert_element_type3A, %cond3A : i32
      scf.if %cond3A_63 {
        %ge3A = arith.constant 1 : i32
        %ge3A_656 = arith.cmpi sge, %add3A_59, %ge3A : i32
        %convert_element_type3A_657 = arith.extui %ge3A_656 : i1 to i32
        %cond3A_658 = arith.constant 0 : i32
        %cond3A_659 = arith.cmpi ne, %convert_element_type3A_657, %cond3A_658 : i32
        scf.if %cond3A_659 {
          %dma_wait3A_678 = arith.constant 1 : i32
          %dma_wait3A_679 = arith.constant 0 : i32
          %dma_wait3A_680 = arith.constant 0 : i32
          %dma_wait3A_681 = tpu.memref_slice %arg7[%dma_wait3A_678, %dma_wait3A_679, %dma_wait3A_680] : memref<2x16x1024xf32, #tpu.memory_space<vmem>> -> memref<1x16x1024xf32, #tpu.memory_space<vmem>>
          %dma_wait3A_682 = tpu.memref_squeeze %dma_wait3A_681 : memref<1x16x1024xf32, #tpu.memory_space<vmem>> -> memref<16x1024xf32, #tpu.memory_space<vmem>>
          %dma_wait3A_683 = arith.constant 0 : i32
          %dma_wait3A_684 = arith.constant 0 : i32
          %dma_wait3A_685 = tpu.memref_slice %arg5[%dma_wait3A_683, %dma_wait3A_684] : memref<16384x1024xf32, #tpu.memory_space<hbm>> -> memref<16x1024xf32, #tpu.memory_space<hbm>>
          %dma_wait3A_686 = arith.constant 0 : i32
          %dma_wait3A_687 = arith.constant 0 : i32
          %dma_wait3A_688 = tpu.memref_slice %arg5[%dma_wait3A_686, %dma_wait3A_687] : memref<16384x1024xf32, #tpu.memory_space<hbm>> -> memref<16x1024xf32, #tpu.memory_space<hbm>>
          %dma_wait3A_689 = arith.constant 0 : i32
          %dma_wait3A_690 = arith.constant 0 : i32
          %dma_wait3A_691 = tpu.memref_slice %arg7[%dma_wait3A_678, %dma_wait3A_689, %dma_wait3A_690] : memref<2x16x1024xf32, #tpu.memory_space<vmem>> -> memref<1x16x1024xf32, #tpu.memory_space<vmem>>
          %dma_wait3A_692 = tpu.memref_squeeze %dma_wait3A_691 : memref<1x16x1024xf32, #tpu.memory_space<vmem>> -> memref<16x1024xf32, #tpu.memory_space<vmem>>
          tpu.wait_dma2 semaphore(%arg12 : memref<!tpu.dma_semaphore, #tpu.memory_space<semaphore_mem>>) src(%dma_wait3A_692 : memref<16x1024xf32, #tpu.memory_space<vmem>>) dst(%dma_wait3A_688 : memref<16x1024xf32, #tpu.memory_space<hbm>>)
        } else {
        }
        %add3A_660 = arith.constant 1 : i32
        %add3A_661 = arith.addi %add3A_59, %add3A_660 : i32
        %mul3A_662 = arith.constant 16 : i32
        %mul3A_663 = arith.muli %add3A_661, %mul3A_662 : i32
        %add3A_664 = arith.addi %mul3A_2, %mul3A_663 : i32
        %dma_start3A_665 = arith.constant 1 : i32
        %dma_start3A_666 = arith.constant 0 : i32
        %dma_start3A_667 = arith.constant 0 : i32
        %dma_start3A_668 = tpu.memref_slice %arg7[%dma_start3A_665, %dma_start3A_666, %dma_start3A_667] : memref<2x16x1024xf32, #tpu.memory_space<vmem>> -> memref<1x16x1024xf32, #tpu.memory_space<vmem>>
        %dma_start3A_669 = tpu.memref_squeeze %dma_start3A_668 : memref<1x16x1024xf32, #tpu.memory_space<vmem>> -> memref<16x1024xf32, #tpu.memory_space<vmem>>
        %dma_start3A_670 = arith.constant 0 : i32
        %dma_start3A_671 = tpu.memref_slice %arg2[%add3A_664, %dma_start3A_670] : memref<16384x1024xf32, #tpu.memory_space<hbm>> -> memref<16x1024xf32, #tpu.memory_space<hbm>>
        %dma_start3A_672 = arith.constant 0 : i32
        %dma_start3A_673 = arith.constant 0 : i32
        %dma_start3A_674 = tpu.memref_slice %arg7[%dma_start3A_665, %dma_start3A_672, %dma_start3A_673] : memref<2x16x1024xf32, #tpu.memory_space<vmem>> -> memref<1x16x1024xf32, #tpu.memory_space<vmem>>
        %dma_start3A_675 = tpu.memref_squeeze %dma_start3A_674 : memref<1x16x1024xf32, #tpu.memory_space<vmem>> -> memref<16x1024xf32, #tpu.memory_space<vmem>>
        %dma_start3A_676 = arith.constant 0 : i32
        %dma_start3A_677 = tpu.memref_slice %arg2[%add3A_664, %dma_start3A_676] : memref<16384x1024xf32, #tpu.memory_space<hbm>> -> memref<16x1024xf32, #tpu.memory_space<hbm>>
        tpu.enqueue_dma source(%dma_start3A_677 : memref<16x1024xf32, #tpu.memory_space<hbm>>) target(%dma_start3A_675 : memref<16x1024xf32, #tpu.memory_space<vmem>>) target_semaphore(%arg10 : memref<!tpu.dma_semaphore, #tpu.memory_space<semaphore_mem>>)
      } else {
      }
      %dma_wait3A_64 = arith.constant 0 : i32
      %dma_wait3A_65 = arith.constant 0 : i32
      %dma_wait3A_66 = arith.constant 0 : i32
      %dma_wait3A_67 = tpu.memref_slice %arg7[%dma_wait3A_64, %dma_wait3A_65, %dma_wait3A_66] : memref<2x16x1024xf32, #tpu.memory_space<vmem>> -> memref<1x16x1024xf32, #tpu.memory_space<vmem>>
      %dma_wait3A_68 = tpu.memref_squeeze %dma_wait3A_67 : memref<1x16x1024xf32, #tpu.memory_space<vmem>> -> memref<16x1024xf32, #tpu.memory_space<vmem>>
      %dma_wait3A_69 = arith.constant 0 : i32
      %dma_wait3A_70 = arith.constant 0 : i32
      %dma_wait3A_71 = tpu.memref_slice %arg2[%dma_wait3A_69, %dma_wait3A_70] : memref<16384x1024xf32, #tpu.memory_space<hbm>> -> memref<16x1024xf32, #tpu.memory_space<hbm>>
      %dma_wait3A_72 = arith.constant 0 : i32
      %dma_wait3A_73 = arith.constant 0 : i32
      %dma_wait3A_74 = tpu.memref_slice %arg7[%dma_wait3A_64, %dma_wait3A_72, %dma_wait3A_73] : memref<2x16x1024xf32, #tpu.memory_space<vmem>> -> memref<1x16x1024xf32, #tpu.memory_space<vmem>>
      %dma_wait3A_75 = tpu.memref_squeeze %dma_wait3A_74 : memref<1x16x1024xf32, #tpu.memory_space<vmem>> -> memref<16x1024xf32, #tpu.memory_space<vmem>>
      %dma_wait3A_76 = arith.constant 0 : i32
      %dma_wait3A_77 = arith.constant 0 : i32
      %dma_wait3A_78 = tpu.memref_slice %arg2[%dma_wait3A_76, %dma_wait3A_77] : memref<16384x1024xf32, #tpu.memory_space<hbm>> -> memref<16x1024xf32, #tpu.memory_space<hbm>>
      tpu.wait_dma2 semaphore(%arg9 : memref<!tpu.dma_semaphore, #tpu.memory_space<semaphore_mem>>) src(%dma_wait3A_78 : memref<16x1024xf32, #tpu.memory_space<hbm>>) dst(%dma_wait3A_75 : memref<16x1024xf32, #tpu.memory_space<vmem>>)
      %mul3A_79 = arith.constant 16 : i32
      %mul3A_80 = arith.muli %add3A_59, %mul3A_79 : i32
      %add3A_81 = arith.constant 0 : i32
      %add3A_82 = arith.addi %mul3A_80, %add3A_81 : i32
      %broadcast_in_dim3A = vector.broadcast %add3A_82 : i32 to vector<16xi32>
      %gather3A = tpu.vector_load_idx %arg6[%broadcast_in_dim3A] : memref<512xi32, #tpu.memory_space<vmem>>[vector<16xi32>], vector<16xi32>,
      %convert_element_type3A_83 = arith.sitofp %gather3A : vector<16xi32> to vector<16xf32>
      %min3A = arith.constant 1.000000e+00 : f32
      %min3A_84 = vector.broadcast %min3A : f32 to vector<16xf32>
      %min3A_85 = arith.minimumf %convert_element_type3A_83, %min3A_84 : vector<16xf32>
      %sub3A = arith.constant 1.000000e+00 : f32
      %sub3A_86 = vector.broadcast %sub3A : f32 to vector<16xf32>
      %sub3A_87 = arith.subf %convert_element_type3A_83, %sub3A_86 : vector<16xf32>
      %max3A = arith.constant 0.000000e+00 : f32
      %max3A_88 = vector.broadcast %max3A : f32 to vector<16xf32>
      %max3A_89 = arith.maximumf %sub3A_87, %max3A_88 : vector<16xf32>
      %mul3A_90 = arith.constant 16 : i32
      %mul3A_91 = arith.muli %add3A_59, %mul3A_90 : i32
      %add3A_92 = arith.constant 1 : i32
      %add3A_93 = arith.addi %mul3A_91, %add3A_92 : i32
      %broadcast_in_dim3A_94 = vector.broadcast %add3A_93 : i32 to vector<16xi32>
      %gather3A_95 = tpu.vector_load_idx %arg6[%broadcast_in_dim3A_94] : memref<512xi32, #tpu.memory_space<vmem>>[vector<16xi32>], vector<16xi32>,
      %convert_element_type3A_96 = arith.sitofp %gather3A_95 : vector<16xi32> to vector<16xf32>
      %min3A_97 = arith.constant 1.000000e+00 : f32
      %min3A_98 = vector.broadcast %min3A_97 : f32 to vector<16xf32>
      %min3A_99 = arith.minimumf %convert_element_type3A_96, %min3A_98 : vector<16xf32>
      %sub3A_100 = arith.constant 1.000000e+00 : f32
      %sub3A_101 = vector.broadcast %sub3A_100 : f32 to vector<16xf32>
      %sub3A_102 = arith.subf %convert_element_type3A_96, %sub3A_101 : vector<16xf32>
      %max3A_103 = arith.constant 0.000000e+00 : f32
      %max3A_104 = vector.broadcast %max3A_103 : f32 to vector<16xf32>
      %max3A_105 = arith.maximumf %sub3A_102, %max3A_104 : vector<16xf32>
      %mul3A_106 = arith.constant 16 : i32
      %mul3A_107 = arith.muli %add3A_59, %mul3A_106 : i32
      %add3A_108 = arith.constant 2 : i32
      %add3A_109 = arith.addi %mul3A_107, %add3A_108 : i32
      %broadcast_in_dim3A_110 = vector.broadcast %add3A_109 : i32 to vector<16xi32>
      %gather3A_111 = tpu.vector_load_idx %arg6[%broadcast_in_dim3A_110] : memref<512xi32, #tpu.memory_space<vmem>>[vector<16xi32>], vector<16xi32>,
      %convert_element_type3A_112 = arith.sitofp %gather3A_111 : vector<16xi32> to vector<16xf32>
      %min3A_113 = arith.constant 1.000000e+00 : f32
      %min3A_114 = vector.broadcast %min3A_113 : f32 to vector<16xf32>
      %min3A_115 = arith.minimumf %convert_element_type3A_112, %min3A_114 : vector<16xf32>
      %sub3A_116 = arith.constant 1.000000e+00 : f32
      %sub3A_117 = vector.broadcast %sub3A_116 : f32 to vector<16xf32>
      %sub3A_118 = arith.subf %convert_element_type3A_112, %sub3A_117 : vector<16xf32>
      %max3A_119 = arith.constant 0.000000e+00 : f32
      %max3A_120 = vector.broadcast %max3A_119 : f32 to vector<16xf32>
      %max3A_121 = arith.maximumf %sub3A_118, %max3A_120 : vector<16xf32>
      %mul3A_122 = arith.constant 16 : i32
      %mul3A_123 = arith.muli %add3A_59, %mul3A_122 : i32
      %add3A_124 = arith.constant 3 : i32
      %add3A_125 = arith.addi %mul3A_123, %add3A_124 : i32
      %broadcast_in_dim3A_126 = vector.broadcast %add3A_125 : i32 to vector<16xi32>
      %gather3A_127 = tpu.vector_load_idx %arg6[%broadcast_in_dim3A_126] : memref<512xi32, #tpu.memory_space<vmem>>[vector<16xi32>], vector<16xi32>,
      %convert_element_type3A_128 = arith.sitofp %gather3A_127 : vector<16xi32> to vector<16xf32>
      %min3A_129 = arith.constant 1.000000e+00 : f32
      %min3A_130 = vector.broadcast %min3A_129 : f32 to vector<16xf32>
      %min3A_131 = arith.minimumf %convert_element_type3A_128, %min3A_130 : vector<16xf32>
      %sub3A_132 = arith.constant 1.000000e+00 : f32
      %sub3A_133 = vector.broadcast %sub3A_132 : f32 to vector<16xf32>
      %sub3A_134 = arith.subf %convert_element_type3A_128, %sub3A_133 : vector<16xf32>
      %max3A_135 = arith.constant 0.000000e+00 : f32
      %max3A_136 = vector.broadcast %max3A_135 : f32 to vector<16xf32>
      %max3A_137 = arith.maximumf %sub3A_134, %max3A_136 : vector<16xf32>
      %mul3A_138 = arith.constant 16 : i32
      %mul3A_139 = arith.muli %add3A_59, %mul3A_138 : i32
      %add3A_140 = arith.constant 4 : i32
      %add3A_141 = arith.addi %mul3A_139, %add3A_140 : i32
      %broadcast_in_dim3A_142 = vector.broadcast %add3A_141 : i32 to vector<16xi32>
      %gather3A_143 = tpu.vector_load_idx %arg6[%broadcast_in_dim3A_142] : memref<512xi32, #tpu.memory_space<vmem>>[vector<16xi32>], vector<16xi32>,
      %convert_element_type3A_144 = arith.sitofp %gather3A_143 : vector<16xi32> to vector<16xf32>
      %min3A_145 = arith.constant 1.000000e+00 : f32
      %min3A_146 = vector.broadcast %min3A_145 : f32 to vector<16xf32>
      %min3A_147 = arith.minimumf %convert_element_type3A_144, %min3A_146 : vector<16xf32>
      %sub3A_148 = arith.constant 1.000000e+00 : f32
      %sub3A_149 = vector.broadcast %sub3A_148 : f32 to vector<16xf32>
      %sub3A_150 = arith.subf %convert_element_type3A_144, %sub3A_149 : vector<16xf32>
      %max3A_151 = arith.constant 0.000000e+00 : f32
      %max3A_152 = vector.broadcast %max3A_151 : f32 to vector<16xf32>
      %max3A_153 = arith.maximumf %sub3A_150, %max3A_152 : vector<16xf32>
      %mul3A_154 = arith.constant 16 : i32
      %mul3A_155 = arith.muli %add3A_59, %mul3A_154 : i32
      %add3A_156 = arith.constant 5 : i32
      %add3A_157 = arith.addi %mul3A_155, %add3A_156 : i32
      %broadcast_in_dim3A_158 = vector.broadcast %add3A_157 : i32 to vector<16xi32>
      %gather3A_159 = tpu.vector_load_idx %arg6[%broadcast_in_dim3A_158] : memref<512xi32, #tpu.memory_space<vmem>>[vector<16xi32>], vector<16xi32>,
      %convert_element_type3A_160 = arith.sitofp %gather3A_159 : vector<16xi32> to vector<16xf32>
      %min3A_161 = arith.constant 1.000000e+00 : f32
      %min3A_162 = vector.broadcast %min3A_161 : f32 to vector<16xf32>
      %min3A_163 = arith.minimumf %convert_element_type3A_160, %min3A_162 : vector<16xf32>
      %sub3A_164 = arith.constant 1.000000e+00 : f32
      %sub3A_165 = vector.broadcast %sub3A_164 : f32 to vector<16xf32>
      %sub3A_166 = arith.subf %convert_element_type3A_160, %sub3A_165 : vector<16xf32>
      %max3A_167 = arith.constant 0.000000e+00 : f32
      %max3A_168 = vector.broadcast %max3A_167 : f32 to vector<16xf32>
      %max3A_169 = arith.maximumf %sub3A_166, %max3A_168 : vector<16xf32>
      %mul3A_170 = arith.constant 16 : i32
      %mul3A_171 = arith.muli %add3A_59, %mul3A_170 : i32
      %add3A_172 = arith.constant 6 : i32
      %add3A_173 = arith.addi %mul3A_171, %add3A_172 : i32
      %broadcast_in_dim3A_174 = vector.broadcast %add3A_173 : i32 to vector<16xi32>
      %gather3A_175 = tpu.vector_load_idx %arg6[%broadcast_in_dim3A_174] : memref<512xi32, #tpu.memory_space<vmem>>[vector<16xi32>], vector<16xi32>,
      %convert_element_type3A_176 = arith.sitofp %gather3A_175 : vector<16xi32> to vector<16xf32>
      %min3A_177 = arith.constant 1.000000e+00 : f32
      %min3A_178 = vector.broadcast %min3A_177 : f32 to vector<16xf32>
      %min3A_179 = arith.minimumf %convert_element_type3A_176, %min3A_178 : vector<16xf32>
      %sub3A_180 = arith.constant 1.000000e+00 : f32
      %sub3A_181 = vector.broadcast %sub3A_180 : f32 to vector<16xf32>
      %sub3A_182 = arith.subf %convert_element_type3A_176, %sub3A_181 : vector<16xf32>
      %max3A_183 = arith.constant 0.000000e+00 : f32
      %max3A_184 = vector.broadcast %max3A_183 : f32 to vector<16xf32>
      %max3A_185 = arith.maximumf %sub3A_182, %max3A_184 : vector<16xf32>
      %mul3A_186 = arith.constant 16 : i32
      %mul3A_187 = arith.muli %add3A_59, %mul3A_186 : i32
      %add3A_188 = arith.constant 7 : i32
      %add3A_189 = arith.addi %mul3A_187, %add3A_188 : i32
      %broadcast_in_dim3A_190 = vector.broadcast %add3A_189 : i32 to vector<16xi32>
      %gather3A_191 = tpu.vector_load_idx %arg6[%broadcast_in_dim3A_190] : memref<512xi32, #tpu.memory_space<vmem>>[vector<16xi32>], vector<16xi32>,
      %convert_element_type3A_192 = arith.sitofp %gather3A_191 : vector<16xi32> to vector<16xf32>
      %min3A_193 = arith.constant 1.000000e+00 : f32
      %min3A_194 = vector.broadcast %min3A_193 : f32 to vector<16xf32>
      %min3A_195 = arith.minimumf %convert_element_type3A_192, %min3A_194 : vector<16xf32>
      %sub3A_196 = arith.constant 1.000000e+00 : f32
      %sub3A_197 = vector.broadcast %sub3A_196 : f32 to vector<16xf32>
      %sub3A_198 = arith.subf %convert_element_type3A_192, %sub3A_197 : vector<16xf32>
      %max3A_199 = arith.constant 0.000000e+00 : f32
      %max3A_200 = vector.broadcast %max3A_199 : f32 to vector<16xf32>
      %max3A_201 = arith.maximumf %sub3A_198, %max3A_200 : vector<16xf32>
      %mul3A_202 = arith.constant 16 : i32
      %mul3A_203 = arith.muli %add3A_59, %mul3A_202 : i32
      %add3A_204 = arith.constant 8 : i32
      %add3A_205 = arith.addi %mul3A_203, %add3A_204 : i32
      %broadcast_in_dim3A_206 = vector.broadcast %add3A_205 : i32 to vector<16xi32>
      %gather3A_207 = tpu.vector_load_idx %arg6[%broadcast_in_dim3A_206] : memref<512xi32, #tpu.memory_space<vmem>>[vector<16xi32>], vector<16xi32>,
      %convert_element_type3A_208 = arith.sitofp %gather3A_207 : vector<16xi32> to vector<16xf32>
      %min3A_209 = arith.constant 1.000000e+00 : f32
      %min3A_210 = vector.broadcast %min3A_209 : f32 to vector<16xf32>
      %min3A_211 = arith.minimumf %convert_element_type3A_208, %min3A_210 : vector<16xf32>
      %sub3A_212 = arith.constant 1.000000e+00 : f32
      %sub3A_213 = vector.broadcast %sub3A_212 : f32 to vector<16xf32>
      %sub3A_214 = arith.subf %convert_element_type3A_208, %sub3A_213 : vector<16xf32>
      %max3A_215 = arith.constant 0.000000e+00 : f32
      %max3A_216 = vector.broadcast %max3A_215 : f32 to vector<16xf32>
      %max3A_217 = arith.maximumf %sub3A_214, %max3A_216 : vector<16xf32>
      %mul3A_218 = arith.constant 16 : i32
      %mul3A_219 = arith.muli %add3A_59, %mul3A_218 : i32
      %add3A_220 = arith.constant 9 : i32
      %add3A_221 = arith.addi %mul3A_219, %add3A_220 : i32
      %broadcast_in_dim3A_222 = vector.broadcast %add3A_221 : i32 to vector<16xi32>
      %gather3A_223 = tpu.vector_load_idx %arg6[%broadcast_in_dim3A_222] : memref<512xi32, #tpu.memory_space<vmem>>[vector<16xi32>], vector<16xi32>,
      %convert_element_type3A_224 = arith.sitofp %gather3A_223 : vector<16xi32> to vector<16xf32>
      %min3A_225 = arith.constant 1.000000e+00 : f32
      %min3A_226 = vector.broadcast %min3A_225 : f32 to vector<16xf32>
      %min3A_227 = arith.minimumf %convert_element_type3A_224, %min3A_226 : vector<16xf32>
      %sub3A_228 = arith.constant 1.000000e+00 : f32
      %sub3A_229 = vector.broadcast %sub3A_228 : f32 to vector<16xf32>
      %sub3A_230 = arith.subf %convert_element_type3A_224, %sub3A_229 : vector<16xf32>
      %max3A_231 = arith.constant 0.000000e+00 : f32
      %max3A_232 = vector.broadcast %max3A_231 : f32 to vector<16xf32>
      %max3A_233 = arith.maximumf %sub3A_230, %max3A_232 : vector<16xf32>
      %mul3A_234 = arith.constant 16 : i32
      %mul3A_235 = arith.muli %add3A_59, %mul3A_234 : i32
      %add3A_236 = arith.constant 10 : i32
      %add3A_237 = arith.addi %mul3A_235, %add3A_236 : i32
      %broadcast_in_dim3A_238 = vector.broadcast %add3A_237 : i32 to vector<16xi32>
      %gather3A_239 = tpu.vector_load_idx %arg6[%broadcast_in_dim3A_238] : memref<512xi32, #tpu.memory_space<vmem>>[vector<16xi32>], vector<16xi32>,
      %convert_element_type3A_240 = arith.sitofp %gather3A_239 : vector<16xi32> to vector<16xf32>
      %min3A_241 = arith.constant 1.000000e+00 : f32
      %min3A_242 = vector.broadcast %min3A_241 : f32 to vector<16xf32>
      %min3A_243 = arith.minimumf %convert_element_type3A_240, %min3A_242 : vector<16xf32>
      %sub3A_244 = arith.constant 1.000000e+00 : f32
      %sub3A_245 = vector.broadcast %sub3A_244 : f32 to vector<16xf32>
      %sub3A_246 = arith.subf %convert_element_type3A_240, %sub3A_245 : vector<16xf32>
      %max3A_247 = arith.constant 0.000000e+00 : f32
      %max3A_248 = vector.broadcast %max3A_247 : f32 to vector<16xf32>
      %max3A_249 = arith.maximumf %sub3A_246, %max3A_248 : vector<16xf32>
      %mul3A_250 = arith.constant 16 : i32
      %mul3A_251 = arith.muli %add3A_59, %mul3A_250 : i32
      %add3A_252 = arith.constant 11 : i32
      %add3A_253 = arith.addi %mul3A_251, %add3A_252 : i32
      %broadcast_in_dim3A_254 = vector.broadcast %add3A_253 : i32 to vector<16xi32>
      %gather3A_255 = tpu.vector_load_idx %arg6[%broadcast_in_dim3A_254] : memref<512xi32, #tpu.memory_space<vmem>>[vector<16xi32>], vector<16xi32>,
      %convert_element_type3A_256 = arith.sitofp %gather3A_255 : vector<16xi32> to vector<16xf32>
      %min3A_257 = arith.constant 1.000000e+00 : f32
      %min3A_258 = vector.broadcast %min3A_257 : f32 to vector<16xf32>
      %min3A_259 = arith.minimumf %convert_element_type3A_256, %min3A_258 : vector<16xf32>
      %sub3A_260 = arith.constant 1.000000e+00 : f32
      %sub3A_261 = vector.broadcast %sub3A_260 : f32 to vector<16xf32>
      %sub3A_262 = arith.subf %convert_element_type3A_256, %sub3A_261 : vector<16xf32>
      %max3A_263 = arith.constant 0.000000e+00 : f32
      %max3A_264 = vector.broadcast %max3A_263 : f32 to vector<16xf32>
      %max3A_265 = arith.maximumf %sub3A_262, %max3A_264 : vector<16xf32>
      %mul3A_266 = arith.constant 16 : i32
      %mul3A_267 = arith.muli %add3A_59, %mul3A_266 : i32
      %add3A_268 = arith.constant 12 : i32
      %add3A_269 = arith.addi %mul3A_267, %add3A_268 : i32
      %broadcast_in_dim3A_270 = vector.broadcast %add3A_269 : i32 to vector<16xi32>
      %gather3A_271 = tpu.vector_load_idx %arg6[%broadcast_in_dim3A_270] : memref<512xi32, #tpu.memory_space<vmem>>[vector<16xi32>], vector<16xi32>,
      %convert_element_type3A_272 = arith.sitofp %gather3A_271 : vector<16xi32> to vector<16xf32>
      %min3A_273 = arith.constant 1.000000e+00 : f32
      %min3A_274 = vector.broadcast %min3A_273 : f32 to vector<16xf32>
      %min3A_275 = arith.minimumf %convert_element_type3A_272, %min3A_274 : vector<16xf32>
      %sub3A_276 = arith.constant 1.000000e+00 : f32
      %sub3A_277 = vector.broadcast %sub3A_276 : f32 to vector<16xf32>
      %sub3A_278 = arith.subf %convert_element_type3A_272, %sub3A_277 : vector<16xf32>
      %max3A_279 = arith.constant 0.000000e+00 : f32
      %max3A_280 = vector.broadcast %max3A_279 : f32 to vector<16xf32>
      %max3A_281 = arith.maximumf %sub3A_278, %max3A_280 : vector<16xf32>
      %mul3A_282 = arith.constant 16 : i32
      %mul3A_283 = arith.muli %add3A_59, %mul3A_282 : i32
      %add3A_284 = arith.constant 13 : i32
      %add3A_285 = arith.addi %mul3A_283, %add3A_284 : i32
      %broadcast_in_dim3A_286 = vector.broadcast %add3A_285 : i32 to vector<16xi32>
      %gather3A_287 = tpu.vector_load_idx %arg6[%broadcast_in_dim3A_286] : memref<512xi32, #tpu.memory_space<vmem>>[vector<16xi32>], vector<16xi32>,
      %convert_element_type3A_288 = arith.sitofp %gather3A_287 : vector<16xi32> to vector<16xf32>
      %min3A_289 = arith.constant 1.000000e+00 : f32
      %min3A_290 = vector.broadcast %min3A_289 : f32 to vector<16xf32>
      %min3A_291 = arith.minimumf %convert_element_type3A_288, %min3A_290 : vector<16xf32>
      %sub3A_292 = arith.constant 1.000000e+00 : f32
      %sub3A_293 = vector.broadcast %sub3A_292 : f32 to vector<16xf32>
      %sub3A_294 = arith.subf %convert_element_type3A_288, %sub3A_293 : vector<16xf32>
      %max3A_295 = arith.constant 0.000000e+00 : f32
      %max3A_296 = vector.broadcast %max3A_295 : f32 to vector<16xf32>
      %max3A_297 = arith.maximumf %sub3A_294, %max3A_296 : vector<16xf32>
      %mul3A_298 = arith.constant 16 : i32
      %mul3A_299 = arith.muli %add3A_59, %mul3A_298 : i32
      %add3A_300 = arith.constant 14 : i32
      %add3A_301 = arith.addi %mul3A_299, %add3A_300 : i32
      %broadcast_in_dim3A_302 = vector.broadcast %add3A_301 : i32 to vector<16xi32>
      %gather3A_303 = tpu.vector_load_idx %arg6[%broadcast_in_dim3A_302] : memref<512xi32, #tpu.memory_space<vmem>>[vector<16xi32>], vector<16xi32>,
      %convert_element_type3A_304 = arith.sitofp %gather3A_303 : vector<16xi32> to vector<16xf32>
      %min3A_305 = arith.constant 1.000000e+00 : f32
      %min3A_306 = vector.broadcast %min3A_305 : f32 to vector<16xf32>
      %min3A_307 = arith.minimumf %convert_element_type3A_304, %min3A_306 : vector<16xf32>
      %sub3A_308 = arith.constant 1.000000e+00 : f32
      %sub3A_309 = vector.broadcast %sub3A_308 : f32 to vector<16xf32>
      %sub3A_310 = arith.subf %convert_element_type3A_304, %sub3A_309 : vector<16xf32>
      %max3A_311 = arith.constant 0.000000e+00 : f32
      %max3A_312 = vector.broadcast %max3A_311 : f32 to vector<16xf32>
      %max3A_313 = arith.maximumf %sub3A_310, %max3A_312 : vector<16xf32>
      %mul3A_314 = arith.constant 16 : i32
      %mul3A_315 = arith.muli %add3A_59, %mul3A_314 : i32
      %add3A_316 = arith.constant 15 : i32
      %add3A_317 = arith.addi %mul3A_315, %add3A_316 : i32
      %broadcast_in_dim3A_318 = vector.broadcast %add3A_317 : i32 to vector<16xi32>
      %gather3A_319 = tpu.vector_load_idx %arg6[%broadcast_in_dim3A_318] : memref<512xi32, #tpu.memory_space<vmem>>[vector<16xi32>], vector<16xi32>,
      %convert_element_type3A_320 = arith.sitofp %gather3A_319 : vector<16xi32> to vector<16xf32>
      %min3A_321 = arith.constant 1.000000e+00 : f32
      %min3A_322 = vector.broadcast %min3A_321 : f32 to vector<16xf32>
      %min3A_323 = arith.minimumf %convert_element_type3A_320, %min3A_322 : vector<16xf32>
      %sub3A_324 = arith.constant 1.000000e+00 : f32
      %sub3A_325 = vector.broadcast %sub3A_324 : f32 to vector<16xf32>
      %sub3A_326 = arith.subf %convert_element_type3A_320, %sub3A_325 : vector<16xf32>
      %max3A_327 = arith.constant 0.000000e+00 : f32
      %max3A_328 = vector.broadcast %max3A_327 : f32 to vector<16xf32>
      %max3A_329 = arith.maximumf %sub3A_326, %max3A_328 : vector<16xf32>
      %scan3A_330 = arith.constant 0 : i32
      %scan3A_331 = arith.constant 0 : i32
      %scan3A_332 = arith.constant 16 : i32
      %scan3A_333 = arith.addi %scan3A_331, %scan3A_332 : i32
      %scan3A_334 = arith.constant 1 : i32
      scf.for %scan3A_656 = %scan3A_331 to %scan3A_333 step %scan3A_334  : i32 {
        %mul3A_657 = arith.constant 4 : i32
        %mul3A_658 = arith.muli %scan3A_656, %mul3A_657 : i32
        %add3A_659 = arith.constant 0 : i32
        %add3A_660 = arith.addi %mul3A_658, %add3A_659 : i32
        %mul3A_661 = arith.constant 16 : i32
        %mul3A_662 = arith.muli %add3A_660, %mul3A_661 : i32
        %get3A = arith.index_cast %mul3A_662 : i32 to index
        %get3A_663 = tpu.vector_load %arg8[%get3A] {strides = array<i32>} : memref<3072xf32, #tpu.memory_space<vmem>>, vector<16xf32>,
        %mul3A_664 = arith.constant 16 : i32
        %mul3A_665 = arith.muli %add3A_660, %mul3A_664 : i32
        %add3A_666 = arith.constant 1024 : i32
        %add3A_667 = arith.addi %add3A_666, %mul3A_665 : i32
        %get3A_668 = arith.index_cast %add3A_667 : i32 to index
        %get3A_669 = tpu.vector_load %arg8[%get3A_668] {strides = array<i32>} : memref<3072xf32, #tpu.memory_space<vmem>>, vector<16xf32>,
        %mul3A_670 = arith.constant 16 : i32
        %mul3A_671 = arith.muli %add3A_660, %mul3A_670 : i32
        %add3A_672 = arith.constant 2048 : i32
        %add3A_673 = arith.addi %add3A_672, %mul3A_671 : i32
        %get3A_674 = arith.index_cast %add3A_673 : i32 to index
        %get3A_675 = tpu.vector_load %arg8[%get3A_674] {strides = array<i32>} : memref<3072xf32, #tpu.memory_space<vmem>>, vector<16xf32>,
        %sub3A_676 = arith.subf %get3A_669, %get3A_663 : vector<16xf32>
        %sub3A_677 = arith.subf %get3A_675, %get3A_669 : vector<16xf32>
        %mul3A_678 = arith.mulf %min3A_85, %sub3A_676 : vector<16xf32>
        %add3A_679 = arith.addf %get3A_663, %mul3A_678 : vector<16xf32>
        %mul3A_680 = arith.mulf %max3A_89, %sub3A_677 : vector<16xf32>
        %add3A_681 = arith.addf %add3A_679, %mul3A_680 : vector<16xf32>
        %mul3A_682 = arith.constant 16 : i32
        %mul3A_683 = arith.muli %add3A_660, %mul3A_682 : i32
        %swap3A = arith.constant 0 : i32
        %swap3A_684 = arith.constant 0 : i32
        %swap3A_685 = arith.index_cast %swap3A : i32 to index
        %swap3A_686 = arith.index_cast %swap3A_684 : i32 to index
        %swap3A_687 = arith.index_cast %mul3A_683 : i32 to index
        %swap3A_688 = tpu.vector_load %arg7[%swap3A_685, %swap3A_686, %swap3A_687] {strides = array<i32>} : memref<2x16x1024xf32, #tpu.memory_space<vmem>>, vector<16xf32>,
        tpu.vector_store %arg7[%swap3A_685, %swap3A_686, %swap3A_687], %add3A_681 {add = true, strides = array<i32>} : memref<2x16x1024xf32, #tpu.memory_space<vmem>>, vector<16xf32>,
        %mul3A_689 = arith.mulf %min3A_99, %sub3A_676 : vector<16xf32>
        %add3A_690 = arith.addf %get3A_663, %mul3A_689 : vector<16xf32>
        %mul3A_691 = arith.mulf %max3A_105, %sub3A_677 : vector<16xf32>
        %add3A_692 = arith.addf %add3A_690, %mul3A_691 : vector<16xf32>
        %mul3A_693 = arith.constant 16 : i32
        %mul3A_694 = arith.muli %add3A_660, %mul3A_693 : i32
        %swap3A_695 = arith.constant 0 : i32
        %swap3A_696 = arith.constant 1 : i32
        %swap3A_697 = arith.index_cast %swap3A_695 : i32 to index
        %swap3A_698 = arith.index_cast %swap3A_696 : i32 to index
        %swap3A_699 = arith.index_cast %mul3A_694 : i32 to index
        %swap3A_700 = tpu.vector_load %arg7[%swap3A_697, %swap3A_698, %swap3A_699] {strides = array<i32>} : memref<2x16x1024xf32, #tpu.memory_space<vmem>>, vector<16xf32>,
        tpu.vector_store %arg7[%swap3A_697, %swap3A_698, %swap3A_699], %add3A_692 {add = true, strides = array<i32>} : memref<2x16x1024xf32, #tpu.memory_space<vmem>>, vector<16xf32>,
        %mul3A_701 = arith.mulf %min3A_115, %sub3A_676 : vector<16xf32>
        %add3A_702 = arith.addf %get3A_663, %mul3A_701 : vector<16xf32>
        %mul3A_703 = arith.mulf %max3A_121, %sub3A_677 : vector<16xf32>
        %add3A_704 = arith.addf %add3A_702, %mul3A_703 : vector<16xf32>
        %mul3A_705 = arith.constant 16 : i32
        %mul3A_706 = arith.muli %add3A_660, %mul3A_705 : i32
        %swap3A_707 = arith.constant 0 : i32
        %swap3A_708 = arith.constant 2 : i32
        %swap3A_709 = arith.index_cast %swap3A_707 : i32 to index
        %swap3A_710 = arith.index_cast %swap3A_708 : i32 to index
        %swap3A_711 = arith.index_cast %mul3A_706 : i32 to index
        %swap3A_712 = tpu.vector_load %arg7[%swap3A_709, %swap3A_710, %swap3A_711] {strides = array<i32>} : memref<2x16x1024xf32, #tpu.memory_space<vmem>>, vector<16xf32>,
        tpu.vector_store %arg7[%swap3A_709, %swap3A_710, %swap3A_711], %add3A_704 {add = true, strides = array<i32>} : memref<2x16x1024xf32, #tpu.memory_space<vmem>>, vector<16xf32>,
        %mul3A_713 = arith.mulf %min3A_131, %sub3A_676 : vector<16xf32>
        %add3A_714 = arith.addf %get3A_663, %mul3A_713 : vector<16xf32>
        %mul3A_715 = arith.mulf %max3A_137, %sub3A_677 : vector<16xf32>
        %add3A_716 = arith.addf %add3A_714, %mul3A_715 : vector<16xf32>
        %mul3A_717 = arith.constant 16 : i32
        %mul3A_718 = arith.muli %add3A_660, %mul3A_717 : i32
        %swap3A_719 = arith.constant 0 : i32
        %swap3A_720 = arith.constant 3 : i32
        %swap3A_721 = arith.index_cast %swap3A_719 : i32 to index
        %swap3A_722 = arith.index_cast %swap3A_720 : i32 to index
        %swap3A_723 = arith.index_cast %mul3A_718 : i32 to index
        %swap3A_724 = tpu.vector_load %arg7[%swap3A_721, %swap3A_722, %swap3A_723] {strides = array<i32>} : memref<2x16x1024xf32, #tpu.memory_space<vmem>>, vector<16xf32>,
        tpu.vector_store %arg7[%swap3A_721, %swap3A_722, %swap3A_723], %add3A_716 {add = true, strides = array<i32>} : memref<2x16x1024xf32, #tpu.memory_space<vmem>>, vector<16xf32>,
        %mul3A_725 = arith.mulf %min3A_147, %sub3A_676 : vector<16xf32>
        %add3A_726 = arith.addf %get3A_663, %mul3A_725 : vector<16xf32>
        %mul3A_727 = arith.mulf %max3A_153, %sub3A_677 : vector<16xf32>
        %add3A_728 = arith.addf %add3A_726, %mul3A_727 : vector<16xf32>
        %mul3A_729 = arith.constant 16 : i32
        %mul3A_730 = arith.muli %add3A_660, %mul3A_729 : i32
        %swap3A_731 = arith.constant 0 : i32
        %swap3A_732 = arith.constant 4 : i32
        %swap3A_733 = arith.index_cast %swap3A_731 : i32 to index
        %swap3A_734 = arith.index_cast %swap3A_732 : i32 to index
        %swap3A_735 = arith.index_cast %mul3A_730 : i32 to index
        %swap3A_736 = tpu.vector_load %arg7[%swap3A_733, %swap3A_734, %swap3A_735] {strides = array<i32>} : memref<2x16x1024xf32, #tpu.memory_space<vmem>>, vector<16xf32>,
        tpu.vector_store %arg7[%swap3A_733, %swap3A_734, %swap3A_735], %add3A_728 {add = true, strides = array<i32>} : memref<2x16x1024xf32, #tpu.memory_space<vmem>>, vector<16xf32>,
        %mul3A_737 = arith.mulf %min3A_163, %sub3A_676 : vector<16xf32>
        %add3A_738 = arith.addf %get3A_663, %mul3A_737 : vector<16xf32>
        %mul3A_739 = arith.mulf %max3A_169, %sub3A_677 : vector<16xf32>
        %add3A_740 = arith.addf %add3A_738, %mul3A_739 : vector<16xf32>
        %mul3A_741 = arith.constant 16 : i32
        %mul3A_742 = arith.muli %add3A_660, %mul3A_741 : i32
        %swap3A_743 = arith.constant 0 : i32
        %swap3A_744 = arith.constant 5 : i32
        %swap3A_745 = arith.index_cast %swap3A_743 : i32 to index
        %swap3A_746 = arith.index_cast %swap3A_744 : i32 to index
        %swap3A_747 = arith.index_cast %mul3A_742 : i32 to index
        %swap3A_748 = tpu.vector_load %arg7[%swap3A_745, %swap3A_746, %swap3A_747] {strides = array<i32>} : memref<2x16x1024xf32, #tpu.memory_space<vmem>>, vector<16xf32>,
        tpu.vector_store %arg7[%swap3A_745, %swap3A_746, %swap3A_747], %add3A_740 {add = true, strides = array<i32>} : memref<2x16x1024xf32, #tpu.memory_space<vmem>>, vector<16xf32>,
        %mul3A_749 = arith.mulf %min3A_179, %sub3A_676 : vector<16xf32>
        %add3A_750 = arith.addf %get3A_663, %mul3A_749 : vector<16xf32>
        %mul3A_751 = arith.mulf %max3A_185, %sub3A_677 : vector<16xf32>
        %add3A_752 = arith.addf %add3A_750, %mul3A_751 : vector<16xf32>
        %mul3A_753 = arith.constant 16 : i32
        %mul3A_754 = arith.muli %add3A_660, %mul3A_753 : i32
        %swap3A_755 = arith.constant 0 : i32
        %swap3A_756 = arith.constant 6 : i32
        %swap3A_757 = arith.index_cast %swap3A_755 : i32 to index
        %swap3A_758 = arith.index_cast %swap3A_756 : i32 to index
        %swap3A_759 = arith.index_cast %mul3A_754 : i32 to index
        %swap3A_760 = tpu.vector_load %arg7[%swap3A_757, %swap3A_758, %swap3A_759] {strides = array<i32>} : memref<2x16x1024xf32, #tpu.memory_space<vmem>>, vector<16xf32>,
        tpu.vector_store %arg7[%swap3A_757, %swap3A_758, %swap3A_759], %add3A_752 {add = true, strides = array<i32>} : memref<2x16x1024xf32, #tpu.memory_space<vmem>>, vector<16xf32>,
        %mul3A_761 = arith.mulf %min3A_195, %sub3A_676 : vector<16xf32>
        %add3A_762 = arith.addf %get3A_663, %mul3A_761 : vector<16xf32>
        %mul3A_763 = arith.mulf %max3A_201, %sub3A_677 : vector<16xf32>
        %add3A_764 = arith.addf %add3A_762, %mul3A_763 : vector<16xf32>
        %mul3A_765 = arith.constant 16 : i32
        %mul3A_766 = arith.muli %add3A_660, %mul3A_765 : i32
        %swap3A_767 = arith.constant 0 : i32
        %swap3A_768 = arith.constant 7 : i32
        %swap3A_769 = arith.index_cast %swap3A_767 : i32 to index
        %swap3A_770 = arith.index_cast %swap3A_768 : i32 to index
        %swap3A_771 = arith.index_cast %mul3A_766 : i32 to index
        %swap3A_772 = tpu.vector_load %arg7[%swap3A_769, %swap3A_770, %swap3A_771] {strides = array<i32>} : memref<2x16x1024xf32, #tpu.memory_space<vmem>>, vector<16xf32>,
        tpu.vector_store %arg7[%swap3A_769, %swap3A_770, %swap3A_771], %add3A_764 {add = true, strides = array<i32>} : memref<2x16x1024xf32, #tpu.memory_space<vmem>>, vector<16xf32>,
        %mul3A_773 = arith.mulf %min3A_211, %sub3A_676 : vector<16xf32>
        %add3A_774 = arith.addf %get3A_663, %mul3A_773 : vector<16xf32>
        %mul3A_775 = arith.mulf %max3A_217, %sub3A_677 : vector<16xf32>
        %add3A_776 = arith.addf %add3A_774, %mul3A_775 : vector<16xf32>
        %mul3A_777 = arith.constant 16 : i32
        %mul3A_778 = arith.muli %add3A_660, %mul3A_777 : i32
        %swap3A_779 = arith.constant 0 : i32
        %swap3A_780 = arith.constant 8 : i32
        %swap3A_781 = arith.index_cast %swap3A_779 : i32 to index
        %swap3A_782 = arith.index_cast %swap3A_780 : i32 to index
        %swap3A_783 = arith.index_cast %mul3A_778 : i32 to index
        %swap3A_784 = tpu.vector_load %arg7[%swap3A_781, %swap3A_782, %swap3A_783] {strides = array<i32>} : memref<2x16x1024xf32, #tpu.memory_space<vmem>>, vector<16xf32>,
        tpu.vector_store %arg7[%swap3A_781, %swap3A_782, %swap3A_783], %add3A_776 {add = true, strides = array<i32>} : memref<2x16x1024xf32, #tpu.memory_space<vmem>>, vector<16xf32>,
        %mul3A_785 = arith.mulf %min3A_227, %sub3A_676 : vector<16xf32>
        %add3A_786 = arith.addf %get3A_663, %mul3A_785 : vector<16xf32>
        %mul3A_787 = arith.mulf %max3A_233, %sub3A_677 : vector<16xf32>
        %add3A_788 = arith.addf %add3A_786, %mul3A_787 : vector<16xf32>
        %mul3A_789 = arith.constant 16 : i32
        %mul3A_790 = arith.muli %add3A_660, %mul3A_789 : i32
        %swap3A_791 = arith.constant 0 : i32
        %swap3A_792 = arith.constant 9 : i32
        %swap3A_793 = arith.index_cast %swap3A_791 : i32 to index
        %swap3A_794 = arith.index_cast %swap3A_792 : i32 to index
        %swap3A_795 = arith.index_cast %mul3A_790 : i32 to index
        %swap3A_796 = tpu.vector_load %arg7[%swap3A_793, %swap3A_794, %swap3A_795] {strides = array<i32>} : memref<2x16x1024xf32, #tpu.memory_space<vmem>>, vector<16xf32>,
        tpu.vector_store %arg7[%swap3A_793, %swap3A_794, %swap3A_795], %add3A_788 {add = true, strides = array<i32>} : memref<2x16x1024xf32, #tpu.memory_space<vmem>>, vector<16xf32>,
        %mul3A_797 = arith.mulf %min3A_243, %sub3A_676 : vector<16xf32>
        %add3A_798 = arith.addf %get3A_663, %mul3A_797 : vector<16xf32>
        %mul3A_799 = arith.mulf %max3A_249, %sub3A_677 : vector<16xf32>
        %add3A_800 = arith.addf %add3A_798, %mul3A_799 : vector<16xf32>
        %mul3A_801 = arith.constant 16 : i32
        %mul3A_802 = arith.muli %add3A_660, %mul3A_801 : i32
        %swap3A_803 = arith.constant 0 : i32
        %swap3A_804 = arith.constant 10 : i32
        %swap3A_805 = arith.index_cast %swap3A_803 : i32 to index
        %swap3A_806 = arith.index_cast %swap3A_804 : i32 to index
        %swap3A_807 = arith.index_cast %mul3A_802 : i32 to index
        %swap3A_808 = tpu.vector_load %arg7[%swap3A_805, %swap3A_806, %swap3A_807] {strides = array<i32>} : memref<2x16x1024xf32, #tpu.memory_space<vmem>>, vector<16xf32>,
        tpu.vector_store %arg7[%swap3A_805, %swap3A_806, %swap3A_807], %add3A_800 {add = true, strides = array<i32>} : memref<2x16x1024xf32, #tpu.memory_space<vmem>>, vector<16xf32>,
        %mul3A_809 = arith.mulf %min3A_259, %sub3A_676 : vector<16xf32>
        %add3A_810 = arith.addf %get3A_663, %mul3A_809 : vector<16xf32>
        %mul3A_811 = arith.mulf %max3A_265, %sub3A_677 : vector<16xf32>
        %add3A_812 = arith.addf %add3A_810, %mul3A_811 : vector<16xf32>
        %mul3A_813 = arith.constant 16 : i32
        %mul3A_814 = arith.muli %add3A_660, %mul3A_813 : i32
        %swap3A_815 = arith.constant 0 : i32
        %swap3A_816 = arith.constant 11 : i32
        %swap3A_817 = arith.index_cast %swap3A_815 : i32 to index
        %swap3A_818 = arith.index_cast %swap3A_816 : i32 to index
        %swap3A_819 = arith.index_cast %mul3A_814 : i32 to index
        %swap3A_820 = tpu.vector_load %arg7[%swap3A_817, %swap3A_818, %swap3A_819] {strides = array<i32>} : memref<2x16x1024xf32, #tpu.memory_space<vmem>>, vector<16xf32>,
        tpu.vector_store %arg7[%swap3A_817, %swap3A_818, %swap3A_819], %add3A_812 {add = true, strides = array<i32>} : memref<2x16x1024xf32, #tpu.memory_space<vmem>>, vector<16xf32>,
        %mul3A_821 = arith.mulf %min3A_275, %sub3A_676 : vector<16xf32>
        %add3A_822 = arith.addf %get3A_663, %mul3A_821 : vector<16xf32>
        %mul3A_823 = arith.mulf %max3A_281, %sub3A_677 : vector<16xf32>
        %add3A_824 = arith.addf %add3A_822, %mul3A_823 : vector<16xf32>
        %mul3A_825 = arith.constant 16 : i32
        %mul3A_826 = arith.muli %add3A_660, %mul3A_825 : i32
        %swap3A_827 = arith.constant 0 : i32
        %swap3A_828 = arith.constant 12 : i32
        %swap3A_829 = arith.index_cast %swap3A_827 : i32 to index
        %swap3A_830 = arith.index_cast %swap3A_828 : i32 to index
        %swap3A_831 = arith.index_cast %mul3A_826 : i32 to index
        %swap3A_832 = tpu.vector_load %arg7[%swap3A_829, %swap3A_830, %swap3A_831] {strides = array<i32>} : memref<2x16x1024xf32, #tpu.memory_space<vmem>>, vector<16xf32>,
        tpu.vector_store %arg7[%swap3A_829, %swap3A_830, %swap3A_831], %add3A_824 {add = true, strides = array<i32>} : memref<2x16x1024xf32, #tpu.memory_space<vmem>>, vector<16xf32>,
        %mul3A_833 = arith.mulf %min3A_291, %sub3A_676 : vector<16xf32>
        %add3A_834 = arith.addf %get3A_663, %mul3A_833 : vector<16xf32>
        %mul3A_835 = arith.mulf %max3A_297, %sub3A_677 : vector<16xf32>
        %add3A_836 = arith.addf %add3A_834, %mul3A_835 : vector<16xf32>
        %mul3A_837 = arith.constant 16 : i32
        %mul3A_838 = arith.muli %add3A_660, %mul3A_837 : i32
        %swap3A_839 = arith.constant 0 : i32
        %swap3A_840 = arith.constant 13 : i32
        %swap3A_841 = arith.index_cast %swap3A_839 : i32 to index
        %swap3A_842 = arith.index_cast %swap3A_840 : i32 to index
        %swap3A_843 = arith.index_cast %mul3A_838 : i32 to index
        %swap3A_844 = tpu.vector_load %arg7[%swap3A_841, %swap3A_842, %swap3A_843] {strides = array<i32>} : memref<2x16x1024xf32, #tpu.memory_space<vmem>>, vector<16xf32>,
        tpu.vector_store %arg7[%swap3A_841, %swap3A_842, %swap3A_843], %add3A_836 {add = true, strides = array<i32>} : memref<2x16x1024xf32, #tpu.memory_space<vmem>>, vector<16xf32>,
        %mul3A_845 = arith.mulf %min3A_307, %sub3A_676 : vector<16xf32>
        %add3A_846 = arith.addf %get3A_663, %mul3A_845 : vector<16xf32>
        %mul3A_847 = arith.mulf %max3A_313, %sub3A_677 : vector<16xf32>
        %add3A_848 = arith.addf %add3A_846, %mul3A_847 : vector<16xf32>
        %mul3A_849 = arith.constant 16 : i32
        %mul3A_850 = arith.muli %add3A_660, %mul3A_849 : i32
        %swap3A_851 = arith.constant 0 : i32
        %swap3A_852 = arith.constant 14 : i32
        %swap3A_853 = arith.index_cast %swap3A_851 : i32 to index
        %swap3A_854 = arith.index_cast %swap3A_852 : i32 to index
        %swap3A_855 = arith.index_cast %mul3A_850 : i32 to index
        %swap3A_856 = tpu.vector_load %arg7[%swap3A_853, %swap3A_854, %swap3A_855] {strides = array<i32>} : memref<2x16x1024xf32, #tpu.memory_space<vmem>>, vector<16xf32>,
        tpu.vector_store %arg7[%swap3A_853, %swap3A_854, %swap3A_855], %add3A_848 {add = true, strides = array<i32>} : memref<2x16x1024xf32, #tpu.memory_space<vmem>>, vector<16xf32>,
        %mul3A_857 = arith.mulf %min3A_323, %sub3A_676 : vector<16xf32>
        %add3A_858 = arith.addf %get3A_663, %mul3A_857 : vector<16xf32>
        %mul3A_859 = arith.mulf %max3A_329, %sub3A_677 : vector<16xf32>
        %add3A_860 = arith.addf %add3A_858, %mul3A_859 : vector<16xf32>
        %mul3A_861 = arith.constant 16 : i32
        %mul3A_862 = arith.muli %add3A_660, %mul3A_861 : i32
        %swap3A_863 = arith.constant 0 : i32
        %swap3A_864 = arith.constant 15 : i32
        %swap3A_865 = arith.index_cast %swap3A_863 : i32 to index
        %swap3A_866 = arith.index_cast %swap3A_864 : i32 to index
        %swap3A_867 = arith.index_cast %mul3A_862 : i32 to index
        %swap3A_868 = tpu.vector_load %arg7[%swap3A_865, %swap3A_866, %swap3A_867] {strides = array<i32>} : memref<2x16x1024xf32, #tpu.memory_space<vmem>>, vector<16xf32>,
        tpu.vector_store %arg7[%swap3A_865, %swap3A_866, %swap3A_867], %add3A_860 {add = true, strides = array<i32>} : memref<2x16x1024xf32, #tpu.memory_space<vmem>>, vector<16xf32>,
        %mul3A_869 = arith.constant 4 : i32
        %mul3A_870 = arith.muli %scan3A_656, %mul3A_869 : i32
        %add3A_871 = arith.constant 1 : i32
        %add3A_872 = arith.addi %mul3A_870, %add3A_871 : i32
        %mul3A_873 = arith.constant 16 : i32
        %mul3A_874 = arith.muli %add3A_872, %mul3A_873 : i32
        %get3A_875 = arith.index_cast %mul3A_874 : i32 to index
        %get3A_876 = tpu.vector_load %arg8[%get3A_875] {strides = array<i32>} : memref<3072xf32, #tpu.memory_space<vmem>>, vector<16xf32>,
        %mul3A_877 = arith.constant 16 : i32
        %mul3A_878 = arith.muli %add3A_872, %mul3A_877 : i32
        %add3A_879 = arith.constant 1024 : i32
        %add3A_880 = arith.addi %add3A_879, %mul3A_878 : i32
        %get3A_881 = arith.index_cast %add3A_880 : i32 to index
        %get3A_882 = tpu.vector_load %arg8[%get3A_881] {strides = array<i32>} : memref<3072xf32, #tpu.memory_space<vmem>>, vector<16xf32>,
        %mul3A_883 = arith.constant 16 : i32
        %mul3A_884 = arith.muli %add3A_872, %mul3A_883 : i32
        %add3A_885 = arith.constant 2048 : i32
        %add3A_886 = arith.addi %add3A_885, %mul3A_884 : i32
        %get3A_887 = arith.index_cast %add3A_886 : i32 to index
        %get3A_888 = tpu.vector_load %arg8[%get3A_887] {strides = array<i32>} : memref<3072xf32, #tpu.memory_space<vmem>>, vector<16xf32>,
        %sub3A_889 = arith.subf %get3A_882, %get3A_876 : vector<16xf32>
        %sub3A_890 = arith.subf %get3A_888, %get3A_882 : vector<16xf32>
        %mul3A_891 = arith.mulf %min3A_85, %sub3A_889 : vector<16xf32>
        %add3A_892 = arith.addf %get3A_876, %mul3A_891 : vector<16xf32>
        %mul3A_893 = arith.mulf %max3A_89, %sub3A_890 : vector<16xf32>
        %add3A_894 = arith.addf %add3A_892, %mul3A_893 : vector<16xf32>
        %mul3A_895 = arith.constant 16 : i32
        %mul3A_896 = arith.muli %add3A_872, %mul3A_895 : i32
        %swap3A_897 = arith.constant 0 : i32
        %swap3A_898 = arith.constant 0 : i32
        %swap3A_899 = arith.index_cast %swap3A_897 : i32 to index
        %swap3A_900 = arith.index_cast %swap3A_898 : i32 to index
        %swap3A_901 = arith.index_cast %mul3A_896 : i32 to index
        %swap3A_902 = tpu.vector_load %arg7[%swap3A_899, %swap3A_900, %swap3A_901] {strides = array<i32>} : memref<2x16x1024xf32, #tpu.memory_space<vmem>>, vector<16xf32>,
        tpu.vector_store %arg7[%swap3A_899, %swap3A_900, %swap3A_901], %add3A_894 {add = true, strides = array<i32>} : memref<2x16x1024xf32, #tpu.memory_space<vmem>>, vector<16xf32>,
        %mul3A_903 = arith.mulf %min3A_99, %sub3A_889 : vector<16xf32>
        %add3A_904 = arith.addf %get3A_876, %mul3A_903 : vector<16xf32>
        %mul3A_905 = arith.mulf %max3A_105, %sub3A_890 : vector<16xf32>
        %add3A_906 = arith.addf %add3A_904, %mul3A_905 : vector<16xf32>
        %mul3A_907 = arith.constant 16 : i32
        %mul3A_908 = arith.muli %add3A_872, %mul3A_907 : i32
        %swap3A_909 = arith.constant 0 : i32
        %swap3A_910 = arith.constant 1 : i32
        %swap3A_911 = arith.index_cast %swap3A_909 : i32 to index
        %swap3A_912 = arith.index_cast %swap3A_910 : i32 to index
        %swap3A_913 = arith.index_cast %mul3A_908 : i32 to index
        %swap3A_914 = tpu.vector_load %arg7[%swap3A_911, %swap3A_912, %swap3A_913] {strides = array<i32>} : memref<2x16x1024xf32, #tpu.memory_space<vmem>>, vector<16xf32>,
        tpu.vector_store %arg7[%swap3A_911, %swap3A_912, %swap3A_913], %add3A_906 {add = true, strides = array<i32>} : memref<2x16x1024xf32, #tpu.memory_space<vmem>>, vector<16xf32>,
        %mul3A_915 = arith.mulf %min3A_115, %sub3A_889 : vector<16xf32>
        %add3A_916 = arith.addf %get3A_876, %mul3A_915 : vector<16xf32>
        %mul3A_917 = arith.mulf %max3A_121, %sub3A_890 : vector<16xf32>
        %add3A_918 = arith.addf %add3A_916, %mul3A_917 : vector<16xf32>
        %mul3A_919 = arith.constant 16 : i32
        %mul3A_920 = arith.muli %add3A_872, %mul3A_919 : i32
        %swap3A_921 = arith.constant 0 : i32
        %swap3A_922 = arith.constant 2 : i32
        %swap3A_923 = arith.index_cast %swap3A_921 : i32 to index
        %swap3A_924 = arith.index_cast %swap3A_922 : i32 to index
        %swap3A_925 = arith.index_cast %mul3A_920 : i32 to index
        %swap3A_926 = tpu.vector_load %arg7[%swap3A_923, %swap3A_924, %swap3A_925] {strides = array<i32>} : memref<2x16x1024xf32, #tpu.memory_space<vmem>>, vector<16xf32>,
        tpu.vector_store %arg7[%swap3A_923, %swap3A_924, %swap3A_925], %add3A_918 {add = true, strides = array<i32>} : memref<2x16x1024xf32, #tpu.memory_space<vmem>>, vector<16xf32>,
        %mul3A_927 = arith.mulf %min3A_131, %sub3A_889 : vector<16xf32>
        %add3A_928 = arith.addf %get3A_876, %mul3A_927 : vector<16xf32>
        %mul3A_929 = arith.mulf %max3A_137, %sub3A_890 : vector<16xf32>
        %add3A_930 = arith.addf %add3A_928, %mul3A_929 : vector<16xf32>
        %mul3A_931 = arith.constant 16 : i32
        %mul3A_932 = arith.muli %add3A_872, %mul3A_931 : i32
        %swap3A_933 = arith.constant 0 : i32
        %swap3A_934 = arith.constant 3 : i32
        %swap3A_935 = arith.index_cast %swap3A_933 : i32 to index
        %swap3A_936 = arith.index_cast %swap3A_934 : i32 to index
        %swap3A_937 = arith.index_cast %mul3A_932 : i32 to index
        %swap3A_938 = tpu.vector_load %arg7[%swap3A_935, %swap3A_936, %swap3A_937] {strides = array<i32>} : memref<2x16x1024xf32, #tpu.memory_space<vmem>>, vector<16xf32>,
        tpu.vector_store %arg7[%swap3A_935, %swap3A_936, %swap3A_937], %add3A_930 {add = true, strides = array<i32>} : memref<2x16x1024xf32, #tpu.memory_space<vmem>>, vector<16xf32>,
        %mul3A_939 = arith.mulf %min3A_147, %sub3A_889 : vector<16xf32>
        %add3A_940 = arith.addf %get3A_876, %mul3A_939 : vector<16xf32>
        %mul3A_941 = arith.mulf %max3A_153, %sub3A_890 : vector<16xf32>
        %add3A_942 = arith.addf %add3A_940, %mul3A_941 : vector<16xf32>
        %mul3A_943 = arith.constant 16 : i32
        %mul3A_944 = arith.muli %add3A_872, %mul3A_943 : i32
        %swap3A_945 = arith.constant 0 : i32
        %swap3A_946 = arith.constant 4 : i32
        %swap3A_947 = arith.index_cast %swap3A_945 : i32 to index
        %swap3A_948 = arith.index_cast %swap3A_946 : i32 to index
        %swap3A_949 = arith.index_cast %mul3A_944 : i32 to index
        %swap3A_950 = tpu.vector_load %arg7[%swap3A_947, %swap3A_948, %swap3A_949] {strides = array<i32>} : memref<2x16x1024xf32, #tpu.memory_space<vmem>>, vector<16xf32>,
        tpu.vector_store %arg7[%swap3A_947, %swap3A_948, %swap3A_949], %add3A_942 {add = true, strides = array<i32>} : memref<2x16x1024xf32, #tpu.memory_space<vmem>>, vector<16xf32>,
        %mul3A_951 = arith.mulf %min3A_163, %sub3A_889 : vector<16xf32>
        %add3A_952 = arith.addf %get3A_876, %mul3A_951 : vector<16xf32>
        %mul3A_953 = arith.mulf %max3A_169, %sub3A_890 : vector<16xf32>
        %add3A_954 = arith.addf %add3A_952, %mul3A_953 : vector<16xf32>
        %mul3A_955 = arith.constant 16 : i32
        %mul3A_956 = arith.muli %add3A_872, %mul3A_955 : i32
        %swap3A_957 = arith.constant 0 : i32
        %swap3A_958 = arith.constant 5 : i32
        %swap3A_959 = arith.index_cast %swap3A_957 : i32 to index
        %swap3A_960 = arith.index_cast %swap3A_958 : i32 to index
        %swap3A_961 = arith.index_cast %mul3A_956 : i32 to index
        %swap3A_962 = tpu.vector_load %arg7[%swap3A_959, %swap3A_960, %swap3A_961] {strides = array<i32>} : memref<2x16x1024xf32, #tpu.memory_space<vmem>>, vector<16xf32>,
        tpu.vector_store %arg7[%swap3A_959, %swap3A_960, %swap3A_961], %add3A_954 {add = true, strides = array<i32>} : memref<2x16x1024xf32, #tpu.memory_space<vmem>>, vector<16xf32>,
        %mul3A_963 = arith.mulf %min3A_179, %sub3A_889 : vector<16xf32>
        %add3A_964 = arith.addf %get3A_876, %mul3A_963 : vector<16xf32>
        %mul3A_965 = arith.mulf %max3A_185, %sub3A_890 : vector<16xf32>
        %add3A_966 = arith.addf %add3A_964, %mul3A_965 : vector<16xf32>
        %mul3A_967 = arith.constant 16 : i32
        %mul3A_968 = arith.muli %add3A_872, %mul3A_967 : i32
        %swap3A_969 = arith.constant 0 : i32
        %swap3A_970 = arith.constant 6 : i32
        %swap3A_971 = arith.index_cast %swap3A_969 : i32 to index
        %swap3A_972 = arith.index_cast %swap3A_970 : i32 to index
        %swap3A_973 = arith.index_cast %mul3A_968 : i32 to index
        %swap3A_974 = tpu.vector_load %arg7[%swap3A_971, %swap3A_972, %swap3A_973] {strides = array<i32>} : memref<2x16x1024xf32, #tpu.memory_space<vmem>>, vector<16xf32>,
        tpu.vector_store %arg7[%swap3A_971, %swap3A_972, %swap3A_973], %add3A_966 {add = true, strides = array<i32>} : memref<2x16x1024xf32, #tpu.memory_space<vmem>>, vector<16xf32>,
        %mul3A_975 = arith.mulf %min3A_195, %sub3A_889 : vector<16xf32>
        %add3A_976 = arith.addf %get3A_876, %mul3A_975 : vector<16xf32>
        %mul3A_977 = arith.mulf %max3A_201, %sub3A_890 : vector<16xf32>
        %add3A_978 = arith.addf %add3A_976, %mul3A_977 : vector<16xf32>
        %mul3A_979 = arith.constant 16 : i32
        %mul3A_980 = arith.muli %add3A_872, %mul3A_979 : i32
        %swap3A_981 = arith.constant 0 : i32
        %swap3A_982 = arith.constant 7 : i32
        %swap3A_983 = arith.index_cast %swap3A_981 : i32 to index
        %swap3A_984 = arith.index_cast %swap3A_982 : i32 to index
        %swap3A_985 = arith.index_cast %mul3A_980 : i32 to index
        %swap3A_986 = tpu.vector_load %arg7[%swap3A_983, %swap3A_984, %swap3A_985] {strides = array<i32>} : memref<2x16x1024xf32, #tpu.memory_space<vmem>>, vector<16xf32>,
        tpu.vector_store %arg7[%swap3A_983, %swap3A_984, %swap3A_985], %add3A_978 {add = true, strides = array<i32>} : memref<2x16x1024xf32, #tpu.memory_space<vmem>>, vector<16xf32>,
        %mul3A_987 = arith.mulf %min3A_211, %sub3A_889 : vector<16xf32>
        %add3A_988 = arith.addf %get3A_876, %mul3A_987 : vector<16xf32>
        %mul3A_989 = arith.mulf %max3A_217, %sub3A_890 : vector<16xf32>
        %add3A_990 = arith.addf %add3A_988, %mul3A_989 : vector<16xf32>
        %mul3A_991 = arith.constant 16 : i32
        %mul3A_992 = arith.muli %add3A_872, %mul3A_991 : i32
        %swap3A_993 = arith.constant 0 : i32
        %swap3A_994 = arith.constant 8 : i32
        %swap3A_995 = arith.index_cast %swap3A_993 : i32 to index
        %swap3A_996 = arith.index_cast %swap3A_994 : i32 to index
        %swap3A_997 = arith.index_cast %mul3A_992 : i32 to index
        %swap3A_998 = tpu.vector_load %arg7[%swap3A_995, %swap3A_996, %swap3A_997] {strides = array<i32>} : memref<2x16x1024xf32, #tpu.memory_space<vmem>>, vector<16xf32>,
        tpu.vector_store %arg7[%swap3A_995, %swap3A_996, %swap3A_997], %add3A_990 {add = true, strides = array<i32>} : memref<2x16x1024xf32, #tpu.memory_space<vmem>>, vector<16xf32>,
        %mul3A_999 = arith.mulf %min3A_227, %sub3A_889 : vector<16xf32>
        %add3A_1000 = arith.addf %get3A_876, %mul3A_999 : vector<16xf32>
        %mul3A_1001 = arith.mulf %max3A_233, %sub3A_890 : vector<16xf32>
        %add3A_1002 = arith.addf %add3A_1000, %mul3A_1001 : vector<16xf32>
        %mul3A_1003 = arith.constant 16 : i32
        %mul3A_1004 = arith.muli %add3A_872, %mul3A_1003 : i32
        %swap3A_1005 = arith.constant 0 : i32
        %swap3A_1006 = arith.constant 9 : i32
        %swap3A_1007 = arith.index_cast %swap3A_1005 : i32 to index
        %swap3A_1008 = arith.index_cast %swap3A_1006 : i32 to index
        %swap3A_1009 = arith.index_cast %mul3A_1004 : i32 to index
        %swap3A_1010 = tpu.vector_load %arg7[%swap3A_1007, %swap3A_1008, %swap3A_1009] {strides = array<i32>} : memref<2x16x1024xf32, #tpu.memory_space<vmem>>, vector<16xf32>,
        tpu.vector_store %arg7[%swap3A_1007, %swap3A_1008, %swap3A_1009], %add3A_1002 {add = true, strides = array<i32>} : memref<2x16x1024xf32, #tpu.memory_space<vmem>>, vector<16xf32>,
        %mul3A_1011 = arith.mulf %min3A_243, %sub3A_889 : vector<16xf32>
        %add3A_1012 = arith.addf %get3A_876, %mul3A_1011 : vector<16xf32>
        %mul3A_1013 = arith.mulf %max3A_249, %sub3A_890 : vector<16xf32>
        %add3A_1014 = arith.addf %add3A_1012, %mul3A_1013 : vector<16xf32>
        %mul3A_1015 = arith.constant 16 : i32
        %mul3A_1016 = arith.muli %add3A_872, %mul3A_1015 : i32
        %swap3A_1017 = arith.constant 0 : i32
        %swap3A_1018 = arith.constant 10 : i32
        %swap3A_1019 = arith.index_cast %swap3A_1017 : i32 to index
        %swap3A_1020 = arith.index_cast %swap3A_1018 : i32 to index
        %swap3A_1021 = arith.index_cast %mul3A_1016 : i32 to index
        %swap3A_1022 = tpu.vector_load %arg7[%swap3A_1019, %swap3A_1020, %swap3A_1021] {strides = array<i32>} : memref<2x16x1024xf32, #tpu.memory_space<vmem>>, vector<16xf32>,
        tpu.vector_store %arg7[%swap3A_1019, %swap3A_1020, %swap3A_1021], %add3A_1014 {add = true, strides = array<i32>} : memref<2x16x1024xf32, #tpu.memory_space<vmem>>, vector<16xf32>,
        %mul3A_1023 = arith.mulf %min3A_259, %sub3A_889 : vector<16xf32>
        %add3A_1024 = arith.addf %get3A_876, %mul3A_1023 : vector<16xf32>
        %mul3A_1025 = arith.mulf %max3A_265, %sub3A_890 : vector<16xf32>
        %add3A_1026 = arith.addf %add3A_1024, %mul3A_1025 : vector<16xf32>
        %mul3A_1027 = arith.constant 16 : i32
        %mul3A_1028 = arith.muli %add3A_872, %mul3A_1027 : i32
        %swap3A_1029 = arith.constant 0 : i32
        %swap3A_1030 = arith.constant 11 : i32
        %swap3A_1031 = arith.index_cast %swap3A_1029 : i32 to index
        %swap3A_1032 = arith.index_cast %swap3A_1030 : i32 to index
        %swap3A_1033 = arith.index_cast %mul3A_1028 : i32 to index
        %swap3A_1034 = tpu.vector_load %arg7[%swap3A_1031, %swap3A_1032, %swap3A_1033] {strides = array<i32>} : memref<2x16x1024xf32, #tpu.memory_space<vmem>>, vector<16xf32>,
        tpu.vector_store %arg7[%swap3A_1031, %swap3A_1032, %swap3A_1033], %add3A_1026 {add = true, strides = array<i32>} : memref<2x16x1024xf32, #tpu.memory_space<vmem>>, vector<16xf32>,
        %mul3A_1035 = arith.mulf %min3A_275, %sub3A_889 : vector<16xf32>
        %add3A_1036 = arith.addf %get3A_876, %mul3A_1035 : vector<16xf32>
        %mul3A_1037 = arith.mulf %max3A_281, %sub3A_890 : vector<16xf32>
        %add3A_1038 = arith.addf %add3A_1036, %mul3A_1037 : vector<16xf32>
        %mul3A_1039 = arith.constant 16 : i32
        %mul3A_1040 = arith.muli %add3A_872, %mul3A_1039 : i32
        %swap3A_1041 = arith.constant 0 : i32
        %swap3A_1042 = arith.constant 12 : i32
        %swap3A_1043 = arith.index_cast %swap3A_1041 : i32 to index
        %swap3A_1044 = arith.index_cast %swap3A_1042 : i32 to index
        %swap3A_1045 = arith.index_cast %mul3A_1040 : i32 to index
        %swap3A_1046 = tpu.vector_load %arg7[%swap3A_1043, %swap3A_1044, %swap3A_1045] {strides = array<i32>} : memref<2x16x1024xf32, #tpu.memory_space<vmem>>, vector<16xf32>,
        tpu.vector_store %arg7[%swap3A_1043, %swap3A_1044, %swap3A_1045], %add3A_1038 {add = true, strides = array<i32>} : memref<2x16x1024xf32, #tpu.memory_space<vmem>>, vector<16xf32>,
        %mul3A_1047 = arith.mulf %min3A_291, %sub3A_889 : vector<16xf32>
        %add3A_1048 = arith.addf %get3A_876, %mul3A_1047 : vector<16xf32>
        %mul3A_1049 = arith.mulf %max3A_297, %sub3A_890 : vector<16xf32>
        %add3A_1050 = arith.addf %add3A_1048, %mul3A_1049 : vector<16xf32>
        %mul3A_1051 = arith.constant 16 : i32
        %mul3A_1052 = arith.muli %add3A_872, %mul3A_1051 : i32
        %swap3A_1053 = arith.constant 0 : i32
        %swap3A_1054 = arith.constant 13 : i32
        %swap3A_1055 = arith.index_cast %swap3A_1053 : i32 to index
        %swap3A_1056 = arith.index_cast %swap3A_1054 : i32 to index
        %swap3A_1057 = arith.index_cast %mul3A_1052 : i32 to index
        %swap3A_1058 = tpu.vector_load %arg7[%swap3A_1055, %swap3A_1056, %swap3A_1057] {strides = array<i32>} : memref<2x16x1024xf32, #tpu.memory_space<vmem>>, vector<16xf32>,
        tpu.vector_store %arg7[%swap3A_1055, %swap3A_1056, %swap3A_1057], %add3A_1050 {add = true, strides = array<i32>} : memref<2x16x1024xf32, #tpu.memory_space<vmem>>, vector<16xf32>,
        %mul3A_1059 = arith.mulf %min3A_307, %sub3A_889 : vector<16xf32>
        %add3A_1060 = arith.addf %get3A_876, %mul3A_1059 : vector<16xf32>
        %mul3A_1061 = arith.mulf %max3A_313, %sub3A_890 : vector<16xf32>
        %add3A_1062 = arith.addf %add3A_1060, %mul3A_1061 : vector<16xf32>
        %mul3A_1063 = arith.constant 16 : i32
        %mul3A_1064 = arith.muli %add3A_872, %mul3A_1063 : i32
        %swap3A_1065 = arith.constant 0 : i32
        %swap3A_1066 = arith.constant 14 : i32
        %swap3A_1067 = arith.index_cast %swap3A_1065 : i32 to index
        %swap3A_1068 = arith.index_cast %swap3A_1066 : i32 to index
        %swap3A_1069 = arith.index_cast %mul3A_1064 : i32 to index
        %swap3A_1070 = tpu.vector_load %arg7[%swap3A_1067, %swap3A_1068, %swap3A_1069] {strides = array<i32>} : memref<2x16x1024xf32, #tpu.memory_space<vmem>>, vector<16xf32>,
        tpu.vector_store %arg7[%swap3A_1067, %swap3A_1068, %swap3A_1069], %add3A_1062 {add = true, strides = array<i32>} : memref<2x16x1024xf32, #tpu.memory_space<vmem>>, vector<16xf32>,
        %mul3A_1071 = arith.mulf %min3A_323, %sub3A_889 : vector<16xf32>
        %add3A_1072 = arith.addf %get3A_876, %mul3A_1071 : vector<16xf32>
        %mul3A_1073 = arith.mulf %max3A_329, %sub3A_890 : vector<16xf32>
        %add3A_1074 = arith.addf %add3A_1072, %mul3A_1073 : vector<16xf32>
        %mul3A_1075 = arith.constant 16 : i32
        %mul3A_1076 = arith.muli %add3A_872, %mul3A_1075 : i32
        %swap3A_1077 = arith.constant 0 : i32
        %swap3A_1078 = arith.constant 15 : i32
        %swap3A_1079 = arith.index_cast %swap3A_1077 : i32 to index
        %swap3A_1080 = arith.index_cast %swap3A_1078 : i32 to index
        %swap3A_1081 = arith.index_cast %mul3A_1076 : i32 to index
        %swap3A_1082 = tpu.vector_load %arg7[%swap3A_1079, %swap3A_1080, %swap3A_1081] {strides = array<i32>} : memref<2x16x1024xf32, #tpu.memory_space<vmem>>, vector<16xf32>,
        tpu.vector_store %arg7[%swap3A_1079, %swap3A_1080, %swap3A_1081], %add3A_1074 {add = true, strides = array<i32>} : memref<2x16x1024xf32, #tpu.memory_space<vmem>>, vector<16xf32>,
        %mul3A_1083 = arith.constant 4 : i32
        %mul3A_1084 = arith.muli %scan3A_656, %mul3A_1083 : i32
        %add3A_1085 = arith.constant 2 : i32
        %add3A_1086 = arith.addi %mul3A_1084, %add3A_1085 : i32
        %mul3A_1087 = arith.constant 16 : i32
        %mul3A_1088 = arith.muli %add3A_1086, %mul3A_1087 : i32
        %get3A_1089 = arith.index_cast %mul3A_1088 : i32 to index
        %get3A_1090 = tpu.vector_load %arg8[%get3A_1089] {strides = array<i32>} : memref<3072xf32, #tpu.memory_space<vmem>>, vector<16xf32>,
        %mul3A_1091 = arith.constant 16 : i32
        %mul3A_1092 = arith.muli %add3A_1086, %mul3A_1091 : i32
        %add3A_1093 = arith.constant 1024 : i32
        %add3A_1094 = arith.addi %add3A_1093, %mul3A_1092 : i32
        %get3A_1095 = arith.index_cast %add3A_1094 : i32 to index
        %get3A_1096 = tpu.vector_load %arg8[%get3A_1095] {strides = array<i32>} : memref<3072xf32, #tpu.memory_space<vmem>>, vector<16xf32>,
        %mul3A_1097 = arith.constant 16 : i32
        %mul3A_1098 = arith.muli %add3A_1086, %mul3A_1097 : i32
        %add3A_1099 = arith.constant 2048 : i32
        %add3A_1100 = arith.addi %add3A_1099, %mul3A_1098 : i32
        %get3A_1101 = arith.index_cast %add3A_1100 : i32 to index
        %get3A_1102 = tpu.vector_load %arg8[%get3A_1101] {strides = array<i32>} : memref<3072xf32, #tpu.memory_space<vmem>>, vector<16xf32>,
        %sub3A_1103 = arith.subf %get3A_1096, %get3A_1090 : vector<16xf32>
        %sub3A_1104 = arith.subf %get3A_1102, %get3A_1096 : vector<16xf32>
        %mul3A_1105 = arith.mulf %min3A_85, %sub3A_1103 : vector<16xf32>
        %add3A_1106 = arith.addf %get3A_1090, %mul3A_1105 : vector<16xf32>
        %mul3A_1107 = arith.mulf %max3A_89, %sub3A_1104 : vector<16xf32>
        %add3A_1108 = arith.addf %add3A_1106, %mul3A_1107 : vector<16xf32>
        %mul3A_1109 = arith.constant 16 : i32
        %mul3A_1110 = arith.muli %add3A_1086, %mul3A_1109 : i32
        %swap3A_1111 = arith.constant 0 : i32
        %swap3A_1112 = arith.constant 0 : i32
        %swap3A_1113 = arith.index_cast %swap3A_1111 : i32 to index
        %swap3A_1114 = arith.index_cast %swap3A_1112 : i32 to index
        %swap3A_1115 = arith.index_cast %mul3A_1110 : i32 to index
        %swap3A_1116 = tpu.vector_load %arg7[%swap3A_1113, %swap3A_1114, %swap3A_1115] {strides = array<i32>} : memref<2x16x1024xf32, #tpu.memory_space<vmem>>, vector<16xf32>,
        tpu.vector_store %arg7[%swap3A_1113, %swap3A_1114, %swap3A_1115], %add3A_1108 {add = true, strides = array<i32>} : memref<2x16x1024xf32, #tpu.memory_space<vmem>>, vector<16xf32>,
        %mul3A_1117 = arith.mulf %min3A_99, %sub3A_1103 : vector<16xf32>
        %add3A_1118 = arith.addf %get3A_1090, %mul3A_1117 : vector<16xf32>
        %mul3A_1119 = arith.mulf %max3A_105, %sub3A_1104 : vector<16xf32>
        %add3A_1120 = arith.addf %add3A_1118, %mul3A_1119 : vector<16xf32>
        %mul3A_1121 = arith.constant 16 : i32
        %mul3A_1122 = arith.muli %add3A_1086, %mul3A_1121 : i32
        %swap3A_1123 = arith.constant 0 : i32
        %swap3A_1124 = arith.constant 1 : i32
        %swap3A_1125 = arith.index_cast %swap3A_1123 : i32 to index
        %swap3A_1126 = arith.index_cast %swap3A_1124 : i32 to index
        %swap3A_1127 = arith.index_cast %mul3A_1122 : i32 to index
        %swap3A_1128 = tpu.vector_load %arg7[%swap3A_1125, %swap3A_1126, %swap3A_1127] {strides = array<i32>} : memref<2x16x1024xf32, #tpu.memory_space<vmem>>, vector<16xf32>,
        tpu.vector_store %arg7[%swap3A_1125, %swap3A_1126, %swap3A_1127], %add3A_1120 {add = true, strides = array<i32>} : memref<2x16x1024xf32, #tpu.memory_space<vmem>>, vector<16xf32>,
        %mul3A_1129 = arith.mulf %min3A_115, %sub3A_1103 : vector<16xf32>
        %add3A_1130 = arith.addf %get3A_1090, %mul3A_1129 : vector<16xf32>
        %mul3A_1131 = arith.mulf %max3A_121, %sub3A_1104 : vector<16xf32>
        %add3A_1132 = arith.addf %add3A_1130, %mul3A_1131 : vector<16xf32>
        %mul3A_1133 = arith.constant 16 : i32
        %mul3A_1134 = arith.muli %add3A_1086, %mul3A_1133 : i32
        %swap3A_1135 = arith.constant 0 : i32
        %swap3A_1136 = arith.constant 2 : i32
        %swap3A_1137 = arith.index_cast %swap3A_1135 : i32 to index
        %swap3A_1138 = arith.index_cast %swap3A_1136 : i32 to index
        %swap3A_1139 = arith.index_cast %mul3A_1134 : i32 to index
        %swap3A_1140 = tpu.vector_load %arg7[%swap3A_1137, %swap3A_1138, %swap3A_1139] {strides = array<i32>} : memref<2x16x1024xf32, #tpu.memory_space<vmem>>, vector<16xf32>,
        tpu.vector_store %arg7[%swap3A_1137, %swap3A_1138, %swap3A_1139], %add3A_1132 {add = true, strides = array<i32>} : memref<2x16x1024xf32, #tpu.memory_space<vmem>>, vector<16xf32>,
        %mul3A_1141 = arith.mulf %min3A_131, %sub3A_1103 : vector<16xf32>
        %add3A_1142 = arith.addf %get3A_1090, %mul3A_1141 : vector<16xf32>
        %mul3A_1143 = arith.mulf %max3A_137, %sub3A_1104 : vector<16xf32>
        %add3A_1144 = arith.addf %add3A_1142, %mul3A_1143 : vector<16xf32>
        %mul3A_1145 = arith.constant 16 : i32
        %mul3A_1146 = arith.muli %add3A_1086, %mul3A_1145 : i32
        %swap3A_1147 = arith.constant 0 : i32
        %swap3A_1148 = arith.constant 3 : i32
        %swap3A_1149 = arith.index_cast %swap3A_1147 : i32 to index
        %swap3A_1150 = arith.index_cast %swap3A_1148 : i32 to index
        %swap3A_1151 = arith.index_cast %mul3A_1146 : i32 to index
        %swap3A_1152 = tpu.vector_load %arg7[%swap3A_1149, %swap3A_1150, %swap3A_1151] {strides = array<i32>} : memref<2x16x1024xf32, #tpu.memory_space<vmem>>, vector<16xf32>,
        tpu.vector_store %arg7[%swap3A_1149, %swap3A_1150, %swap3A_1151], %add3A_1144 {add = true, strides = array<i32>} : memref<2x16x1024xf32, #tpu.memory_space<vmem>>, vector<16xf32>,
        %mul3A_1153 = arith.mulf %min3A_147, %sub3A_1103 : vector<16xf32>
        %add3A_1154 = arith.addf %get3A_1090, %mul3A_1153 : vector<16xf32>
        %mul3A_1155 = arith.mulf %max3A_153, %sub3A_1104 : vector<16xf32>
        %add3A_1156 = arith.addf %add3A_1154, %mul3A_1155 : vector<16xf32>
        %mul3A_1157 = arith.constant 16 : i32
        %mul3A_1158 = arith.muli %add3A_1086, %mul3A_1157 : i32
        %swap3A_1159 = arith.constant 0 : i32
        %swap3A_1160 = arith.constant 4 : i32
        %swap3A_1161 = arith.index_cast %swap3A_1159 : i32 to index
        %swap3A_1162 = arith.index_cast %swap3A_1160 : i32 to index
        %swap3A_1163 = arith.index_cast %mul3A_1158 : i32 to index
        %swap3A_1164 = tpu.vector_load %arg7[%swap3A_1161, %swap3A_1162, %swap3A_1163] {strides = array<i32>} : memref<2x16x1024xf32, #tpu.memory_space<vmem>>, vector<16xf32>,
        tpu.vector_store %arg7[%swap3A_1161, %swap3A_1162, %swap3A_1163], %add3A_1156 {add = true, strides = array<i32>} : memref<2x16x1024xf32, #tpu.memory_space<vmem>>, vector<16xf32>,
        %mul3A_1165 = arith.mulf %min3A_163, %sub3A_1103 : vector<16xf32>
        %add3A_1166 = arith.addf %get3A_1090, %mul3A_1165 : vector<16xf32>
        %mul3A_1167 = arith.mulf %max3A_169, %sub3A_1104 : vector<16xf32>
        %add3A_1168 = arith.addf %add3A_1166, %mul3A_1167 : vector<16xf32>
        %mul3A_1169 = arith.constant 16 : i32
        %mul3A_1170 = arith.muli %add3A_1086, %mul3A_1169 : i32
        %swap3A_1171 = arith.constant 0 : i32
        %swap3A_1172 = arith.constant 5 : i32
        %swap3A_1173 = arith.index_cast %swap3A_1171 : i32 to index
        %swap3A_1174 = arith.index_cast %swap3A_1172 : i32 to index
        %swap3A_1175 = arith.index_cast %mul3A_1170 : i32 to index
        %swap3A_1176 = tpu.vector_load %arg7[%swap3A_1173, %swap3A_1174, %swap3A_1175] {strides = array<i32>} : memref<2x16x1024xf32, #tpu.memory_space<vmem>>, vector<16xf32>,
        tpu.vector_store %arg7[%swap3A_1173, %swap3A_1174, %swap3A_1175], %add3A_1168 {add = true, strides = array<i32>} : memref<2x16x1024xf32, #tpu.memory_space<vmem>>, vector<16xf32>,
        %mul3A_1177 = arith.mulf %min3A_179, %sub3A_1103 : vector<16xf32>
        %add3A_1178 = arith.addf %get3A_1090, %mul3A_1177 : vector<16xf32>
        %mul3A_1179 = arith.mulf %max3A_185, %sub3A_1104 : vector<16xf32>
        %add3A_1180 = arith.addf %add3A_1178, %mul3A_1179 : vector<16xf32>
        %mul3A_1181 = arith.constant 16 : i32
        %mul3A_1182 = arith.muli %add3A_1086, %mul3A_1181 : i32
        %swap3A_1183 = arith.constant 0 : i32
        %swap3A_1184 = arith.constant 6 : i32
        %swap3A_1185 = arith.index_cast %swap3A_1183 : i32 to index
        %swap3A_1186 = arith.index_cast %swap3A_1184 : i32 to index
        %swap3A_1187 = arith.index_cast %mul3A_1182 : i32 to index
        %swap3A_1188 = tpu.vector_load %arg7[%swap3A_1185, %swap3A_1186, %swap3A_1187] {strides = array<i32>} : memref<2x16x1024xf32, #tpu.memory_space<vmem>>, vector<16xf32>,
        tpu.vector_store %arg7[%swap3A_1185, %swap3A_1186, %swap3A_1187], %add3A_1180 {add = true, strides = array<i32>} : memref<2x16x1024xf32, #tpu.memory_space<vmem>>, vector<16xf32>,
        %mul3A_1189 = arith.mulf %min3A_195, %sub3A_1103 : vector<16xf32>
        %add3A_1190 = arith.addf %get3A_1090, %mul3A_1189 : vector<16xf32>
        %mul3A_1191 = arith.mulf %max3A_201, %sub3A_1104 : vector<16xf32>
        %add3A_1192 = arith.addf %add3A_1190, %mul3A_1191 : vector<16xf32>
        %mul3A_1193 = arith.constant 16 : i32
        %mul3A_1194 = arith.muli %add3A_1086, %mul3A_1193 : i32
        %swap3A_1195 = arith.constant 0 : i32
        %swap3A_1196 = arith.constant 7 : i32
        %swap3A_1197 = arith.index_cast %swap3A_1195 : i32 to index
        %swap3A_1198 = arith.index_cast %swap3A_1196 : i32 to index
        %swap3A_1199 = arith.index_cast %mul3A_1194 : i32 to index
        %swap3A_1200 = tpu.vector_load %arg7[%swap3A_1197, %swap3A_1198, %swap3A_1199] {strides = array<i32>} : memref<2x16x1024xf32, #tpu.memory_space<vmem>>, vector<16xf32>,
        tpu.vector_store %arg7[%swap3A_1197, %swap3A_1198, %swap3A_1199], %add3A_1192 {add = true, strides = array<i32>} : memref<2x16x1024xf32, #tpu.memory_space<vmem>>, vector<16xf32>,
        %mul3A_1201 = arith.mulf %min3A_211, %sub3A_1103 : vector<16xf32>
        %add3A_1202 = arith.addf %get3A_1090, %mul3A_1201 : vector<16xf32>
        %mul3A_1203 = arith.mulf %max3A_217, %sub3A_1104 : vector<16xf32>
        %add3A_1204 = arith.addf %add3A_1202, %mul3A_1203 : vector<16xf32>
        %mul3A_1205 = arith.constant 16 : i32
        %mul3A_1206 = arith.muli %add3A_1086, %mul3A_1205 : i32
        %swap3A_1207 = arith.constant 0 : i32
        %swap3A_1208 = arith.constant 8 : i32
        %swap3A_1209 = arith.index_cast %swap3A_1207 : i32 to index
        %swap3A_1210 = arith.index_cast %swap3A_1208 : i32 to index
        %swap3A_1211 = arith.index_cast %mul3A_1206 : i32 to index
        %swap3A_1212 = tpu.vector_load %arg7[%swap3A_1209, %swap3A_1210, %swap3A_1211] {strides = array<i32>} : memref<2x16x1024xf32, #tpu.memory_space<vmem>>, vector<16xf32>,
        tpu.vector_store %arg7[%swap3A_1209, %swap3A_1210, %swap3A_1211], %add3A_1204 {add = true, strides = array<i32>} : memref<2x16x1024xf32, #tpu.memory_space<vmem>>, vector<16xf32>,
        %mul3A_1213 = arith.mulf %min3A_227, %sub3A_1103 : vector<16xf32>
        %add3A_1214 = arith.addf %get3A_1090, %mul3A_1213 : vector<16xf32>
        %mul3A_1215 = arith.mulf %max3A_233, %sub3A_1104 : vector<16xf32>
        %add3A_1216 = arith.addf %add3A_1214, %mul3A_1215 : vector<16xf32>
        %mul3A_1217 = arith.constant 16 : i32
        %mul3A_1218 = arith.muli %add3A_1086, %mul3A_1217 : i32
        %swap3A_1219 = arith.constant 0 : i32
        %swap3A_1220 = arith.constant 9 : i32
        %swap3A_1221 = arith.index_cast %swap3A_1219 : i32 to index
        %swap3A_1222 = arith.index_cast %swap3A_1220 : i32 to index
        %swap3A_1223 = arith.index_cast %mul3A_1218 : i32 to index
        %swap3A_1224 = tpu.vector_load %arg7[%swap3A_1221, %swap3A_1222, %swap3A_1223] {strides = array<i32>} : memref<2x16x1024xf32, #tpu.memory_space<vmem>>, vector<16xf32>,
        tpu.vector_store %arg7[%swap3A_1221, %swap3A_1222, %swap3A_1223], %add3A_1216 {add = true, strides = array<i32>} : memref<2x16x1024xf32, #tpu.memory_space<vmem>>, vector<16xf32>,
        %mul3A_1225 = arith.mulf %min3A_243, %sub3A_1103 : vector<16xf32>
        %add3A_1226 = arith.addf %get3A_1090, %mul3A_1225 : vector<16xf32>
        %mul3A_1227 = arith.mulf %max3A_249, %sub3A_1104 : vector<16xf32>
        %add3A_1228 = arith.addf %add3A_1226, %mul3A_1227 : vector<16xf32>
        %mul3A_1229 = arith.constant 16 : i32
        %mul3A_1230 = arith.muli %add3A_1086, %mul3A_1229 : i32
        %swap3A_1231 = arith.constant 0 : i32
        %swap3A_1232 = arith.constant 10 : i32
        %swap3A_1233 = arith.index_cast %swap3A_1231 : i32 to index
        %swap3A_1234 = arith.index_cast %swap3A_1232 : i32 to index
        %swap3A_1235 = arith.index_cast %mul3A_1230 : i32 to index
        %swap3A_1236 = tpu.vector_load %arg7[%swap3A_1233, %swap3A_1234, %swap3A_1235] {strides = array<i32>} : memref<2x16x1024xf32, #tpu.memory_space<vmem>>, vector<16xf32>,
        tpu.vector_store %arg7[%swap3A_1233, %swap3A_1234, %swap3A_1235], %add3A_1228 {add = true, strides = array<i32>} : memref<2x16x1024xf32, #tpu.memory_space<vmem>>, vector<16xf32>,
        %mul3A_1237 = arith.mulf %min3A_259, %sub3A_1103 : vector<16xf32>
        %add3A_1238 = arith.addf %get3A_1090, %mul3A_1237 : vector<16xf32>
        %mul3A_1239 = arith.mulf %max3A_265, %sub3A_1104 : vector<16xf32>
        %add3A_1240 = arith.addf %add3A_1238, %mul3A_1239 : vector<16xf32>
        %mul3A_1241 = arith.constant 16 : i32
        %mul3A_1242 = arith.muli %add3A_1086, %mul3A_1241 : i32
        %swap3A_1243 = arith.constant 0 : i32
        %swap3A_1244 = arith.constant 11 : i32
        %swap3A_1245 = arith.index_cast %swap3A_1243 : i32 to index
        %swap3A_1246 = arith.index_cast %swap3A_1244 : i32 to index
        %swap3A_1247 = arith.index_cast %mul3A_1242 : i32 to index
        %swap3A_1248 = tpu.vector_load %arg7[%swap3A_1245, %swap3A_1246, %swap3A_1247] {strides = array<i32>} : memref<2x16x1024xf32, #tpu.memory_space<vmem>>, vector<16xf32>,
        tpu.vector_store %arg7[%swap3A_1245, %swap3A_1246, %swap3A_1247], %add3A_1240 {add = true, strides = array<i32>} : memref<2x16x1024xf32, #tpu.memory_space<vmem>>, vector<16xf32>,
        %mul3A_1249 = arith.mulf %min3A_275, %sub3A_1103 : vector<16xf32>
        %add3A_1250 = arith.addf %get3A_1090, %mul3A_1249 : vector<16xf32>
        %mul3A_1251 = arith.mulf %max3A_281, %sub3A_1104 : vector<16xf32>
        %add3A_1252 = arith.addf %add3A_1250, %mul3A_1251 : vector<16xf32>
        %mul3A_1253 = arith.constant 16 : i32
        %mul3A_1254 = arith.muli %add3A_1086, %mul3A_1253 : i32
        %swap3A_1255 = arith.constant 0 : i32
        %swap3A_1256 = arith.constant 12 : i32
        %swap3A_1257 = arith.index_cast %swap3A_1255 : i32 to index
        %swap3A_1258 = arith.index_cast %swap3A_1256 : i32 to index
        %swap3A_1259 = arith.index_cast %mul3A_1254 : i32 to index
        %swap3A_1260 = tpu.vector_load %arg7[%swap3A_1257, %swap3A_1258, %swap3A_1259] {strides = array<i32>} : memref<2x16x1024xf32, #tpu.memory_space<vmem>>, vector<16xf32>,
        tpu.vector_store %arg7[%swap3A_1257, %swap3A_1258, %swap3A_1259], %add3A_1252 {add = true, strides = array<i32>} : memref<2x16x1024xf32, #tpu.memory_space<vmem>>, vector<16xf32>,
        %mul3A_1261 = arith.mulf %min3A_291, %sub3A_1103 : vector<16xf32>
        %add3A_1262 = arith.addf %get3A_1090, %mul3A_1261 : vector<16xf32>
        %mul3A_1263 = arith.mulf %max3A_297, %sub3A_1104 : vector<16xf32>
        %add3A_1264 = arith.addf %add3A_1262, %mul3A_1263 : vector<16xf32>
        %mul3A_1265 = arith.constant 16 : i32
        %mul3A_1266 = arith.muli %add3A_1086, %mul3A_1265 : i32
        %swap3A_1267 = arith.constant 0 : i32
        %swap3A_1268 = arith.constant 13 : i32
        %swap3A_1269 = arith.index_cast %swap3A_1267 : i32 to index
        %swap3A_1270 = arith.index_cast %swap3A_1268 : i32 to index
        %swap3A_1271 = arith.index_cast %mul3A_1266 : i32 to index
        %swap3A_1272 = tpu.vector_load %arg7[%swap3A_1269, %swap3A_1270, %swap3A_1271] {strides = array<i32>} : memref<2x16x1024xf32, #tpu.memory_space<vmem>>, vector<16xf32>,
        tpu.vector_store %arg7[%swap3A_1269, %swap3A_1270, %swap3A_1271], %add3A_1264 {add = true, strides = array<i32>} : memref<2x16x1024xf32, #tpu.memory_space<vmem>>, vector<16xf32>,
        %mul3A_1273 = arith.mulf %min3A_307, %sub3A_1103 : vector<16xf32>
        %add3A_1274 = arith.addf %get3A_1090, %mul3A_1273 : vector<16xf32>
        %mul3A_1275 = arith.mulf %max3A_313, %sub3A_1104 : vector<16xf32>
        %add3A_1276 = arith.addf %add3A_1274, %mul3A_1275 : vector<16xf32>
        %mul3A_1277 = arith.constant 16 : i32
        %mul3A_1278 = arith.muli %add3A_1086, %mul3A_1277 : i32
        %swap3A_1279 = arith.constant 0 : i32
        %swap3A_1280 = arith.constant 14 : i32
        %swap3A_1281 = arith.index_cast %swap3A_1279 : i32 to index
        %swap3A_1282 = arith.index_cast %swap3A_1280 : i32 to index
        %swap3A_1283 = arith.index_cast %mul3A_1278 : i32 to index
        %swap3A_1284 = tpu.vector_load %arg7[%swap3A_1281, %swap3A_1282, %swap3A_1283] {strides = array<i32>} : memref<2x16x1024xf32, #tpu.memory_space<vmem>>, vector<16xf32>,
        tpu.vector_store %arg7[%swap3A_1281, %swap3A_1282, %swap3A_1283], %add3A_1276 {add = true, strides = array<i32>} : memref<2x16x1024xf32, #tpu.memory_space<vmem>>, vector<16xf32>,
        %mul3A_1285 = arith.mulf %min3A_323, %sub3A_1103 : vector<16xf32>
        %add3A_1286 = arith.addf %get3A_1090, %mul3A_1285 : vector<16xf32>
        %mul3A_1287 = arith.mulf %max3A_329, %sub3A_1104 : vector<16xf32>
        %add3A_1288 = arith.addf %add3A_1286, %mul3A_1287 : vector<16xf32>
        %mul3A_1289 = arith.constant 16 : i32
        %mul3A_1290 = arith.muli %add3A_1086, %mul3A_1289 : i32
        %swap3A_1291 = arith.constant 0 : i32
        %swap3A_1292 = arith.constant 15 : i32
        %swap3A_1293 = arith.index_cast %swap3A_1291 : i32 to index
        %swap3A_1294 = arith.index_cast %swap3A_1292 : i32 to index
        %swap3A_1295 = arith.index_cast %mul3A_1290 : i32 to index
        %swap3A_1296 = tpu.vector_load %arg7[%swap3A_1293, %swap3A_1294, %swap3A_1295] {strides = array<i32>} : memref<2x16x1024xf32, #tpu.memory_space<vmem>>, vector<16xf32>,
        tpu.vector_store %arg7[%swap3A_1293, %swap3A_1294, %swap3A_1295], %add3A_1288 {add = true, strides = array<i32>} : memref<2x16x1024xf32, #tpu.memory_space<vmem>>, vector<16xf32>,
        %mul3A_1297 = arith.constant 4 : i32
        %mul3A_1298 = arith.muli %scan3A_656, %mul3A_1297 : i32
        %add3A_1299 = arith.constant 3 : i32
        %add3A_1300 = arith.addi %mul3A_1298, %add3A_1299 : i32
        %mul3A_1301 = arith.constant 16 : i32
        %mul3A_1302 = arith.muli %add3A_1300, %mul3A_1301 : i32
        %get3A_1303 = arith.index_cast %mul3A_1302 : i32 to index
        %get3A_1304 = tpu.vector_load %arg8[%get3A_1303] {strides = array<i32>} : memref<3072xf32, #tpu.memory_space<vmem>>, vector<16xf32>,
        %mul3A_1305 = arith.constant 16 : i32
        %mul3A_1306 = arith.muli %add3A_1300, %mul3A_1305 : i32
        %add3A_1307 = arith.constant 1024 : i32
        %add3A_1308 = arith.addi %add3A_1307, %mul3A_1306 : i32
        %get3A_1309 = arith.index_cast %add3A_1308 : i32 to index
        %get3A_1310 = tpu.vector_load %arg8[%get3A_1309] {strides = array<i32>} : memref<3072xf32, #tpu.memory_space<vmem>>, vector<16xf32>,
        %mul3A_1311 = arith.constant 16 : i32
        %mul3A_1312 = arith.muli %add3A_1300, %mul3A_1311 : i32
        %add3A_1313 = arith.constant 2048 : i32
        %add3A_1314 = arith.addi %add3A_1313, %mul3A_1312 : i32
        %get3A_1315 = arith.index_cast %add3A_1314 : i32 to index
        %get3A_1316 = tpu.vector_load %arg8[%get3A_1315] {strides = array<i32>} : memref<3072xf32, #tpu.memory_space<vmem>>, vector<16xf32>,
        %sub3A_1317 = arith.subf %get3A_1310, %get3A_1304 : vector<16xf32>
        %sub3A_1318 = arith.subf %get3A_1316, %get3A_1310 : vector<16xf32>
        %mul3A_1319 = arith.mulf %min3A_85, %sub3A_1317 : vector<16xf32>
        %add3A_1320 = arith.addf %get3A_1304, %mul3A_1319 : vector<16xf32>
        %mul3A_1321 = arith.mulf %max3A_89, %sub3A_1318 : vector<16xf32>
        %add3A_1322 = arith.addf %add3A_1320, %mul3A_1321 : vector<16xf32>
        %mul3A_1323 = arith.constant 16 : i32
        %mul3A_1324 = arith.muli %add3A_1300, %mul3A_1323 : i32
        %swap3A_1325 = arith.constant 0 : i32
        %swap3A_1326 = arith.constant 0 : i32
        %swap3A_1327 = arith.index_cast %swap3A_1325 : i32 to index
        %swap3A_1328 = arith.index_cast %swap3A_1326 : i32 to index
        %swap3A_1329 = arith.index_cast %mul3A_1324 : i32 to index
        %swap3A_1330 = tpu.vector_load %arg7[%swap3A_1327, %swap3A_1328, %swap3A_1329] {strides = array<i32>} : memref<2x16x1024xf32, #tpu.memory_space<vmem>>, vector<16xf32>,
        tpu.vector_store %arg7[%swap3A_1327, %swap3A_1328, %swap3A_1329], %add3A_1322 {add = true, strides = array<i32>} : memref<2x16x1024xf32, #tpu.memory_space<vmem>>, vector<16xf32>,
        %mul3A_1331 = arith.mulf %min3A_99, %sub3A_1317 : vector<16xf32>
        %add3A_1332 = arith.addf %get3A_1304, %mul3A_1331 : vector<16xf32>
        %mul3A_1333 = arith.mulf %max3A_105, %sub3A_1318 : vector<16xf32>
        %add3A_1334 = arith.addf %add3A_1332, %mul3A_1333 : vector<16xf32>
        %mul3A_1335 = arith.constant 16 : i32
        %mul3A_1336 = arith.muli %add3A_1300, %mul3A_1335 : i32
        %swap3A_1337 = arith.constant 0 : i32
        %swap3A_1338 = arith.constant 1 : i32
        %swap3A_1339 = arith.index_cast %swap3A_1337 : i32 to index
        %swap3A_1340 = arith.index_cast %swap3A_1338 : i32 to index
        %swap3A_1341 = arith.index_cast %mul3A_1336 : i32 to index
        %swap3A_1342 = tpu.vector_load %arg7[%swap3A_1339, %swap3A_1340, %swap3A_1341] {strides = array<i32>} : memref<2x16x1024xf32, #tpu.memory_space<vmem>>, vector<16xf32>,
        tpu.vector_store %arg7[%swap3A_1339, %swap3A_1340, %swap3A_1341], %add3A_1334 {add = true, strides = array<i32>} : memref<2x16x1024xf32, #tpu.memory_space<vmem>>, vector<16xf32>,
        %mul3A_1343 = arith.mulf %min3A_115, %sub3A_1317 : vector<16xf32>
        %add3A_1344 = arith.addf %get3A_1304, %mul3A_1343 : vector<16xf32>
        %mul3A_1345 = arith.mulf %max3A_121, %sub3A_1318 : vector<16xf32>
        %add3A_1346 = arith.addf %add3A_1344, %mul3A_1345 : vector<16xf32>
        %mul3A_1347 = arith.constant 16 : i32
        %mul3A_1348 = arith.muli %add3A_1300, %mul3A_1347 : i32
        %swap3A_1349 = arith.constant 0 : i32
        %swap3A_1350 = arith.constant 2 : i32
        %swap3A_1351 = arith.index_cast %swap3A_1349 : i32 to index
        %swap3A_1352 = arith.index_cast %swap3A_1350 : i32 to index
        %swap3A_1353 = arith.index_cast %mul3A_1348 : i32 to index
        %swap3A_1354 = tpu.vector_load %arg7[%swap3A_1351, %swap3A_1352, %swap3A_1353] {strides = array<i32>} : memref<2x16x1024xf32, #tpu.memory_space<vmem>>, vector<16xf32>,
        tpu.vector_store %arg7[%swap3A_1351, %swap3A_1352, %swap3A_1353], %add3A_1346 {add = true, strides = array<i32>} : memref<2x16x1024xf32, #tpu.memory_space<vmem>>, vector<16xf32>,
        %mul3A_1355 = arith.mulf %min3A_131, %sub3A_1317 : vector<16xf32>
        %add3A_1356 = arith.addf %get3A_1304, %mul3A_1355 : vector<16xf32>
        %mul3A_1357 = arith.mulf %max3A_137, %sub3A_1318 : vector<16xf32>
        %add3A_1358 = arith.addf %add3A_1356, %mul3A_1357 : vector<16xf32>
        %mul3A_1359 = arith.constant 16 : i32
        %mul3A_1360 = arith.muli %add3A_1300, %mul3A_1359 : i32
        %swap3A_1361 = arith.constant 0 : i32
        %swap3A_1362 = arith.constant 3 : i32
        %swap3A_1363 = arith.index_cast %swap3A_1361 : i32 to index
        %swap3A_1364 = arith.index_cast %swap3A_1362 : i32 to index
        %swap3A_1365 = arith.index_cast %mul3A_1360 : i32 to index
        %swap3A_1366 = tpu.vector_load %arg7[%swap3A_1363, %swap3A_1364, %swap3A_1365] {strides = array<i32>} : memref<2x16x1024xf32, #tpu.memory_space<vmem>>, vector<16xf32>,
        tpu.vector_store %arg7[%swap3A_1363, %swap3A_1364, %swap3A_1365], %add3A_1358 {add = true, strides = array<i32>} : memref<2x16x1024xf32, #tpu.memory_space<vmem>>, vector<16xf32>,
        %mul3A_1367 = arith.mulf %min3A_147, %sub3A_1317 : vector<16xf32>
        %add3A_1368 = arith.addf %get3A_1304, %mul3A_1367 : vector<16xf32>
        %mul3A_1369 = arith.mulf %max3A_153, %sub3A_1318 : vector<16xf32>
        %add3A_1370 = arith.addf %add3A_1368, %mul3A_1369 : vector<16xf32>
        %mul3A_1371 = arith.constant 16 : i32
        %mul3A_1372 = arith.muli %add3A_1300, %mul3A_1371 : i32
        %swap3A_1373 = arith.constant 0 : i32
        %swap3A_1374 = arith.constant 4 : i32
        %swap3A_1375 = arith.index_cast %swap3A_1373 : i32 to index
        %swap3A_1376 = arith.index_cast %swap3A_1374 : i32 to index
        %swap3A_1377 = arith.index_cast %mul3A_1372 : i32 to index
        %swap3A_1378 = tpu.vector_load %arg7[%swap3A_1375, %swap3A_1376, %swap3A_1377] {strides = array<i32>} : memref<2x16x1024xf32, #tpu.memory_space<vmem>>, vector<16xf32>,
        tpu.vector_store %arg7[%swap3A_1375, %swap3A_1376, %swap3A_1377], %add3A_1370 {add = true, strides = array<i32>} : memref<2x16x1024xf32, #tpu.memory_space<vmem>>, vector<16xf32>,
        %mul3A_1379 = arith.mulf %min3A_163, %sub3A_1317 : vector<16xf32>
        %add3A_1380 = arith.addf %get3A_1304, %mul3A_1379 : vector<16xf32>
        %mul3A_1381 = arith.mulf %max3A_169, %sub3A_1318 : vector<16xf32>
        %add3A_1382 = arith.addf %add3A_1380, %mul3A_1381 : vector<16xf32>
        %mul3A_1383 = arith.constant 16 : i32
        %mul3A_1384 = arith.muli %add3A_1300, %mul3A_1383 : i32
        %swap3A_1385 = arith.constant 0 : i32
        %swap3A_1386 = arith.constant 5 : i32
        %swap3A_1387 = arith.index_cast %swap3A_1385 : i32 to index
        %swap3A_1388 = arith.index_cast %swap3A_1386 : i32 to index
        %swap3A_1389 = arith.index_cast %mul3A_1384 : i32 to index
        %swap3A_1390 = tpu.vector_load %arg7[%swap3A_1387, %swap3A_1388, %swap3A_1389] {strides = array<i32>} : memref<2x16x1024xf32, #tpu.memory_space<vmem>>, vector<16xf32>,
        tpu.vector_store %arg7[%swap3A_1387, %swap3A_1388, %swap3A_1389], %add3A_1382 {add = true, strides = array<i32>} : memref<2x16x1024xf32, #tpu.memory_space<vmem>>, vector<16xf32>,
        %mul3A_1391 = arith.mulf %min3A_179, %sub3A_1317 : vector<16xf32>
        %add3A_1392 = arith.addf %get3A_1304, %mul3A_1391 : vector<16xf32>
        %mul3A_1393 = arith.mulf %max3A_185, %sub3A_1318 : vector<16xf32>
        %add3A_1394 = arith.addf %add3A_1392, %mul3A_1393 : vector<16xf32>
        %mul3A_1395 = arith.constant 16 : i32
        %mul3A_1396 = arith.muli %add3A_1300, %mul3A_1395 : i32
        %swap3A_1397 = arith.constant 0 : i32
        %swap3A_1398 = arith.constant 6 : i32
        %swap3A_1399 = arith.index_cast %swap3A_1397 : i32 to index
        %swap3A_1400 = arith.index_cast %swap3A_1398 : i32 to index
        %swap3A_1401 = arith.index_cast %mul3A_1396 : i32 to index
        %swap3A_1402 = tpu.vector_load %arg7[%swap3A_1399, %swap3A_1400, %swap3A_1401] {strides = array<i32>} : memref<2x16x1024xf32, #tpu.memory_space<vmem>>, vector<16xf32>,
        tpu.vector_store %arg7[%swap3A_1399, %swap3A_1400, %swap3A_1401], %add3A_1394 {add = true, strides = array<i32>} : memref<2x16x1024xf32, #tpu.memory_space<vmem>>, vector<16xf32>,
        %mul3A_1403 = arith.mulf %min3A_195, %sub3A_1317 : vector<16xf32>
        %add3A_1404 = arith.addf %get3A_1304, %mul3A_1403 : vector<16xf32>
        %mul3A_1405 = arith.mulf %max3A_201, %sub3A_1318 : vector<16xf32>
        %add3A_1406 = arith.addf %add3A_1404, %mul3A_1405 : vector<16xf32>
        %mul3A_1407 = arith.constant 16 : i32
        %mul3A_1408 = arith.muli %add3A_1300, %mul3A_1407 : i32
        %swap3A_1409 = arith.constant 0 : i32
        %swap3A_1410 = arith.constant 7 : i32
        %swap3A_1411 = arith.index_cast %swap3A_1409 : i32 to index
        %swap3A_1412 = arith.index_cast %swap3A_1410 : i32 to index
        %swap3A_1413 = arith.index_cast %mul3A_1408 : i32 to index
        %swap3A_1414 = tpu.vector_load %arg7[%swap3A_1411, %swap3A_1412, %swap3A_1413] {strides = array<i32>} : memref<2x16x1024xf32, #tpu.memory_space<vmem>>, vector<16xf32>,
        tpu.vector_store %arg7[%swap3A_1411, %swap3A_1412, %swap3A_1413], %add3A_1406 {add = true, strides = array<i32>} : memref<2x16x1024xf32, #tpu.memory_space<vmem>>, vector<16xf32>,
        %mul3A_1415 = arith.mulf %min3A_211, %sub3A_1317 : vector<16xf32>
        %add3A_1416 = arith.addf %get3A_1304, %mul3A_1415 : vector<16xf32>
        %mul3A_1417 = arith.mulf %max3A_217, %sub3A_1318 : vector<16xf32>
        %add3A_1418 = arith.addf %add3A_1416, %mul3A_1417 : vector<16xf32>
        %mul3A_1419 = arith.constant 16 : i32
        %mul3A_1420 = arith.muli %add3A_1300, %mul3A_1419 : i32
        %swap3A_1421 = arith.constant 0 : i32
        %swap3A_1422 = arith.constant 8 : i32
        %swap3A_1423 = arith.index_cast %swap3A_1421 : i32 to index
        %swap3A_1424 = arith.index_cast %swap3A_1422 : i32 to index
        %swap3A_1425 = arith.index_cast %mul3A_1420 : i32 to index
        %swap3A_1426 = tpu.vector_load %arg7[%swap3A_1423, %swap3A_1424, %swap3A_1425] {strides = array<i32>} : memref<2x16x1024xf32, #tpu.memory_space<vmem>>, vector<16xf32>,
        tpu.vector_store %arg7[%swap3A_1423, %swap3A_1424, %swap3A_1425], %add3A_1418 {add = true, strides = array<i32>} : memref<2x16x1024xf32, #tpu.memory_space<vmem>>, vector<16xf32>,
        %mul3A_1427 = arith.mulf %min3A_227, %sub3A_1317 : vector<16xf32>
        %add3A_1428 = arith.addf %get3A_1304, %mul3A_1427 : vector<16xf32>
        %mul3A_1429 = arith.mulf %max3A_233, %sub3A_1318 : vector<16xf32>
        %add3A_1430 = arith.addf %add3A_1428, %mul3A_1429 : vector<16xf32>
        %mul3A_1431 = arith.constant 16 : i32
        %mul3A_1432 = arith.muli %add3A_1300, %mul3A_1431 : i32
        %swap3A_1433 = arith.constant 0 : i32
        %swap3A_1434 = arith.constant 9 : i32
        %swap3A_1435 = arith.index_cast %swap3A_1433 : i32 to index
        %swap3A_1436 = arith.index_cast %swap3A_1434 : i32 to index
        %swap3A_1437 = arith.index_cast %mul3A_1432 : i32 to index
        %swap3A_1438 = tpu.vector_load %arg7[%swap3A_1435, %swap3A_1436, %swap3A_1437] {strides = array<i32>} : memref<2x16x1024xf32, #tpu.memory_space<vmem>>, vector<16xf32>,
        tpu.vector_store %arg7[%swap3A_1435, %swap3A_1436, %swap3A_1437], %add3A_1430 {add = true, strides = array<i32>} : memref<2x16x1024xf32, #tpu.memory_space<vmem>>, vector<16xf32>,
        %mul3A_1439 = arith.mulf %min3A_243, %sub3A_1317 : vector<16xf32>
        %add3A_1440 = arith.addf %get3A_1304, %mul3A_1439 : vector<16xf32>
        %mul3A_1441 = arith.mulf %max3A_249, %sub3A_1318 : vector<16xf32>
        %add3A_1442 = arith.addf %add3A_1440, %mul3A_1441 : vector<16xf32>
        %mul3A_1443 = arith.constant 16 : i32
        %mul3A_1444 = arith.muli %add3A_1300, %mul3A_1443 : i32
        %swap3A_1445 = arith.constant 0 : i32
        %swap3A_1446 = arith.constant 10 : i32
        %swap3A_1447 = arith.index_cast %swap3A_1445 : i32 to index
        %swap3A_1448 = arith.index_cast %swap3A_1446 : i32 to index
        %swap3A_1449 = arith.index_cast %mul3A_1444 : i32 to index
        %swap3A_1450 = tpu.vector_load %arg7[%swap3A_1447, %swap3A_1448, %swap3A_1449] {strides = array<i32>} : memref<2x16x1024xf32, #tpu.memory_space<vmem>>, vector<16xf32>,
        tpu.vector_store %arg7[%swap3A_1447, %swap3A_1448, %swap3A_1449], %add3A_1442 {add = true, strides = array<i32>} : memref<2x16x1024xf32, #tpu.memory_space<vmem>>, vector<16xf32>,
        %mul3A_1451 = arith.mulf %min3A_259, %sub3A_1317 : vector<16xf32>
        %add3A_1452 = arith.addf %get3A_1304, %mul3A_1451 : vector<16xf32>
        %mul3A_1453 = arith.mulf %max3A_265, %sub3A_1318 : vector<16xf32>
        %add3A_1454 = arith.addf %add3A_1452, %mul3A_1453 : vector<16xf32>
        %mul3A_1455 = arith.constant 16 : i32
        %mul3A_1456 = arith.muli %add3A_1300, %mul3A_1455 : i32
        %swap3A_1457 = arith.constant 0 : i32
        %swap3A_1458 = arith.constant 11 : i32
        %swap3A_1459 = arith.index_cast %swap3A_1457 : i32 to index
        %swap3A_1460 = arith.index_cast %swap3A_1458 : i32 to index
        %swap3A_1461 = arith.index_cast %mul3A_1456 : i32 to index
        %swap3A_1462 = tpu.vector_load %arg7[%swap3A_1459, %swap3A_1460, %swap3A_1461] {strides = array<i32>} : memref<2x16x1024xf32, #tpu.memory_space<vmem>>, vector<16xf32>,
        tpu.vector_store %arg7[%swap3A_1459, %swap3A_1460, %swap3A_1461], %add3A_1454 {add = true, strides = array<i32>} : memref<2x16x1024xf32, #tpu.memory_space<vmem>>, vector<16xf32>,
        %mul3A_1463 = arith.mulf %min3A_275, %sub3A_1317 : vector<16xf32>
        %add3A_1464 = arith.addf %get3A_1304, %mul3A_1463 : vector<16xf32>
        %mul3A_1465 = arith.mulf %max3A_281, %sub3A_1318 : vector<16xf32>
        %add3A_1466 = arith.addf %add3A_1464, %mul3A_1465 : vector<16xf32>
        %mul3A_1467 = arith.constant 16 : i32
        %mul3A_1468 = arith.muli %add3A_1300, %mul3A_1467 : i32
        %swap3A_1469 = arith.constant 0 : i32
        %swap3A_1470 = arith.constant 12 : i32
        %swap3A_1471 = arith.index_cast %swap3A_1469 : i32 to index
        %swap3A_1472 = arith.index_cast %swap3A_1470 : i32 to index
        %swap3A_1473 = arith.index_cast %mul3A_1468 : i32 to index
        %swap3A_1474 = tpu.vector_load %arg7[%swap3A_1471, %swap3A_1472, %swap3A_1473] {strides = array<i32>} : memref<2x16x1024xf32, #tpu.memory_space<vmem>>, vector<16xf32>,
        tpu.vector_store %arg7[%swap3A_1471, %swap3A_1472, %swap3A_1473], %add3A_1466 {add = true, strides = array<i32>} : memref<2x16x1024xf32, #tpu.memory_space<vmem>>, vector<16xf32>,
        %mul3A_1475 = arith.mulf %min3A_291, %sub3A_1317 : vector<16xf32>
        %add3A_1476 = arith.addf %get3A_1304, %mul3A_1475 : vector<16xf32>
        %mul3A_1477 = arith.mulf %max3A_297, %sub3A_1318 : vector<16xf32>
        %add3A_1478 = arith.addf %add3A_1476, %mul3A_1477 : vector<16xf32>
        %mul3A_1479 = arith.constant 16 : i32
        %mul3A_1480 = arith.muli %add3A_1300, %mul3A_1479 : i32
        %swap3A_1481 = arith.constant 0 : i32
        %swap3A_1482 = arith.constant 13 : i32
        %swap3A_1483 = arith.index_cast %swap3A_1481 : i32 to index
        %swap3A_1484 = arith.index_cast %swap3A_1482 : i32 to index
        %swap3A_1485 = arith.index_cast %mul3A_1480 : i32 to index
        %swap3A_1486 = tpu.vector_load %arg7[%swap3A_1483, %swap3A_1484, %swap3A_1485] {strides = array<i32>} : memref<2x16x1024xf32, #tpu.memory_space<vmem>>, vector<16xf32>,
        tpu.vector_store %arg7[%swap3A_1483, %swap3A_1484, %swap3A_1485], %add3A_1478 {add = true, strides = array<i32>} : memref<2x16x1024xf32, #tpu.memory_space<vmem>>, vector<16xf32>,
        %mul3A_1487 = arith.mulf %min3A_307, %sub3A_1317 : vector<16xf32>
        %add3A_1488 = arith.addf %get3A_1304, %mul3A_1487 : vector<16xf32>
        %mul3A_1489 = arith.mulf %max3A_313, %sub3A_1318 : vector<16xf32>
        %add3A_1490 = arith.addf %add3A_1488, %mul3A_1489 : vector<16xf32>
        %mul3A_1491 = arith.constant 16 : i32
        %mul3A_1492 = arith.muli %add3A_1300, %mul3A_1491 : i32
        %swap3A_1493 = arith.constant 0 : i32
        %swap3A_1494 = arith.constant 14 : i32
        %swap3A_1495 = arith.index_cast %swap3A_1493 : i32 to index
        %swap3A_1496 = arith.index_cast %swap3A_1494 : i32 to index
        %swap3A_1497 = arith.index_cast %mul3A_1492 : i32 to index
        %swap3A_1498 = tpu.vector_load %arg7[%swap3A_1495, %swap3A_1496, %swap3A_1497] {strides = array<i32>} : memref<2x16x1024xf32, #tpu.memory_space<vmem>>, vector<16xf32>,
        tpu.vector_store %arg7[%swap3A_1495, %swap3A_1496, %swap3A_1497], %add3A_1490 {add = true, strides = array<i32>} : memref<2x16x1024xf32, #tpu.memory_space<vmem>>, vector<16xf32>,
        %mul3A_1499 = arith.mulf %min3A_323, %sub3A_1317 : vector<16xf32>
        %add3A_1500 = arith.addf %get3A_1304, %mul3A_1499 : vector<16xf32>
        %mul3A_1501 = arith.mulf %max3A_329, %sub3A_1318 : vector<16xf32>
        %add3A_1502 = arith.addf %add3A_1500, %mul3A_1501 : vector<16xf32>
        %mul3A_1503 = arith.constant 16 : i32
        %mul3A_1504 = arith.muli %add3A_1300, %mul3A_1503 : i32
        %swap3A_1505 = arith.constant 0 : i32
        %swap3A_1506 = arith.constant 15 : i32
        %swap3A_1507 = arith.index_cast %swap3A_1505 : i32 to index
        %swap3A_1508 = arith.index_cast %swap3A_1506 : i32 to index
        %swap3A_1509 = arith.index_cast %mul3A_1504 : i32 to index
        %swap3A_1510 = tpu.vector_load %arg7[%swap3A_1507, %swap3A_1508, %swap3A_1509] {strides = array<i32>} : memref<2x16x1024xf32, #tpu.memory_space<vmem>>, vector<16xf32>,
        tpu.vector_store %arg7[%swap3A_1507, %swap3A_1508, %swap3A_1509], %add3A_1502 {add = true, strides = array<i32>} : memref<2x16x1024xf32, #tpu.memory_space<vmem>>, vector<16xf32>,
      }
      %scan3A_335 = arith.constant 16 : i32
      %mul3A_336 = arith.constant 16 : i32
      %mul3A_337 = arith.muli %add3A_59, %mul3A_336 : i32
      %add3A_338 = arith.addi %mul3A_2, %mul3A_337 : i32
      %dma_start3A_339 = arith.constant 0 : i32
      %dma_start3A_340 = arith.constant 0 : i32
      %dma_start3A_341 = arith.constant 0 : i32
      %dma_start3A_342 = tpu.memref_slice %arg7[%dma_start3A_339, %dma_start3A_340, %dma_start3A_341] : memref<2x16x1024xf32, #tpu.memory_space<vmem>> -> memref<1x16x1024xf32, #tpu.memory_space<vmem>>
      %dma_start3A_343 = tpu.memref_squeeze %dma_start3A_342 : memref<1x16x1024xf32, #tpu.memory_space<vmem>> -> memref<16x1024xf32, #tpu.memory_space<vmem>>
      %dma_start3A_344 = arith.constant 0 : i32
      %dma_start3A_345 = tpu.memref_slice %arg5[%add3A_338, %dma_start3A_344] : memref<16384x1024xf32, #tpu.memory_space<hbm>> -> memref<16x1024xf32, #tpu.memory_space<hbm>>
      %dma_start3A_346 = arith.constant 0 : i32
      %dma_start3A_347 = tpu.memref_slice %arg5[%add3A_338, %dma_start3A_346] : memref<16384x1024xf32, #tpu.memory_space<hbm>> -> memref<16x1024xf32, #tpu.memory_space<hbm>>
      %dma_start3A_348 = arith.constant 0 : i32
      %dma_start3A_349 = arith.constant 0 : i32
      %dma_start3A_350 = tpu.memref_slice %arg7[%dma_start3A_339, %dma_start3A_348, %dma_start3A_349] : memref<2x16x1024xf32, #tpu.memory_space<vmem>> -> memref<1x16x1024xf32, #tpu.memory_space<vmem>>
      %dma_start3A_351 = tpu.memref_squeeze %dma_start3A_350 : memref<1x16x1024xf32, #tpu.memory_space<vmem>> -> memref<16x1024xf32, #tpu.memory_space<vmem>>
      tpu.enqueue_dma source(%dma_start3A_351 : memref<16x1024xf32, #tpu.memory_space<vmem>>) target(%dma_start3A_347 : memref<16x1024xf32, #tpu.memory_space<hbm>>) target_semaphore(%arg11 : memref<!tpu.dma_semaphore, #tpu.memory_space<semaphore_mem>>)
      %mul3A_352 = arith.constant 2 : i32
      %mul3A_353 = arith.muli %mul3A_352, %scan3A_55 : i32
      %add3A_354 = arith.constant 1 : i32
      %add3A_355 = arith.addi %mul3A_353, %add3A_354 : i32
      %add3A_356 = arith.constant 1 : i32
      %add3A_357 = arith.addi %add3A_355, %add3A_356 : i32
      %lt3A_358 = arith.constant 32 : i32
      %lt3A_359 = arith.cmpi slt, %add3A_357, %lt3A_358 : i32
      %convert_element_type3A_360 = arith.extui %lt3A_359 : i1 to i32
      %cond3A_361 = arith.constant 0 : i32
      %cond3A_362 = arith.cmpi ne, %convert_element_type3A_360, %cond3A_361 : i32
      scf.if %cond3A_362 {
        %ge3A = arith.constant 1 : i32
        %ge3A_656 = arith.cmpi sge, %add3A_355, %ge3A : i32
        %convert_element_type3A_657 = arith.extui %ge3A_656 : i1 to i32
        %cond3A_658 = arith.constant 0 : i32
        %cond3A_659 = arith.cmpi ne, %convert_element_type3A_657, %cond3A_658 : i32
        scf.if %cond3A_659 {
          %dma_wait3A_678 = arith.constant 0 : i32
          %dma_wait3A_679 = arith.constant 0 : i32
          %dma_wait3A_680 = arith.constant 0 : i32
          %dma_wait3A_681 = tpu.memref_slice %arg7[%dma_wait3A_678, %dma_wait3A_679, %dma_wait3A_680] : memref<2x16x1024xf32, #tpu.memory_space<vmem>> -> memref<1x16x1024xf32, #tpu.memory_space<vmem>>
          %dma_wait3A_682 = tpu.memref_squeeze %dma_wait3A_681 : memref<1x16x1024xf32, #tpu.memory_space<vmem>> -> memref<16x1024xf32, #tpu.memory_space<vmem>>
          %dma_wait3A_683 = arith.constant 0 : i32
          %dma_wait3A_684 = arith.constant 0 : i32
          %dma_wait3A_685 = tpu.memref_slice %arg5[%dma_wait3A_683, %dma_wait3A_684] : memref<16384x1024xf32, #tpu.memory_space<hbm>> -> memref<16x1024xf32, #tpu.memory_space<hbm>>
          %dma_wait3A_686 = arith.constant 0 : i32
          %dma_wait3A_687 = arith.constant 0 : i32
          %dma_wait3A_688 = tpu.memref_slice %arg5[%dma_wait3A_686, %dma_wait3A_687] : memref<16384x1024xf32, #tpu.memory_space<hbm>> -> memref<16x1024xf32, #tpu.memory_space<hbm>>
          %dma_wait3A_689 = arith.constant 0 : i32
          %dma_wait3A_690 = arith.constant 0 : i32
          %dma_wait3A_691 = tpu.memref_slice %arg7[%dma_wait3A_678, %dma_wait3A_689, %dma_wait3A_690] : memref<2x16x1024xf32, #tpu.memory_space<vmem>> -> memref<1x16x1024xf32, #tpu.memory_space<vmem>>
          %dma_wait3A_692 = tpu.memref_squeeze %dma_wait3A_691 : memref<1x16x1024xf32, #tpu.memory_space<vmem>> -> memref<16x1024xf32, #tpu.memory_space<vmem>>
          tpu.wait_dma2 semaphore(%arg11 : memref<!tpu.dma_semaphore, #tpu.memory_space<semaphore_mem>>) src(%dma_wait3A_692 : memref<16x1024xf32, #tpu.memory_space<vmem>>) dst(%dma_wait3A_688 : memref<16x1024xf32, #tpu.memory_space<hbm>>)
        } else {
        }
        %add3A_660 = arith.constant 1 : i32
        %add3A_661 = arith.addi %add3A_355, %add3A_660 : i32
        %mul3A_662 = arith.constant 16 : i32
        %mul3A_663 = arith.muli %add3A_661, %mul3A_662 : i32
        %add3A_664 = arith.addi %mul3A_2, %mul3A_663 : i32
        %dma_start3A_665 = arith.constant 0 : i32
        %dma_start3A_666 = arith.constant 0 : i32
        %dma_start3A_667 = arith.constant 0 : i32
        %dma_start3A_668 = tpu.memref_slice %arg7[%dma_start3A_665, %dma_start3A_666, %dma_start3A_667] : memref<2x16x1024xf32, #tpu.memory_space<vmem>> -> memref<1x16x1024xf32, #tpu.memory_space<vmem>>
        %dma_start3A_669 = tpu.memref_squeeze %dma_start3A_668 : memref<1x16x1024xf32, #tpu.memory_space<vmem>> -> memref<16x1024xf32, #tpu.memory_space<vmem>>
        %dma_start3A_670 = arith.constant 0 : i32
        %dma_start3A_671 = tpu.memref_slice %arg2[%add3A_664, %dma_start3A_670] : memref<16384x1024xf32, #tpu.memory_space<hbm>> -> memref<16x1024xf32, #tpu.memory_space<hbm>>
        %dma_start3A_672 = arith.constant 0 : i32
        %dma_start3A_673 = arith.constant 0 : i32
        %dma_start3A_674 = tpu.memref_slice %arg7[%dma_start3A_665, %dma_start3A_672, %dma_start3A_673] : memref<2x16x1024xf32, #tpu.memory_space<vmem>> -> memref<1x16x1024xf32, #tpu.memory_space<vmem>>
        %dma_start3A_675 = tpu.memref_squeeze %dma_start3A_674 : memref<1x16x1024xf32, #tpu.memory_space<vmem>> -> memref<16x1024xf32, #tpu.memory_space<vmem>>
        %dma_start3A_676 = arith.constant 0 : i32
        %dma_start3A_677 = tpu.memref_slice %arg2[%add3A_664, %dma_start3A_676] : memref<16384x1024xf32, #tpu.memory_space<hbm>> -> memref<16x1024xf32, #tpu.memory_space<hbm>>
        tpu.enqueue_dma source(%dma_start3A_677 : memref<16x1024xf32, #tpu.memory_space<hbm>>) target(%dma_start3A_675 : memref<16x1024xf32, #tpu.memory_space<vmem>>) target_semaphore(%arg9 : memref<!tpu.dma_semaphore, #tpu.memory_space<semaphore_mem>>)
      } else {
      }
      %dma_wait3A_363 = arith.constant 1 : i32
      %dma_wait3A_364 = arith.constant 0 : i32
      %dma_wait3A_365 = arith.constant 0 : i32
      %dma_wait3A_366 = tpu.memref_slice %arg7[%dma_wait3A_363, %dma_wait3A_364, %dma_wait3A_365] : memref<2x16x1024xf32, #tpu.memory_space<vmem>> -> memref<1x16x1024xf32, #tpu.memory_space<vmem>>
      %dma_wait3A_367 = tpu.memref_squeeze %dma_wait3A_366 : memref<1x16x1024xf32, #tpu.memory_space<vmem>> -> memref<16x1024xf32, #tpu.memory_space<vmem>>
      %dma_wait3A_368 = arith.constant 0 : i32
      %dma_wait3A_369 = arith.constant 0 : i32
      %dma_wait3A_370 = tpu.memref_slice %arg2[%dma_wait3A_368, %dma_wait3A_369] : memref<16384x1024xf32, #tpu.memory_space<hbm>> -> memref<16x1024xf32, #tpu.memory_space<hbm>>
      %dma_wait3A_371 = arith.constant 0 : i32
      %dma_wait3A_372 = arith.constant 0 : i32
      %dma_wait3A_373 = tpu.memref_slice %arg7[%dma_wait3A_363, %dma_wait3A_371, %dma_wait3A_372] : memref<2x16x1024xf32, #tpu.memory_space<vmem>> -> memref<1x16x1024xf32, #tpu.memory_space<vmem>>
      %dma_wait3A_374 = tpu.memref_squeeze %dma_wait3A_373 : memref<1x16x1024xf32, #tpu.memory_space<vmem>> -> memref<16x1024xf32, #tpu.memory_space<vmem>>
      %dma_wait3A_375 = arith.constant 0 : i32
      %dma_wait3A_376 = arith.constant 0 : i32
      %dma_wait3A_377 = tpu.memref_slice %arg2[%dma_wait3A_375, %dma_wait3A_376] : memref<16384x1024xf32, #tpu.memory_space<hbm>> -> memref<16x1024xf32, #tpu.memory_space<hbm>>
      tpu.wait_dma2 semaphore(%arg10 : memref<!tpu.dma_semaphore, #tpu.memory_space<semaphore_mem>>) src(%dma_wait3A_377 : memref<16x1024xf32, #tpu.memory_space<hbm>>) dst(%dma_wait3A_374 : memref<16x1024xf32, #tpu.memory_space<vmem>>)
      %mul3A_378 = arith.constant 16 : i32
      %mul3A_379 = arith.muli %add3A_355, %mul3A_378 : i32
      %add3A_380 = arith.constant 0 : i32
      %add3A_381 = arith.addi %mul3A_379, %add3A_380 : i32
      %broadcast_in_dim3A_382 = vector.broadcast %add3A_381 : i32 to vector<16xi32>
      %gather3A_383 = tpu.vector_load_idx %arg6[%broadcast_in_dim3A_382] : memref<512xi32, #tpu.memory_space<vmem>>[vector<16xi32>], vector<16xi32>,
      %convert_element_type3A_384 = arith.sitofp %gather3A_383 : vector<16xi32> to vector<16xf32>
      %min3A_385 = arith.constant 1.000000e+00 : f32
      %min3A_386 = vector.broadcast %min3A_385 : f32 to vector<16xf32>
      %min3A_387 = arith.minimumf %convert_element_type3A_384, %min3A_386 : vector<16xf32>
      %sub3A_388 = arith.constant 1.000000e+00 : f32
      %sub3A_389 = vector.broadcast %sub3A_388 : f32 to vector<16xf32>
      %sub3A_390 = arith.subf %convert_element_type3A_384, %sub3A_389 : vector<16xf32>
      %max3A_391 = arith.constant 0.000000e+00 : f32
      %max3A_392 = vector.broadcast %max3A_391 : f32 to vector<16xf32>
      %max3A_393 = arith.maximumf %sub3A_390, %max3A_392 : vector<16xf32>
      %mul3A_394 = arith.constant 16 : i32
      %mul3A_395 = arith.muli %add3A_355, %mul3A_394 : i32
      %add3A_396 = arith.constant 1 : i32
      %add3A_397 = arith.addi %mul3A_395, %add3A_396 : i32
      %broadcast_in_dim3A_398 = vector.broadcast %add3A_397 : i32 to vector<16xi32>
      %gather3A_399 = tpu.vector_load_idx %arg6[%broadcast_in_dim3A_398] : memref<512xi32, #tpu.memory_space<vmem>>[vector<16xi32>], vector<16xi32>,
      %convert_element_type3A_400 = arith.sitofp %gather3A_399 : vector<16xi32> to vector<16xf32>
      %min3A_401 = arith.constant 1.000000e+00 : f32
      %min3A_402 = vector.broadcast %min3A_401 : f32 to vector<16xf32>
      %min3A_403 = arith.minimumf %convert_element_type3A_400, %min3A_402 : vector<16xf32>
      %sub3A_404 = arith.constant 1.000000e+00 : f32
      %sub3A_405 = vector.broadcast %sub3A_404 : f32 to vector<16xf32>
      %sub3A_406 = arith.subf %convert_element_type3A_400, %sub3A_405 : vector<16xf32>
      %max3A_407 = arith.constant 0.000000e+00 : f32
      %max3A_408 = vector.broadcast %max3A_407 : f32 to vector<16xf32>
      %max3A_409 = arith.maximumf %sub3A_406, %max3A_408 : vector<16xf32>
      %mul3A_410 = arith.constant 16 : i32
      %mul3A_411 = arith.muli %add3A_355, %mul3A_410 : i32
      %add3A_412 = arith.constant 2 : i32
      %add3A_413 = arith.addi %mul3A_411, %add3A_412 : i32
      %broadcast_in_dim3A_414 = vector.broadcast %add3A_413 : i32 to vector<16xi32>
      %gather3A_415 = tpu.vector_load_idx %arg6[%broadcast_in_dim3A_414] : memref<512xi32, #tpu.memory_space<vmem>>[vector<16xi32>], vector<16xi32>,
      %convert_element_type3A_416 = arith.sitofp %gather3A_415 : vector<16xi32> to vector<16xf32>
      %min3A_417 = arith.constant 1.000000e+00 : f32
      %min3A_418 = vector.broadcast %min3A_417 : f32 to vector<16xf32>
      %min3A_419 = arith.minimumf %convert_element_type3A_416, %min3A_418 : vector<16xf32>
      %sub3A_420 = arith.constant 1.000000e+00 : f32
      %sub3A_421 = vector.broadcast %sub3A_420 : f32 to vector<16xf32>
      %sub3A_422 = arith.subf %convert_element_type3A_416, %sub3A_421 : vector<16xf32>
      %max3A_423 = arith.constant 0.000000e+00 : f32
      %max3A_424 = vector.broadcast %max3A_423 : f32 to vector<16xf32>
      %max3A_425 = arith.maximumf %sub3A_422, %max3A_424 : vector<16xf32>
      %mul3A_426 = arith.constant 16 : i32
      %mul3A_427 = arith.muli %add3A_355, %mul3A_426 : i32
      %add3A_428 = arith.constant 3 : i32
      %add3A_429 = arith.addi %mul3A_427, %add3A_428 : i32
      %broadcast_in_dim3A_430 = vector.broadcast %add3A_429 : i32 to vector<16xi32>
      %gather3A_431 = tpu.vector_load_idx %arg6[%broadcast_in_dim3A_430] : memref<512xi32, #tpu.memory_space<vmem>>[vector<16xi32>], vector<16xi32>,
      %convert_element_type3A_432 = arith.sitofp %gather3A_431 : vector<16xi32> to vector<16xf32>
      %min3A_433 = arith.constant 1.000000e+00 : f32
      %min3A_434 = vector.broadcast %min3A_433 : f32 to vector<16xf32>
      %min3A_435 = arith.minimumf %convert_element_type3A_432, %min3A_434 : vector<16xf32>
      %sub3A_436 = arith.constant 1.000000e+00 : f32
      %sub3A_437 = vector.broadcast %sub3A_436 : f32 to vector<16xf32>
      %sub3A_438 = arith.subf %convert_element_type3A_432, %sub3A_437 : vector<16xf32>
      %max3A_439 = arith.constant 0.000000e+00 : f32
      %max3A_440 = vector.broadcast %max3A_439 : f32 to vector<16xf32>
      %max3A_441 = arith.maximumf %sub3A_438, %max3A_440 : vector<16xf32>
      %mul3A_442 = arith.constant 16 : i32
      %mul3A_443 = arith.muli %add3A_355, %mul3A_442 : i32
      %add3A_444 = arith.constant 4 : i32
      %add3A_445 = arith.addi %mul3A_443, %add3A_444 : i32
      %broadcast_in_dim3A_446 = vector.broadcast %add3A_445 : i32 to vector<16xi32>
      %gather3A_447 = tpu.vector_load_idx %arg6[%broadcast_in_dim3A_446] : memref<512xi32, #tpu.memory_space<vmem>>[vector<16xi32>], vector<16xi32>,
      %convert_element_type3A_448 = arith.sitofp %gather3A_447 : vector<16xi32> to vector<16xf32>
      %min3A_449 = arith.constant 1.000000e+00 : f32
      %min3A_450 = vector.broadcast %min3A_449 : f32 to vector<16xf32>
      %min3A_451 = arith.minimumf %convert_element_type3A_448, %min3A_450 : vector<16xf32>
      %sub3A_452 = arith.constant 1.000000e+00 : f32
      %sub3A_453 = vector.broadcast %sub3A_452 : f32 to vector<16xf32>
      %sub3A_454 = arith.subf %convert_element_type3A_448, %sub3A_453 : vector<16xf32>
      %max3A_455 = arith.constant 0.000000e+00 : f32
      %max3A_456 = vector.broadcast %max3A_455 : f32 to vector<16xf32>
      %max3A_457 = arith.maximumf %sub3A_454, %max3A_456 : vector<16xf32>
      %mul3A_458 = arith.constant 16 : i32
      %mul3A_459 = arith.muli %add3A_355, %mul3A_458 : i32
      %add3A_460 = arith.constant 5 : i32
      %add3A_461 = arith.addi %mul3A_459, %add3A_460 : i32
      %broadcast_in_dim3A_462 = vector.broadcast %add3A_461 : i32 to vector<16xi32>
      %gather3A_463 = tpu.vector_load_idx %arg6[%broadcast_in_dim3A_462] : memref<512xi32, #tpu.memory_space<vmem>>[vector<16xi32>], vector<16xi32>,
      %convert_element_type3A_464 = arith.sitofp %gather3A_463 : vector<16xi32> to vector<16xf32>
      %min3A_465 = arith.constant 1.000000e+00 : f32
      %min3A_466 = vector.broadcast %min3A_465 : f32 to vector<16xf32>
      %min3A_467 = arith.minimumf %convert_element_type3A_464, %min3A_466 : vector<16xf32>
      %sub3A_468 = arith.constant 1.000000e+00 : f32
      %sub3A_469 = vector.broadcast %sub3A_468 : f32 to vector<16xf32>
      %sub3A_470 = arith.subf %convert_element_type3A_464, %sub3A_469 : vector<16xf32>
      %max3A_471 = arith.constant 0.000000e+00 : f32
      %max3A_472 = vector.broadcast %max3A_471 : f32 to vector<16xf32>
      %max3A_473 = arith.maximumf %sub3A_470, %max3A_472 : vector<16xf32>
      %mul3A_474 = arith.constant 16 : i32
      %mul3A_475 = arith.muli %add3A_355, %mul3A_474 : i32
      %add3A_476 = arith.constant 6 : i32
      %add3A_477 = arith.addi %mul3A_475, %add3A_476 : i32
      %broadcast_in_dim3A_478 = vector.broadcast %add3A_477 : i32 to vector<16xi32>
      %gather3A_479 = tpu.vector_load_idx %arg6[%broadcast_in_dim3A_478] : memref<512xi32, #tpu.memory_space<vmem>>[vector<16xi32>], vector<16xi32>,
      %convert_element_type3A_480 = arith.sitofp %gather3A_479 : vector<16xi32> to vector<16xf32>
      %min3A_481 = arith.constant 1.000000e+00 : f32
      %min3A_482 = vector.broadcast %min3A_481 : f32 to vector<16xf32>
      %min3A_483 = arith.minimumf %convert_element_type3A_480, %min3A_482 : vector<16xf32>
      %sub3A_484 = arith.constant 1.000000e+00 : f32
      %sub3A_485 = vector.broadcast %sub3A_484 : f32 to vector<16xf32>
      %sub3A_486 = arith.subf %convert_element_type3A_480, %sub3A_485 : vector<16xf32>
      %max3A_487 = arith.constant 0.000000e+00 : f32
      %max3A_488 = vector.broadcast %max3A_487 : f32 to vector<16xf32>
      %max3A_489 = arith.maximumf %sub3A_486, %max3A_488 : vector<16xf32>
      %mul3A_490 = arith.constant 16 : i32
      %mul3A_491 = arith.muli %add3A_355, %mul3A_490 : i32
      %add3A_492 = arith.constant 7 : i32
      %add3A_493 = arith.addi %mul3A_491, %add3A_492 : i32
      %broadcast_in_dim3A_494 = vector.broadcast %add3A_493 : i32 to vector<16xi32>
      %gather3A_495 = tpu.vector_load_idx %arg6[%broadcast_in_dim3A_494] : memref<512xi32, #tpu.memory_space<vmem>>[vector<16xi32>], vector<16xi32>,
      %convert_element_type3A_496 = arith.sitofp %gather3A_495 : vector<16xi32> to vector<16xf32>
      %min3A_497 = arith.constant 1.000000e+00 : f32
      %min3A_498 = vector.broadcast %min3A_497 : f32 to vector<16xf32>
      %min3A_499 = arith.minimumf %convert_element_type3A_496, %min3A_498 : vector<16xf32>
      %sub3A_500 = arith.constant 1.000000e+00 : f32
      %sub3A_501 = vector.broadcast %sub3A_500 : f32 to vector<16xf32>
      %sub3A_502 = arith.subf %convert_element_type3A_496, %sub3A_501 : vector<16xf32>
      %max3A_503 = arith.constant 0.000000e+00 : f32
      %max3A_504 = vector.broadcast %max3A_503 : f32 to vector<16xf32>
      %max3A_505 = arith.maximumf %sub3A_502, %max3A_504 : vector<16xf32>
      %mul3A_506 = arith.constant 16 : i32
      %mul3A_507 = arith.muli %add3A_355, %mul3A_506 : i32
      %add3A_508 = arith.constant 8 : i32
      %add3A_509 = arith.addi %mul3A_507, %add3A_508 : i32
      %broadcast_in_dim3A_510 = vector.broadcast %add3A_509 : i32 to vector<16xi32>
      %gather3A_511 = tpu.vector_load_idx %arg6[%broadcast_in_dim3A_510] : memref<512xi32, #tpu.memory_space<vmem>>[vector<16xi32>], vector<16xi32>,
      %convert_element_type3A_512 = arith.sitofp %gather3A_511 : vector<16xi32> to vector<16xf32>
      %min3A_513 = arith.constant 1.000000e+00 : f32
      %min3A_514 = vector.broadcast %min3A_513 : f32 to vector<16xf32>
      %min3A_515 = arith.minimumf %convert_element_type3A_512, %min3A_514 : vector<16xf32>
      %sub3A_516 = arith.constant 1.000000e+00 : f32
      %sub3A_517 = vector.broadcast %sub3A_516 : f32 to vector<16xf32>
      %sub3A_518 = arith.subf %convert_element_type3A_512, %sub3A_517 : vector<16xf32>
      %max3A_519 = arith.constant 0.000000e+00 : f32
      %max3A_520 = vector.broadcast %max3A_519 : f32 to vector<16xf32>
      %max3A_521 = arith.maximumf %sub3A_518, %max3A_520 : vector<16xf32>
      %mul3A_522 = arith.constant 16 : i32
      %mul3A_523 = arith.muli %add3A_355, %mul3A_522 : i32
      %add3A_524 = arith.constant 9 : i32
      %add3A_525 = arith.addi %mul3A_523, %add3A_524 : i32
      %broadcast_in_dim3A_526 = vector.broadcast %add3A_525 : i32 to vector<16xi32>
      %gather3A_527 = tpu.vector_load_idx %arg6[%broadcast_in_dim3A_526] : memref<512xi32, #tpu.memory_space<vmem>>[vector<16xi32>], vector<16xi32>,
      %convert_element_type3A_528 = arith.sitofp %gather3A_527 : vector<16xi32> to vector<16xf32>
      %min3A_529 = arith.constant 1.000000e+00 : f32
      %min3A_530 = vector.broadcast %min3A_529 : f32 to vector<16xf32>
      %min3A_531 = arith.minimumf %convert_element_type3A_528, %min3A_530 : vector<16xf32>
      %sub3A_532 = arith.constant 1.000000e+00 : f32
      %sub3A_533 = vector.broadcast %sub3A_532 : f32 to vector<16xf32>
      %sub3A_534 = arith.subf %convert_element_type3A_528, %sub3A_533 : vector<16xf32>
      %max3A_535 = arith.constant 0.000000e+00 : f32
      %max3A_536 = vector.broadcast %max3A_535 : f32 to vector<16xf32>
      %max3A_537 = arith.maximumf %sub3A_534, %max3A_536 : vector<16xf32>
      %mul3A_538 = arith.constant 16 : i32
      %mul3A_539 = arith.muli %add3A_355, %mul3A_538 : i32
      %add3A_540 = arith.constant 10 : i32
      %add3A_541 = arith.addi %mul3A_539, %add3A_540 : i32
      %broadcast_in_dim3A_542 = vector.broadcast %add3A_541 : i32 to vector<16xi32>
      %gather3A_543 = tpu.vector_load_idx %arg6[%broadcast_in_dim3A_542] : memref<512xi32, #tpu.memory_space<vmem>>[vector<16xi32>], vector<16xi32>,
      %convert_element_type3A_544 = arith.sitofp %gather3A_543 : vector<16xi32> to vector<16xf32>
      %min3A_545 = arith.constant 1.000000e+00 : f32
      %min3A_546 = vector.broadcast %min3A_545 : f32 to vector<16xf32>
      %min3A_547 = arith.minimumf %convert_element_type3A_544, %min3A_546 : vector<16xf32>
      %sub3A_548 = arith.constant 1.000000e+00 : f32
      %sub3A_549 = vector.broadcast %sub3A_548 : f32 to vector<16xf32>
      %sub3A_550 = arith.subf %convert_element_type3A_544, %sub3A_549 : vector<16xf32>
      %max3A_551 = arith.constant 0.000000e+00 : f32
      %max3A_552 = vector.broadcast %max3A_551 : f32 to vector<16xf32>
      %max3A_553 = arith.maximumf %sub3A_550, %max3A_552 : vector<16xf32>
      %mul3A_554 = arith.constant 16 : i32
      %mul3A_555 = arith.muli %add3A_355, %mul3A_554 : i32
      %add3A_556 = arith.constant 11 : i32
      %add3A_557 = arith.addi %mul3A_555, %add3A_556 : i32
      %broadcast_in_dim3A_558 = vector.broadcast %add3A_557 : i32 to vector<16xi32>
      %gather3A_559 = tpu.vector_load_idx %arg6[%broadcast_in_dim3A_558] : memref<512xi32, #tpu.memory_space<vmem>>[vector<16xi32>], vector<16xi32>,
      %convert_element_type3A_560 = arith.sitofp %gather3A_559 : vector<16xi32> to vector<16xf32>
      %min3A_561 = arith.constant 1.000000e+00 : f32
      %min3A_562 = vector.broadcast %min3A_561 : f32 to vector<16xf32>
      %min3A_563 = arith.minimumf %convert_element_type3A_560, %min3A_562 : vector<16xf32>
      %sub3A_564 = arith.constant 1.000000e+00 : f32
      %sub3A_565 = vector.broadcast %sub3A_564 : f32 to vector<16xf32>
      %sub3A_566 = arith.subf %convert_element_type3A_560, %sub3A_565 : vector<16xf32>
      %max3A_567 = arith.constant 0.000000e+00 : f32
      %max3A_568 = vector.broadcast %max3A_567 : f32 to vector<16xf32>
      %max3A_569 = arith.maximumf %sub3A_566, %max3A_568 : vector<16xf32>
      %mul3A_570 = arith.constant 16 : i32
      %mul3A_571 = arith.muli %add3A_355, %mul3A_570 : i32
      %add3A_572 = arith.constant 12 : i32
      %add3A_573 = arith.addi %mul3A_571, %add3A_572 : i32
      %broadcast_in_dim3A_574 = vector.broadcast %add3A_573 : i32 to vector<16xi32>
      %gather3A_575 = tpu.vector_load_idx %arg6[%broadcast_in_dim3A_574] : memref<512xi32, #tpu.memory_space<vmem>>[vector<16xi32>], vector<16xi32>,
      %convert_element_type3A_576 = arith.sitofp %gather3A_575 : vector<16xi32> to vector<16xf32>
      %min3A_577 = arith.constant 1.000000e+00 : f32
      %min3A_578 = vector.broadcast %min3A_577 : f32 to vector<16xf32>
      %min3A_579 = arith.minimumf %convert_element_type3A_576, %min3A_578 : vector<16xf32>
      %sub3A_580 = arith.constant 1.000000e+00 : f32
      %sub3A_581 = vector.broadcast %sub3A_580 : f32 to vector<16xf32>
      %sub3A_582 = arith.subf %convert_element_type3A_576, %sub3A_581 : vector<16xf32>
      %max3A_583 = arith.constant 0.000000e+00 : f32
      %max3A_584 = vector.broadcast %max3A_583 : f32 to vector<16xf32>
      %max3A_585 = arith.maximumf %sub3A_582, %max3A_584 : vector<16xf32>
      %mul3A_586 = arith.constant 16 : i32
      %mul3A_587 = arith.muli %add3A_355, %mul3A_586 : i32
      %add3A_588 = arith.constant 13 : i32
      %add3A_589 = arith.addi %mul3A_587, %add3A_588 : i32
      %broadcast_in_dim3A_590 = vector.broadcast %add3A_589 : i32 to vector<16xi32>
      %gather3A_591 = tpu.vector_load_idx %arg6[%broadcast_in_dim3A_590] : memref<512xi32, #tpu.memory_space<vmem>>[vector<16xi32>], vector<16xi32>,
      %convert_element_type3A_592 = arith.sitofp %gather3A_591 : vector<16xi32> to vector<16xf32>
      %min3A_593 = arith.constant 1.000000e+00 : f32
      %min3A_594 = vector.broadcast %min3A_593 : f32 to vector<16xf32>
      %min3A_595 = arith.minimumf %convert_element_type3A_592, %min3A_594 : vector<16xf32>
      %sub3A_596 = arith.constant 1.000000e+00 : f32
      %sub3A_597 = vector.broadcast %sub3A_596 : f32 to vector<16xf32>
      %sub3A_598 = arith.subf %convert_element_type3A_592, %sub3A_597 : vector<16xf32>
      %max3A_599 = arith.constant 0.000000e+00 : f32
      %max3A_600 = vector.broadcast %max3A_599 : f32 to vector<16xf32>
      %max3A_601 = arith.maximumf %sub3A_598, %max3A_600 : vector<16xf32>
      %mul3A_602 = arith.constant 16 : i32
      %mul3A_603 = arith.muli %add3A_355, %mul3A_602 : i32
      %add3A_604 = arith.constant 14 : i32
      %add3A_605 = arith.addi %mul3A_603, %add3A_604 : i32
      %broadcast_in_dim3A_606 = vector.broadcast %add3A_605 : i32 to vector<16xi32>
      %gather3A_607 = tpu.vector_load_idx %arg6[%broadcast_in_dim3A_606] : memref<512xi32, #tpu.memory_space<vmem>>[vector<16xi32>], vector<16xi32>,
      %convert_element_type3A_608 = arith.sitofp %gather3A_607 : vector<16xi32> to vector<16xf32>
      %min3A_609 = arith.constant 1.000000e+00 : f32
      %min3A_610 = vector.broadcast %min3A_609 : f32 to vector<16xf32>
      %min3A_611 = arith.minimumf %convert_element_type3A_608, %min3A_610 : vector<16xf32>
      %sub3A_612 = arith.constant 1.000000e+00 : f32
      %sub3A_613 = vector.broadcast %sub3A_612 : f32 to vector<16xf32>
      %sub3A_614 = arith.subf %convert_element_type3A_608, %sub3A_613 : vector<16xf32>
      %max3A_615 = arith.constant 0.000000e+00 : f32
      %max3A_616 = vector.broadcast %max3A_615 : f32 to vector<16xf32>
      %max3A_617 = arith.maximumf %sub3A_614, %max3A_616 : vector<16xf32>
      %mul3A_618 = arith.constant 16 : i32
      %mul3A_619 = arith.muli %add3A_355, %mul3A_618 : i32
      %add3A_620 = arith.constant 15 : i32
      %add3A_621 = arith.addi %mul3A_619, %add3A_620 : i32
      %broadcast_in_dim3A_622 = vector.broadcast %add3A_621 : i32 to vector<16xi32>
      %gather3A_623 = tpu.vector_load_idx %arg6[%broadcast_in_dim3A_622] : memref<512xi32, #tpu.memory_space<vmem>>[vector<16xi32>], vector<16xi32>,
      %convert_element_type3A_624 = arith.sitofp %gather3A_623 : vector<16xi32> to vector<16xf32>
      %min3A_625 = arith.constant 1.000000e+00 : f32
      %min3A_626 = vector.broadcast %min3A_625 : f32 to vector<16xf32>
      %min3A_627 = arith.minimumf %convert_element_type3A_624, %min3A_626 : vector<16xf32>
      %sub3A_628 = arith.constant 1.000000e+00 : f32
      %sub3A_629 = vector.broadcast %sub3A_628 : f32 to vector<16xf32>
      %sub3A_630 = arith.subf %convert_element_type3A_624, %sub3A_629 : vector<16xf32>
      %max3A_631 = arith.constant 0.000000e+00 : f32
      %max3A_632 = vector.broadcast %max3A_631 : f32 to vector<16xf32>
      %max3A_633 = arith.maximumf %sub3A_630, %max3A_632 : vector<16xf32>
      %scan3A_634 = arith.constant 0 : i32
      %scan3A_635 = arith.constant 0 : i32
      %scan3A_636 = arith.constant 16 : i32
      %scan3A_637 = arith.addi %scan3A_635, %scan3A_636 : i32
      %scan3A_638 = arith.constant 1 : i32
      scf.for %scan3A_656 = %scan3A_635 to %scan3A_637 step %scan3A_638  : i32 {
        %mul3A_657 = arith.constant 4 : i32
        %mul3A_658 = arith.muli %scan3A_656, %mul3A_657 : i32
        %add3A_659 = arith.constant 0 : i32
        %add3A_660 = arith.addi %mul3A_658, %add3A_659 : i32
        %mul3A_661 = arith.constant 16 : i32
        %mul3A_662 = arith.muli %add3A_660, %mul3A_661 : i32
        %get3A = arith.index_cast %mul3A_662 : i32 to index
        %get3A_663 = tpu.vector_load %arg8[%get3A] {strides = array<i32>} : memref<3072xf32, #tpu.memory_space<vmem>>, vector<16xf32>,
        %mul3A_664 = arith.constant 16 : i32
        %mul3A_665 = arith.muli %add3A_660, %mul3A_664 : i32
        %add3A_666 = arith.constant 1024 : i32
        %add3A_667 = arith.addi %add3A_666, %mul3A_665 : i32
        %get3A_668 = arith.index_cast %add3A_667 : i32 to index
        %get3A_669 = tpu.vector_load %arg8[%get3A_668] {strides = array<i32>} : memref<3072xf32, #tpu.memory_space<vmem>>, vector<16xf32>,
        %mul3A_670 = arith.constant 16 : i32
        %mul3A_671 = arith.muli %add3A_660, %mul3A_670 : i32
        %add3A_672 = arith.constant 2048 : i32
        %add3A_673 = arith.addi %add3A_672, %mul3A_671 : i32
        %get3A_674 = arith.index_cast %add3A_673 : i32 to index
        %get3A_675 = tpu.vector_load %arg8[%get3A_674] {strides = array<i32>} : memref<3072xf32, #tpu.memory_space<vmem>>, vector<16xf32>,
        %sub3A_676 = arith.subf %get3A_669, %get3A_663 : vector<16xf32>
        %sub3A_677 = arith.subf %get3A_675, %get3A_669 : vector<16xf32>
        %mul3A_678 = arith.mulf %min3A_387, %sub3A_676 : vector<16xf32>
        %add3A_679 = arith.addf %get3A_663, %mul3A_678 : vector<16xf32>
        %mul3A_680 = arith.mulf %max3A_393, %sub3A_677 : vector<16xf32>
        %add3A_681 = arith.addf %add3A_679, %mul3A_680 : vector<16xf32>
        %mul3A_682 = arith.constant 16 : i32
        %mul3A_683 = arith.muli %add3A_660, %mul3A_682 : i32
        %swap3A = arith.constant 1 : i32
        %swap3A_684 = arith.constant 0 : i32
        %swap3A_685 = arith.index_cast %swap3A : i32 to index
        %swap3A_686 = arith.index_cast %swap3A_684 : i32 to index
        %swap3A_687 = arith.index_cast %mul3A_683 : i32 to index
        %swap3A_688 = tpu.vector_load %arg7[%swap3A_685, %swap3A_686, %swap3A_687] {strides = array<i32>} : memref<2x16x1024xf32, #tpu.memory_space<vmem>>, vector<16xf32>,
        tpu.vector_store %arg7[%swap3A_685, %swap3A_686, %swap3A_687], %add3A_681 {add = true, strides = array<i32>} : memref<2x16x1024xf32, #tpu.memory_space<vmem>>, vector<16xf32>,
        %mul3A_689 = arith.mulf %min3A_403, %sub3A_676 : vector<16xf32>
        %add3A_690 = arith.addf %get3A_663, %mul3A_689 : vector<16xf32>
        %mul3A_691 = arith.mulf %max3A_409, %sub3A_677 : vector<16xf32>
        %add3A_692 = arith.addf %add3A_690, %mul3A_691 : vector<16xf32>
        %mul3A_693 = arith.constant 16 : i32
        %mul3A_694 = arith.muli %add3A_660, %mul3A_693 : i32
        %swap3A_695 = arith.constant 1 : i32
        %swap3A_696 = arith.constant 1 : i32
        %swap3A_697 = arith.index_cast %swap3A_695 : i32 to index
        %swap3A_698 = arith.index_cast %swap3A_696 : i32 to index
        %swap3A_699 = arith.index_cast %mul3A_694 : i32 to index
        %swap3A_700 = tpu.vector_load %arg7[%swap3A_697, %swap3A_698, %swap3A_699] {strides = array<i32>} : memref<2x16x1024xf32, #tpu.memory_space<vmem>>, vector<16xf32>,
        tpu.vector_store %arg7[%swap3A_697, %swap3A_698, %swap3A_699], %add3A_692 {add = true, strides = array<i32>} : memref<2x16x1024xf32, #tpu.memory_space<vmem>>, vector<16xf32>,
        %mul3A_701 = arith.mulf %min3A_419, %sub3A_676 : vector<16xf32>
        %add3A_702 = arith.addf %get3A_663, %mul3A_701 : vector<16xf32>
        %mul3A_703 = arith.mulf %max3A_425, %sub3A_677 : vector<16xf32>
        %add3A_704 = arith.addf %add3A_702, %mul3A_703 : vector<16xf32>
        %mul3A_705 = arith.constant 16 : i32
        %mul3A_706 = arith.muli %add3A_660, %mul3A_705 : i32
        %swap3A_707 = arith.constant 1 : i32
        %swap3A_708 = arith.constant 2 : i32
        %swap3A_709 = arith.index_cast %swap3A_707 : i32 to index
        %swap3A_710 = arith.index_cast %swap3A_708 : i32 to index
        %swap3A_711 = arith.index_cast %mul3A_706 : i32 to index
        %swap3A_712 = tpu.vector_load %arg7[%swap3A_709, %swap3A_710, %swap3A_711] {strides = array<i32>} : memref<2x16x1024xf32, #tpu.memory_space<vmem>>, vector<16xf32>,
        tpu.vector_store %arg7[%swap3A_709, %swap3A_710, %swap3A_711], %add3A_704 {add = true, strides = array<i32>} : memref<2x16x1024xf32, #tpu.memory_space<vmem>>, vector<16xf32>,
        %mul3A_713 = arith.mulf %min3A_435, %sub3A_676 : vector<16xf32>
        %add3A_714 = arith.addf %get3A_663, %mul3A_713 : vector<16xf32>
        %mul3A_715 = arith.mulf %max3A_441, %sub3A_677 : vector<16xf32>
        %add3A_716 = arith.addf %add3A_714, %mul3A_715 : vector<16xf32>
        %mul3A_717 = arith.constant 16 : i32
        %mul3A_718 = arith.muli %add3A_660, %mul3A_717 : i32
        %swap3A_719 = arith.constant 1 : i32
        %swap3A_720 = arith.constant 3 : i32
        %swap3A_721 = arith.index_cast %swap3A_719 : i32 to index
        %swap3A_722 = arith.index_cast %swap3A_720 : i32 to index
        %swap3A_723 = arith.index_cast %mul3A_718 : i32 to index
        %swap3A_724 = tpu.vector_load %arg7[%swap3A_721, %swap3A_722, %swap3A_723] {strides = array<i32>} : memref<2x16x1024xf32, #tpu.memory_space<vmem>>, vector<16xf32>,
        tpu.vector_store %arg7[%swap3A_721, %swap3A_722, %swap3A_723], %add3A_716 {add = true, strides = array<i32>} : memref<2x16x1024xf32, #tpu.memory_space<vmem>>, vector<16xf32>,
        %mul3A_725 = arith.mulf %min3A_451, %sub3A_676 : vector<16xf32>
        %add3A_726 = arith.addf %get3A_663, %mul3A_725 : vector<16xf32>
        %mul3A_727 = arith.mulf %max3A_457, %sub3A_677 : vector<16xf32>
        %add3A_728 = arith.addf %add3A_726, %mul3A_727 : vector<16xf32>
        %mul3A_729 = arith.constant 16 : i32
        %mul3A_730 = arith.muli %add3A_660, %mul3A_729 : i32
        %swap3A_731 = arith.constant 1 : i32
        %swap3A_732 = arith.constant 4 : i32
        %swap3A_733 = arith.index_cast %swap3A_731 : i32 to index
        %swap3A_734 = arith.index_cast %swap3A_732 : i32 to index
        %swap3A_735 = arith.index_cast %mul3A_730 : i32 to index
        %swap3A_736 = tpu.vector_load %arg7[%swap3A_733, %swap3A_734, %swap3A_735] {strides = array<i32>} : memref<2x16x1024xf32, #tpu.memory_space<vmem>>, vector<16xf32>,
        tpu.vector_store %arg7[%swap3A_733, %swap3A_734, %swap3A_735], %add3A_728 {add = true, strides = array<i32>} : memref<2x16x1024xf32, #tpu.memory_space<vmem>>, vector<16xf32>,
        %mul3A_737 = arith.mulf %min3A_467, %sub3A_676 : vector<16xf32>
        %add3A_738 = arith.addf %get3A_663, %mul3A_737 : vector<16xf32>
        %mul3A_739 = arith.mulf %max3A_473, %sub3A_677 : vector<16xf32>
        %add3A_740 = arith.addf %add3A_738, %mul3A_739 : vector<16xf32>
        %mul3A_741 = arith.constant 16 : i32
        %mul3A_742 = arith.muli %add3A_660, %mul3A_741 : i32
        %swap3A_743 = arith.constant 1 : i32
        %swap3A_744 = arith.constant 5 : i32
        %swap3A_745 = arith.index_cast %swap3A_743 : i32 to index
        %swap3A_746 = arith.index_cast %swap3A_744 : i32 to index
        %swap3A_747 = arith.index_cast %mul3A_742 : i32 to index
        %swap3A_748 = tpu.vector_load %arg7[%swap3A_745, %swap3A_746, %swap3A_747] {strides = array<i32>} : memref<2x16x1024xf32, #tpu.memory_space<vmem>>, vector<16xf32>,
        tpu.vector_store %arg7[%swap3A_745, %swap3A_746, %swap3A_747], %add3A_740 {add = true, strides = array<i32>} : memref<2x16x1024xf32, #tpu.memory_space<vmem>>, vector<16xf32>,
        %mul3A_749 = arith.mulf %min3A_483, %sub3A_676 : vector<16xf32>
        %add3A_750 = arith.addf %get3A_663, %mul3A_749 : vector<16xf32>
        %mul3A_751 = arith.mulf %max3A_489, %sub3A_677 : vector<16xf32>
        %add3A_752 = arith.addf %add3A_750, %mul3A_751 : vector<16xf32>
        %mul3A_753 = arith.constant 16 : i32
        %mul3A_754 = arith.muli %add3A_660, %mul3A_753 : i32
        %swap3A_755 = arith.constant 1 : i32
        %swap3A_756 = arith.constant 6 : i32
        %swap3A_757 = arith.index_cast %swap3A_755 : i32 to index
        %swap3A_758 = arith.index_cast %swap3A_756 : i32 to index
        %swap3A_759 = arith.index_cast %mul3A_754 : i32 to index
        %swap3A_760 = tpu.vector_load %arg7[%swap3A_757, %swap3A_758, %swap3A_759] {strides = array<i32>} : memref<2x16x1024xf32, #tpu.memory_space<vmem>>, vector<16xf32>,
        tpu.vector_store %arg7[%swap3A_757, %swap3A_758, %swap3A_759], %add3A_752 {add = true, strides = array<i32>} : memref<2x16x1024xf32, #tpu.memory_space<vmem>>, vector<16xf32>,
        %mul3A_761 = arith.mulf %min3A_499, %sub3A_676 : vector<16xf32>
        %add3A_762 = arith.addf %get3A_663, %mul3A_761 : vector<16xf32>
        %mul3A_763 = arith.mulf %max3A_505, %sub3A_677 : vector<16xf32>
        %add3A_764 = arith.addf %add3A_762, %mul3A_763 : vector<16xf32>
        %mul3A_765 = arith.constant 16 : i32
        %mul3A_766 = arith.muli %add3A_660, %mul3A_765 : i32
        %swap3A_767 = arith.constant 1 : i32
        %swap3A_768 = arith.constant 7 : i32
        %swap3A_769 = arith.index_cast %swap3A_767 : i32 to index
        %swap3A_770 = arith.index_cast %swap3A_768 : i32 to index
        %swap3A_771 = arith.index_cast %mul3A_766 : i32 to index
        %swap3A_772 = tpu.vector_load %arg7[%swap3A_769, %swap3A_770, %swap3A_771] {strides = array<i32>} : memref<2x16x1024xf32, #tpu.memory_space<vmem>>, vector<16xf32>,
        tpu.vector_store %arg7[%swap3A_769, %swap3A_770, %swap3A_771], %add3A_764 {add = true, strides = array<i32>} : memref<2x16x1024xf32, #tpu.memory_space<vmem>>, vector<16xf32>,
        %mul3A_773 = arith.mulf %min3A_515, %sub3A_676 : vector<16xf32>
        %add3A_774 = arith.addf %get3A_663, %mul3A_773 : vector<16xf32>
        %mul3A_775 = arith.mulf %max3A_521, %sub3A_677 : vector<16xf32>
        %add3A_776 = arith.addf %add3A_774, %mul3A_775 : vector<16xf32>
        %mul3A_777 = arith.constant 16 : i32
        %mul3A_778 = arith.muli %add3A_660, %mul3A_777 : i32
        %swap3A_779 = arith.constant 1 : i32
        %swap3A_780 = arith.constant 8 : i32
        %swap3A_781 = arith.index_cast %swap3A_779 : i32 to index
        %swap3A_782 = arith.index_cast %swap3A_780 : i32 to index
        %swap3A_783 = arith.index_cast %mul3A_778 : i32 to index
        %swap3A_784 = tpu.vector_load %arg7[%swap3A_781, %swap3A_782, %swap3A_783] {strides = array<i32>} : memref<2x16x1024xf32, #tpu.memory_space<vmem>>, vector<16xf32>,
        tpu.vector_store %arg7[%swap3A_781, %swap3A_782, %swap3A_783], %add3A_776 {add = true, strides = array<i32>} : memref<2x16x1024xf32, #tpu.memory_space<vmem>>, vector<16xf32>,
        %mul3A_785 = arith.mulf %min3A_531, %sub3A_676 : vector<16xf32>
        %add3A_786 = arith.addf %get3A_663, %mul3A_785 : vector<16xf32>
        %mul3A_787 = arith.mulf %max3A_537, %sub3A_677 : vector<16xf32>
        %add3A_788 = arith.addf %add3A_786, %mul3A_787 : vector<16xf32>
        %mul3A_789 = arith.constant 16 : i32
        %mul3A_790 = arith.muli %add3A_660, %mul3A_789 : i32
        %swap3A_791 = arith.constant 1 : i32
        %swap3A_792 = arith.constant 9 : i32
        %swap3A_793 = arith.index_cast %swap3A_791 : i32 to index
        %swap3A_794 = arith.index_cast %swap3A_792 : i32 to index
        %swap3A_795 = arith.index_cast %mul3A_790 : i32 to index
        %swap3A_796 = tpu.vector_load %arg7[%swap3A_793, %swap3A_794, %swap3A_795] {strides = array<i32>} : memref<2x16x1024xf32, #tpu.memory_space<vmem>>, vector<16xf32>,
        tpu.vector_store %arg7[%swap3A_793, %swap3A_794, %swap3A_795], %add3A_788 {add = true, strides = array<i32>} : memref<2x16x1024xf32, #tpu.memory_space<vmem>>, vector<16xf32>,
        %mul3A_797 = arith.mulf %min3A_547, %sub3A_676 : vector<16xf32>
        %add3A_798 = arith.addf %get3A_663, %mul3A_797 : vector<16xf32>
        %mul3A_799 = arith.mulf %max3A_553, %sub3A_677 : vector<16xf32>
        %add3A_800 = arith.addf %add3A_798, %mul3A_799 : vector<16xf32>
        %mul3A_801 = arith.constant 16 : i32
        %mul3A_802 = arith.muli %add3A_660, %mul3A_801 : i32
        %swap3A_803 = arith.constant 1 : i32
        %swap3A_804 = arith.constant 10 : i32
        %swap3A_805 = arith.index_cast %swap3A_803 : i32 to index
        %swap3A_806 = arith.index_cast %swap3A_804 : i32 to index
        %swap3A_807 = arith.index_cast %mul3A_802 : i32 to index
        %swap3A_808 = tpu.vector_load %arg7[%swap3A_805, %swap3A_806, %swap3A_807] {strides = array<i32>} : memref<2x16x1024xf32, #tpu.memory_space<vmem>>, vector<16xf32>,
        tpu.vector_store %arg7[%swap3A_805, %swap3A_806, %swap3A_807], %add3A_800 {add = true, strides = array<i32>} : memref<2x16x1024xf32, #tpu.memory_space<vmem>>, vector<16xf32>,
        %mul3A_809 = arith.mulf %min3A_563, %sub3A_676 : vector<16xf32>
        %add3A_810 = arith.addf %get3A_663, %mul3A_809 : vector<16xf32>
        %mul3A_811 = arith.mulf %max3A_569, %sub3A_677 : vector<16xf32>
        %add3A_812 = arith.addf %add3A_810, %mul3A_811 : vector<16xf32>
        %mul3A_813 = arith.constant 16 : i32
        %mul3A_814 = arith.muli %add3A_660, %mul3A_813 : i32
        %swap3A_815 = arith.constant 1 : i32
        %swap3A_816 = arith.constant 11 : i32
        %swap3A_817 = arith.index_cast %swap3A_815 : i32 to index
        %swap3A_818 = arith.index_cast %swap3A_816 : i32 to index
        %swap3A_819 = arith.index_cast %mul3A_814 : i32 to index
        %swap3A_820 = tpu.vector_load %arg7[%swap3A_817, %swap3A_818, %swap3A_819] {strides = array<i32>} : memref<2x16x1024xf32, #tpu.memory_space<vmem>>, vector<16xf32>,
        tpu.vector_store %arg7[%swap3A_817, %swap3A_818, %swap3A_819], %add3A_812 {add = true, strides = array<i32>} : memref<2x16x1024xf32, #tpu.memory_space<vmem>>, vector<16xf32>,
        %mul3A_821 = arith.mulf %min3A_579, %sub3A_676 : vector<16xf32>
        %add3A_822 = arith.addf %get3A_663, %mul3A_821 : vector<16xf32>
        %mul3A_823 = arith.mulf %max3A_585, %sub3A_677 : vector<16xf32>
        %add3A_824 = arith.addf %add3A_822, %mul3A_823 : vector<16xf32>
        %mul3A_825 = arith.constant 16 : i32
        %mul3A_826 = arith.muli %add3A_660, %mul3A_825 : i32
        %swap3A_827 = arith.constant 1 : i32
        %swap3A_828 = arith.constant 12 : i32
        %swap3A_829 = arith.index_cast %swap3A_827 : i32 to index
        %swap3A_830 = arith.index_cast %swap3A_828 : i32 to index
        %swap3A_831 = arith.index_cast %mul3A_826 : i32 to index
        %swap3A_832 = tpu.vector_load %arg7[%swap3A_829, %swap3A_830, %swap3A_831] {strides = array<i32>} : memref<2x16x1024xf32, #tpu.memory_space<vmem>>, vector<16xf32>,
        tpu.vector_store %arg7[%swap3A_829, %swap3A_830, %swap3A_831], %add3A_824 {add = true, strides = array<i32>} : memref<2x16x1024xf32, #tpu.memory_space<vmem>>, vector<16xf32>,
        %mul3A_833 = arith.mulf %min3A_595, %sub3A_676 : vector<16xf32>
        %add3A_834 = arith.addf %get3A_663, %mul3A_833 : vector<16xf32>
        %mul3A_835 = arith.mulf %max3A_601, %sub3A_677 : vector<16xf32>
        %add3A_836 = arith.addf %add3A_834, %mul3A_835 : vector<16xf32>
        %mul3A_837 = arith.constant 16 : i32
        %mul3A_838 = arith.muli %add3A_660, %mul3A_837 : i32
        %swap3A_839 = arith.constant 1 : i32
        %swap3A_840 = arith.constant 13 : i32
        %swap3A_841 = arith.index_cast %swap3A_839 : i32 to index
        %swap3A_842 = arith.index_cast %swap3A_840 : i32 to index
        %swap3A_843 = arith.index_cast %mul3A_838 : i32 to index
        %swap3A_844 = tpu.vector_load %arg7[%swap3A_841, %swap3A_842, %swap3A_843] {strides = array<i32>} : memref<2x16x1024xf32, #tpu.memory_space<vmem>>, vector<16xf32>,
        tpu.vector_store %arg7[%swap3A_841, %swap3A_842, %swap3A_843], %add3A_836 {add = true, strides = array<i32>} : memref<2x16x1024xf32, #tpu.memory_space<vmem>>, vector<16xf32>,
        %mul3A_845 = arith.mulf %min3A_611, %sub3A_676 : vector<16xf32>
        %add3A_846 = arith.addf %get3A_663, %mul3A_845 : vector<16xf32>
        %mul3A_847 = arith.mulf %max3A_617, %sub3A_677 : vector<16xf32>
        %add3A_848 = arith.addf %add3A_846, %mul3A_847 : vector<16xf32>
        %mul3A_849 = arith.constant 16 : i32
        %mul3A_850 = arith.muli %add3A_660, %mul3A_849 : i32
        %swap3A_851 = arith.constant 1 : i32
        %swap3A_852 = arith.constant 14 : i32
        %swap3A_853 = arith.index_cast %swap3A_851 : i32 to index
        %swap3A_854 = arith.index_cast %swap3A_852 : i32 to index
        %swap3A_855 = arith.index_cast %mul3A_850 : i32 to index
        %swap3A_856 = tpu.vector_load %arg7[%swap3A_853, %swap3A_854, %swap3A_855] {strides = array<i32>} : memref<2x16x1024xf32, #tpu.memory_space<vmem>>, vector<16xf32>,
        tpu.vector_store %arg7[%swap3A_853, %swap3A_854, %swap3A_855], %add3A_848 {add = true, strides = array<i32>} : memref<2x16x1024xf32, #tpu.memory_space<vmem>>, vector<16xf32>,
        %mul3A_857 = arith.mulf %min3A_627, %sub3A_676 : vector<16xf32>
        %add3A_858 = arith.addf %get3A_663, %mul3A_857 : vector<16xf32>
        %mul3A_859 = arith.mulf %max3A_633, %sub3A_677 : vector<16xf32>
        %add3A_860 = arith.addf %add3A_858, %mul3A_859 : vector<16xf32>
        %mul3A_861 = arith.constant 16 : i32
        %mul3A_862 = arith.muli %add3A_660, %mul3A_861 : i32
        %swap3A_863 = arith.constant 1 : i32
        %swap3A_864 = arith.constant 15 : i32
        %swap3A_865 = arith.index_cast %swap3A_863 : i32 to index
        %swap3A_866 = arith.index_cast %swap3A_864 : i32 to index
        %swap3A_867 = arith.index_cast %mul3A_862 : i32 to index
        %swap3A_868 = tpu.vector_load %arg7[%swap3A_865, %swap3A_866, %swap3A_867] {strides = array<i32>} : memref<2x16x1024xf32, #tpu.memory_space<vmem>>, vector<16xf32>,
        tpu.vector_store %arg7[%swap3A_865, %swap3A_866, %swap3A_867], %add3A_860 {add = true, strides = array<i32>} : memref<2x16x1024xf32, #tpu.memory_space<vmem>>, vector<16xf32>,
        %mul3A_869 = arith.constant 4 : i32
        %mul3A_870 = arith.muli %scan3A_656, %mul3A_869 : i32
        %add3A_871 = arith.constant 1 : i32
        %add3A_872 = arith.addi %mul3A_870, %add3A_871 : i32
        %mul3A_873 = arith.constant 16 : i32
        %mul3A_874 = arith.muli %add3A_872, %mul3A_873 : i32
        %get3A_875 = arith.index_cast %mul3A_874 : i32 to index
        %get3A_876 = tpu.vector_load %arg8[%get3A_875] {strides = array<i32>} : memref<3072xf32, #tpu.memory_space<vmem>>, vector<16xf32>,
        %mul3A_877 = arith.constant 16 : i32
        %mul3A_878 = arith.muli %add3A_872, %mul3A_877 : i32
        %add3A_879 = arith.constant 1024 : i32
        %add3A_880 = arith.addi %add3A_879, %mul3A_878 : i32
        %get3A_881 = arith.index_cast %add3A_880 : i32 to index
        %get3A_882 = tpu.vector_load %arg8[%get3A_881] {strides = array<i32>} : memref<3072xf32, #tpu.memory_space<vmem>>, vector<16xf32>,
        %mul3A_883 = arith.constant 16 : i32
        %mul3A_884 = arith.muli %add3A_872, %mul3A_883 : i32
        %add3A_885 = arith.constant 2048 : i32
        %add3A_886 = arith.addi %add3A_885, %mul3A_884 : i32
        %get3A_887 = arith.index_cast %add3A_886 : i32 to index
        %get3A_888 = tpu.vector_load %arg8[%get3A_887] {strides = array<i32>} : memref<3072xf32, #tpu.memory_space<vmem>>, vector<16xf32>,
        %sub3A_889 = arith.subf %get3A_882, %get3A_876 : vector<16xf32>
        %sub3A_890 = arith.subf %get3A_888, %get3A_882 : vector<16xf32>
        %mul3A_891 = arith.mulf %min3A_387, %sub3A_889 : vector<16xf32>
        %add3A_892 = arith.addf %get3A_876, %mul3A_891 : vector<16xf32>
        %mul3A_893 = arith.mulf %max3A_393, %sub3A_890 : vector<16xf32>
        %add3A_894 = arith.addf %add3A_892, %mul3A_893 : vector<16xf32>
        %mul3A_895 = arith.constant 16 : i32
        %mul3A_896 = arith.muli %add3A_872, %mul3A_895 : i32
        %swap3A_897 = arith.constant 1 : i32
        %swap3A_898 = arith.constant 0 : i32
        %swap3A_899 = arith.index_cast %swap3A_897 : i32 to index
        %swap3A_900 = arith.index_cast %swap3A_898 : i32 to index
        %swap3A_901 = arith.index_cast %mul3A_896 : i32 to index
        %swap3A_902 = tpu.vector_load %arg7[%swap3A_899, %swap3A_900, %swap3A_901] {strides = array<i32>} : memref<2x16x1024xf32, #tpu.memory_space<vmem>>, vector<16xf32>,
        tpu.vector_store %arg7[%swap3A_899, %swap3A_900, %swap3A_901], %add3A_894 {add = true, strides = array<i32>} : memref<2x16x1024xf32, #tpu.memory_space<vmem>>, vector<16xf32>,
        %mul3A_903 = arith.mulf %min3A_403, %sub3A_889 : vector<16xf32>
        %add3A_904 = arith.addf %get3A_876, %mul3A_903 : vector<16xf32>
        %mul3A_905 = arith.mulf %max3A_409, %sub3A_890 : vector<16xf32>
        %add3A_906 = arith.addf %add3A_904, %mul3A_905 : vector<16xf32>
        %mul3A_907 = arith.constant 16 : i32
        %mul3A_908 = arith.muli %add3A_872, %mul3A_907 : i32
        %swap3A_909 = arith.constant 1 : i32
        %swap3A_910 = arith.constant 1 : i32
        %swap3A_911 = arith.index_cast %swap3A_909 : i32 to index
        %swap3A_912 = arith.index_cast %swap3A_910 : i32 to index
        %swap3A_913 = arith.index_cast %mul3A_908 : i32 to index
        %swap3A_914 = tpu.vector_load %arg7[%swap3A_911, %swap3A_912, %swap3A_913] {strides = array<i32>} : memref<2x16x1024xf32, #tpu.memory_space<vmem>>, vector<16xf32>,
        tpu.vector_store %arg7[%swap3A_911, %swap3A_912, %swap3A_913], %add3A_906 {add = true, strides = array<i32>} : memref<2x16x1024xf32, #tpu.memory_space<vmem>>, vector<16xf32>,
        %mul3A_915 = arith.mulf %min3A_419, %sub3A_889 : vector<16xf32>
        %add3A_916 = arith.addf %get3A_876, %mul3A_915 : vector<16xf32>
        %mul3A_917 = arith.mulf %max3A_425, %sub3A_890 : vector<16xf32>
        %add3A_918 = arith.addf %add3A_916, %mul3A_917 : vector<16xf32>
        %mul3A_919 = arith.constant 16 : i32
        %mul3A_920 = arith.muli %add3A_872, %mul3A_919 : i32
        %swap3A_921 = arith.constant 1 : i32
        %swap3A_922 = arith.constant 2 : i32
        %swap3A_923 = arith.index_cast %swap3A_921 : i32 to index
        %swap3A_924 = arith.index_cast %swap3A_922 : i32 to index
        %swap3A_925 = arith.index_cast %mul3A_920 : i32 to index
        %swap3A_926 = tpu.vector_load %arg7[%swap3A_923, %swap3A_924, %swap3A_925] {strides = array<i32>} : memref<2x16x1024xf32, #tpu.memory_space<vmem>>, vector<16xf32>,
        tpu.vector_store %arg7[%swap3A_923, %swap3A_924, %swap3A_925], %add3A_918 {add = true, strides = array<i32>} : memref<2x16x1024xf32, #tpu.memory_space<vmem>>, vector<16xf32>,
        %mul3A_927 = arith.mulf %min3A_435, %sub3A_889 : vector<16xf32>
        %add3A_928 = arith.addf %get3A_876, %mul3A_927 : vector<16xf32>
        %mul3A_929 = arith.mulf %max3A_441, %sub3A_890 : vector<16xf32>
        %add3A_930 = arith.addf %add3A_928, %mul3A_929 : vector<16xf32>
        %mul3A_931 = arith.constant 16 : i32
        %mul3A_932 = arith.muli %add3A_872, %mul3A_931 : i32
        %swap3A_933 = arith.constant 1 : i32
        %swap3A_934 = arith.constant 3 : i32
        %swap3A_935 = arith.index_cast %swap3A_933 : i32 to index
        %swap3A_936 = arith.index_cast %swap3A_934 : i32 to index
        %swap3A_937 = arith.index_cast %mul3A_932 : i32 to index
        %swap3A_938 = tpu.vector_load %arg7[%swap3A_935, %swap3A_936, %swap3A_937] {strides = array<i32>} : memref<2x16x1024xf32, #tpu.memory_space<vmem>>, vector<16xf32>,
        tpu.vector_store %arg7[%swap3A_935, %swap3A_936, %swap3A_937], %add3A_930 {add = true, strides = array<i32>} : memref<2x16x1024xf32, #tpu.memory_space<vmem>>, vector<16xf32>,
        %mul3A_939 = arith.mulf %min3A_451, %sub3A_889 : vector<16xf32>
        %add3A_940 = arith.addf %get3A_876, %mul3A_939 : vector<16xf32>
        %mul3A_941 = arith.mulf %max3A_457, %sub3A_890 : vector<16xf32>
        %add3A_942 = arith.addf %add3A_940, %mul3A_941 : vector<16xf32>
        %mul3A_943 = arith.constant 16 : i32
        %mul3A_944 = arith.muli %add3A_872, %mul3A_943 : i32
        %swap3A_945 = arith.constant 1 : i32
        %swap3A_946 = arith.constant 4 : i32
        %swap3A_947 = arith.index_cast %swap3A_945 : i32 to index
        %swap3A_948 = arith.index_cast %swap3A_946 : i32 to index
        %swap3A_949 = arith.index_cast %mul3A_944 : i32 to index
        %swap3A_950 = tpu.vector_load %arg7[%swap3A_947, %swap3A_948, %swap3A_949] {strides = array<i32>} : memref<2x16x1024xf32, #tpu.memory_space<vmem>>, vector<16xf32>,
        tpu.vector_store %arg7[%swap3A_947, %swap3A_948, %swap3A_949], %add3A_942 {add = true, strides = array<i32>} : memref<2x16x1024xf32, #tpu.memory_space<vmem>>, vector<16xf32>,
        %mul3A_951 = arith.mulf %min3A_467, %sub3A_889 : vector<16xf32>
        %add3A_952 = arith.addf %get3A_876, %mul3A_951 : vector<16xf32>
        %mul3A_953 = arith.mulf %max3A_473, %sub3A_890 : vector<16xf32>
        %add3A_954 = arith.addf %add3A_952, %mul3A_953 : vector<16xf32>
        %mul3A_955 = arith.constant 16 : i32
        %mul3A_956 = arith.muli %add3A_872, %mul3A_955 : i32
        %swap3A_957 = arith.constant 1 : i32
        %swap3A_958 = arith.constant 5 : i32
        %swap3A_959 = arith.index_cast %swap3A_957 : i32 to index
        %swap3A_960 = arith.index_cast %swap3A_958 : i32 to index
        %swap3A_961 = arith.index_cast %mul3A_956 : i32 to index
        %swap3A_962 = tpu.vector_load %arg7[%swap3A_959, %swap3A_960, %swap3A_961] {strides = array<i32>} : memref<2x16x1024xf32, #tpu.memory_space<vmem>>, vector<16xf32>,
        tpu.vector_store %arg7[%swap3A_959, %swap3A_960, %swap3A_961], %add3A_954 {add = true, strides = array<i32>} : memref<2x16x1024xf32, #tpu.memory_space<vmem>>, vector<16xf32>,
        %mul3A_963 = arith.mulf %min3A_483, %sub3A_889 : vector<16xf32>
        %add3A_964 = arith.addf %get3A_876, %mul3A_963 : vector<16xf32>
        %mul3A_965 = arith.mulf %max3A_489, %sub3A_890 : vector<16xf32>
        %add3A_966 = arith.addf %add3A_964, %mul3A_965 : vector<16xf32>
        %mul3A_967 = arith.constant 16 : i32
        %mul3A_968 = arith.muli %add3A_872, %mul3A_967 : i32
        %swap3A_969 = arith.constant 1 : i32
        %swap3A_970 = arith.constant 6 : i32
        %swap3A_971 = arith.index_cast %swap3A_969 : i32 to index
        %swap3A_972 = arith.index_cast %swap3A_970 : i32 to index
        %swap3A_973 = arith.index_cast %mul3A_968 : i32 to index
        %swap3A_974 = tpu.vector_load %arg7[%swap3A_971, %swap3A_972, %swap3A_973] {strides = array<i32>} : memref<2x16x1024xf32, #tpu.memory_space<vmem>>, vector<16xf32>,
        tpu.vector_store %arg7[%swap3A_971, %swap3A_972, %swap3A_973], %add3A_966 {add = true, strides = array<i32>} : memref<2x16x1024xf32, #tpu.memory_space<vmem>>, vector<16xf32>,
        %mul3A_975 = arith.mulf %min3A_499, %sub3A_889 : vector<16xf32>
        %add3A_976 = arith.addf %get3A_876, %mul3A_975 : vector<16xf32>
        %mul3A_977 = arith.mulf %max3A_505, %sub3A_890 : vector<16xf32>
        %add3A_978 = arith.addf %add3A_976, %mul3A_977 : vector<16xf32>
        %mul3A_979 = arith.constant 16 : i32
        %mul3A_980 = arith.muli %add3A_872, %mul3A_979 : i32
        %swap3A_981 = arith.constant 1 : i32
        %swap3A_982 = arith.constant 7 : i32
        %swap3A_983 = arith.index_cast %swap3A_981 : i32 to index
        %swap3A_984 = arith.index_cast %swap3A_982 : i32 to index
        %swap3A_985 = arith.index_cast %mul3A_980 : i32 to index
        %swap3A_986 = tpu.vector_load %arg7[%swap3A_983, %swap3A_984, %swap3A_985] {strides = array<i32>} : memref<2x16x1024xf32, #tpu.memory_space<vmem>>, vector<16xf32>,
        tpu.vector_store %arg7[%swap3A_983, %swap3A_984, %swap3A_985], %add3A_978 {add = true, strides = array<i32>} : memref<2x16x1024xf32, #tpu.memory_space<vmem>>, vector<16xf32>,
        %mul3A_987 = arith.mulf %min3A_515, %sub3A_889 : vector<16xf32>
        %add3A_988 = arith.addf %get3A_876, %mul3A_987 : vector<16xf32>
        %mul3A_989 = arith.mulf %max3A_521, %sub3A_890 : vector<16xf32>
        %add3A_990 = arith.addf %add3A_988, %mul3A_989 : vector<16xf32>
        %mul3A_991 = arith.constant 16 : i32
        %mul3A_992 = arith.muli %add3A_872, %mul3A_991 : i32
        %swap3A_993 = arith.constant 1 : i32
        %swap3A_994 = arith.constant 8 : i32
        %swap3A_995 = arith.index_cast %swap3A_993 : i32 to index
        %swap3A_996 = arith.index_cast %swap3A_994 : i32 to index
        %swap3A_997 = arith.index_cast %mul3A_992 : i32 to index
        %swap3A_998 = tpu.vector_load %arg7[%swap3A_995, %swap3A_996, %swap3A_997] {strides = array<i32>} : memref<2x16x1024xf32, #tpu.memory_space<vmem>>, vector<16xf32>,
        tpu.vector_store %arg7[%swap3A_995, %swap3A_996, %swap3A_997], %add3A_990 {add = true, strides = array<i32>} : memref<2x16x1024xf32, #tpu.memory_space<vmem>>, vector<16xf32>,
        %mul3A_999 = arith.mulf %min3A_531, %sub3A_889 : vector<16xf32>
        %add3A_1000 = arith.addf %get3A_876, %mul3A_999 : vector<16xf32>
        %mul3A_1001 = arith.mulf %max3A_537, %sub3A_890 : vector<16xf32>
        %add3A_1002 = arith.addf %add3A_1000, %mul3A_1001 : vector<16xf32>
        %mul3A_1003 = arith.constant 16 : i32
        %mul3A_1004 = arith.muli %add3A_872, %mul3A_1003 : i32
        %swap3A_1005 = arith.constant 1 : i32
        %swap3A_1006 = arith.constant 9 : i32
        %swap3A_1007 = arith.index_cast %swap3A_1005 : i32 to index
        %swap3A_1008 = arith.index_cast %swap3A_1006 : i32 to index
        %swap3A_1009 = arith.index_cast %mul3A_1004 : i32 to index
        %swap3A_1010 = tpu.vector_load %arg7[%swap3A_1007, %swap3A_1008, %swap3A_1009] {strides = array<i32>} : memref<2x16x1024xf32, #tpu.memory_space<vmem>>, vector<16xf32>,
        tpu.vector_store %arg7[%swap3A_1007, %swap3A_1008, %swap3A_1009], %add3A_1002 {add = true, strides = array<i32>} : memref<2x16x1024xf32, #tpu.memory_space<vmem>>, vector<16xf32>,
        %mul3A_1011 = arith.mulf %min3A_547, %sub3A_889 : vector<16xf32>
        %add3A_1012 = arith.addf %get3A_876, %mul3A_1011 : vector<16xf32>
        %mul3A_1013 = arith.mulf %max3A_553, %sub3A_890 : vector<16xf32>
        %add3A_1014 = arith.addf %add3A_1012, %mul3A_1013 : vector<16xf32>
        %mul3A_1015 = arith.constant 16 : i32
        %mul3A_1016 = arith.muli %add3A_872, %mul3A_1015 : i32
        %swap3A_1017 = arith.constant 1 : i32
        %swap3A_1018 = arith.constant 10 : i32
        %swap3A_1019 = arith.index_cast %swap3A_1017 : i32 to index
        %swap3A_1020 = arith.index_cast %swap3A_1018 : i32 to index
        %swap3A_1021 = arith.index_cast %mul3A_1016 : i32 to index
        %swap3A_1022 = tpu.vector_load %arg7[%swap3A_1019, %swap3A_1020, %swap3A_1021] {strides = array<i32>} : memref<2x16x1024xf32, #tpu.memory_space<vmem>>, vector<16xf32>,
        tpu.vector_store %arg7[%swap3A_1019, %swap3A_1020, %swap3A_1021], %add3A_1014 {add = true, strides = array<i32>} : memref<2x16x1024xf32, #tpu.memory_space<vmem>>, vector<16xf32>,
        %mul3A_1023 = arith.mulf %min3A_563, %sub3A_889 : vector<16xf32>
        %add3A_1024 = arith.addf %get3A_876, %mul3A_1023 : vector<16xf32>
        %mul3A_1025 = arith.mulf %max3A_569, %sub3A_890 : vector<16xf32>
        %add3A_1026 = arith.addf %add3A_1024, %mul3A_1025 : vector<16xf32>
        %mul3A_1027 = arith.constant 16 : i32
        %mul3A_1028 = arith.muli %add3A_872, %mul3A_1027 : i32
        %swap3A_1029 = arith.constant 1 : i32
        %swap3A_1030 = arith.constant 11 : i32
        %swap3A_1031 = arith.index_cast %swap3A_1029 : i32 to index
        %swap3A_1032 = arith.index_cast %swap3A_1030 : i32 to index
        %swap3A_1033 = arith.index_cast %mul3A_1028 : i32 to index
        %swap3A_1034 = tpu.vector_load %arg7[%swap3A_1031, %swap3A_1032, %swap3A_1033] {strides = array<i32>} : memref<2x16x1024xf32, #tpu.memory_space<vmem>>, vector<16xf32>,
        tpu.vector_store %arg7[%swap3A_1031, %swap3A_1032, %swap3A_1033], %add3A_1026 {add = true, strides = array<i32>} : memref<2x16x1024xf32, #tpu.memory_space<vmem>>, vector<16xf32>,
        %mul3A_1035 = arith.mulf %min3A_579, %sub3A_889 : vector<16xf32>
        %add3A_1036 = arith.addf %get3A_876, %mul3A_1035 : vector<16xf32>
        %mul3A_1037 = arith.mulf %max3A_585, %sub3A_890 : vector<16xf32>
        %add3A_1038 = arith.addf %add3A_1036, %mul3A_1037 : vector<16xf32>
        %mul3A_1039 = arith.constant 16 : i32
        %mul3A_1040 = arith.muli %add3A_872, %mul3A_1039 : i32
        %swap3A_1041 = arith.constant 1 : i32
        %swap3A_1042 = arith.constant 12 : i32
        %swap3A_1043 = arith.index_cast %swap3A_1041 : i32 to index
        %swap3A_1044 = arith.index_cast %swap3A_1042 : i32 to index
        %swap3A_1045 = arith.index_cast %mul3A_1040 : i32 to index
        %swap3A_1046 = tpu.vector_load %arg7[%swap3A_1043, %swap3A_1044, %swap3A_1045] {strides = array<i32>} : memref<2x16x1024xf32, #tpu.memory_space<vmem>>, vector<16xf32>,
        tpu.vector_store %arg7[%swap3A_1043, %swap3A_1044, %swap3A_1045], %add3A_1038 {add = true, strides = array<i32>} : memref<2x16x1024xf32, #tpu.memory_space<vmem>>, vector<16xf32>,
        %mul3A_1047 = arith.mulf %min3A_595, %sub3A_889 : vector<16xf32>
        %add3A_1048 = arith.addf %get3A_876, %mul3A_1047 : vector<16xf32>
        %mul3A_1049 = arith.mulf %max3A_601, %sub3A_890 : vector<16xf32>
        %add3A_1050 = arith.addf %add3A_1048, %mul3A_1049 : vector<16xf32>
        %mul3A_1051 = arith.constant 16 : i32
        %mul3A_1052 = arith.muli %add3A_872, %mul3A_1051 : i32
        %swap3A_1053 = arith.constant 1 : i32
        %swap3A_1054 = arith.constant 13 : i32
        %swap3A_1055 = arith.index_cast %swap3A_1053 : i32 to index
        %swap3A_1056 = arith.index_cast %swap3A_1054 : i32 to index
        %swap3A_1057 = arith.index_cast %mul3A_1052 : i32 to index
        %swap3A_1058 = tpu.vector_load %arg7[%swap3A_1055, %swap3A_1056, %swap3A_1057] {strides = array<i32>} : memref<2x16x1024xf32, #tpu.memory_space<vmem>>, vector<16xf32>,
        tpu.vector_store %arg7[%swap3A_1055, %swap3A_1056, %swap3A_1057], %add3A_1050 {add = true, strides = array<i32>} : memref<2x16x1024xf32, #tpu.memory_space<vmem>>, vector<16xf32>,
        %mul3A_1059 = arith.mulf %min3A_611, %sub3A_889 : vector<16xf32>
        %add3A_1060 = arith.addf %get3A_876, %mul3A_1059 : vector<16xf32>
        %mul3A_1061 = arith.mulf %max3A_617, %sub3A_890 : vector<16xf32>
        %add3A_1062 = arith.addf %add3A_1060, %mul3A_1061 : vector<16xf32>
        %mul3A_1063 = arith.constant 16 : i32
        %mul3A_1064 = arith.muli %add3A_872, %mul3A_1063 : i32
        %swap3A_1065 = arith.constant 1 : i32
        %swap3A_1066 = arith.constant 14 : i32
        %swap3A_1067 = arith.index_cast %swap3A_1065 : i32 to index
        %swap3A_1068 = arith.index_cast %swap3A_1066 : i32 to index
        %swap3A_1069 = arith.index_cast %mul3A_1064 : i32 to index
        %swap3A_1070 = tpu.vector_load %arg7[%swap3A_1067, %swap3A_1068, %swap3A_1069] {strides = array<i32>} : memref<2x16x1024xf32, #tpu.memory_space<vmem>>, vector<16xf32>,
        tpu.vector_store %arg7[%swap3A_1067, %swap3A_1068, %swap3A_1069], %add3A_1062 {add = true, strides = array<i32>} : memref<2x16x1024xf32, #tpu.memory_space<vmem>>, vector<16xf32>,
        %mul3A_1071 = arith.mulf %min3A_627, %sub3A_889 : vector<16xf32>
        %add3A_1072 = arith.addf %get3A_876, %mul3A_1071 : vector<16xf32>
        %mul3A_1073 = arith.mulf %max3A_633, %sub3A_890 : vector<16xf32>
        %add3A_1074 = arith.addf %add3A_1072, %mul3A_1073 : vector<16xf32>
        %mul3A_1075 = arith.constant 16 : i32
        %mul3A_1076 = arith.muli %add3A_872, %mul3A_1075 : i32
        %swap3A_1077 = arith.constant 1 : i32
        %swap3A_1078 = arith.constant 15 : i32
        %swap3A_1079 = arith.index_cast %swap3A_1077 : i32 to index
        %swap3A_1080 = arith.index_cast %swap3A_1078 : i32 to index
        %swap3A_1081 = arith.index_cast %mul3A_1076 : i32 to index
        %swap3A_1082 = tpu.vector_load %arg7[%swap3A_1079, %swap3A_1080, %swap3A_1081] {strides = array<i32>} : memref<2x16x1024xf32, #tpu.memory_space<vmem>>, vector<16xf32>,
        tpu.vector_store %arg7[%swap3A_1079, %swap3A_1080, %swap3A_1081], %add3A_1074 {add = true, strides = array<i32>} : memref<2x16x1024xf32, #tpu.memory_space<vmem>>, vector<16xf32>,
        %mul3A_1083 = arith.constant 4 : i32
        %mul3A_1084 = arith.muli %scan3A_656, %mul3A_1083 : i32
        %add3A_1085 = arith.constant 2 : i32
        %add3A_1086 = arith.addi %mul3A_1084, %add3A_1085 : i32
        %mul3A_1087 = arith.constant 16 : i32
        %mul3A_1088 = arith.muli %add3A_1086, %mul3A_1087 : i32
        %get3A_1089 = arith.index_cast %mul3A_1088 : i32 to index
        %get3A_1090 = tpu.vector_load %arg8[%get3A_1089] {strides = array<i32>} : memref<3072xf32, #tpu.memory_space<vmem>>, vector<16xf32>,
        %mul3A_1091 = arith.constant 16 : i32
        %mul3A_1092 = arith.muli %add3A_1086, %mul3A_1091 : i32
        %add3A_1093 = arith.constant 1024 : i32
        %add3A_1094 = arith.addi %add3A_1093, %mul3A_1092 : i32
        %get3A_1095 = arith.index_cast %add3A_1094 : i32 to index
        %get3A_1096 = tpu.vector_load %arg8[%get3A_1095] {strides = array<i32>} : memref<3072xf32, #tpu.memory_space<vmem>>, vector<16xf32>,
        %mul3A_1097 = arith.constant 16 : i32
        %mul3A_1098 = arith.muli %add3A_1086, %mul3A_1097 : i32
        %add3A_1099 = arith.constant 2048 : i32
        %add3A_1100 = arith.addi %add3A_1099, %mul3A_1098 : i32
        %get3A_1101 = arith.index_cast %add3A_1100 : i32 to index
        %get3A_1102 = tpu.vector_load %arg8[%get3A_1101] {strides = array<i32>} : memref<3072xf32, #tpu.memory_space<vmem>>, vector<16xf32>,
        %sub3A_1103 = arith.subf %get3A_1096, %get3A_1090 : vector<16xf32>
        %sub3A_1104 = arith.subf %get3A_1102, %get3A_1096 : vector<16xf32>
        %mul3A_1105 = arith.mulf %min3A_387, %sub3A_1103 : vector<16xf32>
        %add3A_1106 = arith.addf %get3A_1090, %mul3A_1105 : vector<16xf32>
        %mul3A_1107 = arith.mulf %max3A_393, %sub3A_1104 : vector<16xf32>
        %add3A_1108 = arith.addf %add3A_1106, %mul3A_1107 : vector<16xf32>
        %mul3A_1109 = arith.constant 16 : i32
        %mul3A_1110 = arith.muli %add3A_1086, %mul3A_1109 : i32
        %swap3A_1111 = arith.constant 1 : i32
        %swap3A_1112 = arith.constant 0 : i32
        %swap3A_1113 = arith.index_cast %swap3A_1111 : i32 to index
        %swap3A_1114 = arith.index_cast %swap3A_1112 : i32 to index
        %swap3A_1115 = arith.index_cast %mul3A_1110 : i32 to index
        %swap3A_1116 = tpu.vector_load %arg7[%swap3A_1113, %swap3A_1114, %swap3A_1115] {strides = array<i32>} : memref<2x16x1024xf32, #tpu.memory_space<vmem>>, vector<16xf32>,
        tpu.vector_store %arg7[%swap3A_1113, %swap3A_1114, %swap3A_1115], %add3A_1108 {add = true, strides = array<i32>} : memref<2x16x1024xf32, #tpu.memory_space<vmem>>, vector<16xf32>,
        %mul3A_1117 = arith.mulf %min3A_403, %sub3A_1103 : vector<16xf32>
        %add3A_1118 = arith.addf %get3A_1090, %mul3A_1117 : vector<16xf32>
        %mul3A_1119 = arith.mulf %max3A_409, %sub3A_1104 : vector<16xf32>
        %add3A_1120 = arith.addf %add3A_1118, %mul3A_1119 : vector<16xf32>
        %mul3A_1121 = arith.constant 16 : i32
        %mul3A_1122 = arith.muli %add3A_1086, %mul3A_1121 : i32
        %swap3A_1123 = arith.constant 1 : i32
        %swap3A_1124 = arith.constant 1 : i32
        %swap3A_1125 = arith.index_cast %swap3A_1123 : i32 to index
        %swap3A_1126 = arith.index_cast %swap3A_1124 : i32 to index
        %swap3A_1127 = arith.index_cast %mul3A_1122 : i32 to index
        %swap3A_1128 = tpu.vector_load %arg7[%swap3A_1125, %swap3A_1126, %swap3A_1127] {strides = array<i32>} : memref<2x16x1024xf32, #tpu.memory_space<vmem>>, vector<16xf32>,
        tpu.vector_store %arg7[%swap3A_1125, %swap3A_1126, %swap3A_1127], %add3A_1120 {add = true, strides = array<i32>} : memref<2x16x1024xf32, #tpu.memory_space<vmem>>, vector<16xf32>,
        %mul3A_1129 = arith.mulf %min3A_419, %sub3A_1103 : vector<16xf32>
        %add3A_1130 = arith.addf %get3A_1090, %mul3A_1129 : vector<16xf32>
        %mul3A_1131 = arith.mulf %max3A_425, %sub3A_1104 : vector<16xf32>
        %add3A_1132 = arith.addf %add3A_1130, %mul3A_1131 : vector<16xf32>
        %mul3A_1133 = arith.constant 16 : i32
        %mul3A_1134 = arith.muli %add3A_1086, %mul3A_1133 : i32
        %swap3A_1135 = arith.constant 1 : i32
        %swap3A_1136 = arith.constant 2 : i32
        %swap3A_1137 = arith.index_cast %swap3A_1135 : i32 to index
        %swap3A_1138 = arith.index_cast %swap3A_1136 : i32 to index
        %swap3A_1139 = arith.index_cast %mul3A_1134 : i32 to index
        %swap3A_1140 = tpu.vector_load %arg7[%swap3A_1137, %swap3A_1138, %swap3A_1139] {strides = array<i32>} : memref<2x16x1024xf32, #tpu.memory_space<vmem>>, vector<16xf32>,
        tpu.vector_store %arg7[%swap3A_1137, %swap3A_1138, %swap3A_1139], %add3A_1132 {add = true, strides = array<i32>} : memref<2x16x1024xf32, #tpu.memory_space<vmem>>, vector<16xf32>,
        %mul3A_1141 = arith.mulf %min3A_435, %sub3A_1103 : vector<16xf32>
        %add3A_1142 = arith.addf %get3A_1090, %mul3A_1141 : vector<16xf32>
        %mul3A_1143 = arith.mulf %max3A_441, %sub3A_1104 : vector<16xf32>
        %add3A_1144 = arith.addf %add3A_1142, %mul3A_1143 : vector<16xf32>
        %mul3A_1145 = arith.constant 16 : i32
        %mul3A_1146 = arith.muli %add3A_1086, %mul3A_1145 : i32
        %swap3A_1147 = arith.constant 1 : i32
        %swap3A_1148 = arith.constant 3 : i32
        %swap3A_1149 = arith.index_cast %swap3A_1147 : i32 to index
        %swap3A_1150 = arith.index_cast %swap3A_1148 : i32 to index
        %swap3A_1151 = arith.index_cast %mul3A_1146 : i32 to index
        %swap3A_1152 = tpu.vector_load %arg7[%swap3A_1149, %swap3A_1150, %swap3A_1151] {strides = array<i32>} : memref<2x16x1024xf32, #tpu.memory_space<vmem>>, vector<16xf32>,
        tpu.vector_store %arg7[%swap3A_1149, %swap3A_1150, %swap3A_1151], %add3A_1144 {add = true, strides = array<i32>} : memref<2x16x1024xf32, #tpu.memory_space<vmem>>, vector<16xf32>,
        %mul3A_1153 = arith.mulf %min3A_451, %sub3A_1103 : vector<16xf32>
        %add3A_1154 = arith.addf %get3A_1090, %mul3A_1153 : vector<16xf32>
        %mul3A_1155 = arith.mulf %max3A_457, %sub3A_1104 : vector<16xf32>
        %add3A_1156 = arith.addf %add3A_1154, %mul3A_1155 : vector<16xf32>
        %mul3A_1157 = arith.constant 16 : i32
        %mul3A_1158 = arith.muli %add3A_1086, %mul3A_1157 : i32
        %swap3A_1159 = arith.constant 1 : i32
        %swap3A_1160 = arith.constant 4 : i32
        %swap3A_1161 = arith.index_cast %swap3A_1159 : i32 to index
        %swap3A_1162 = arith.index_cast %swap3A_1160 : i32 to index
        %swap3A_1163 = arith.index_cast %mul3A_1158 : i32 to index
        %swap3A_1164 = tpu.vector_load %arg7[%swap3A_1161, %swap3A_1162, %swap3A_1163] {strides = array<i32>} : memref<2x16x1024xf32, #tpu.memory_space<vmem>>, vector<16xf32>,
        tpu.vector_store %arg7[%swap3A_1161, %swap3A_1162, %swap3A_1163], %add3A_1156 {add = true, strides = array<i32>} : memref<2x16x1024xf32, #tpu.memory_space<vmem>>, vector<16xf32>,
        %mul3A_1165 = arith.mulf %min3A_467, %sub3A_1103 : vector<16xf32>
        %add3A_1166 = arith.addf %get3A_1090, %mul3A_1165 : vector<16xf32>
        %mul3A_1167 = arith.mulf %max3A_473, %sub3A_1104 : vector<16xf32>
        %add3A_1168 = arith.addf %add3A_1166, %mul3A_1167 : vector<16xf32>
        %mul3A_1169 = arith.constant 16 : i32
        %mul3A_1170 = arith.muli %add3A_1086, %mul3A_1169 : i32
        %swap3A_1171 = arith.constant 1 : i32
        %swap3A_1172 = arith.constant 5 : i32
        %swap3A_1173 = arith.index_cast %swap3A_1171 : i32 to index
        %swap3A_1174 = arith.index_cast %swap3A_1172 : i32 to index
        %swap3A_1175 = arith.index_cast %mul3A_1170 : i32 to index
        %swap3A_1176 = tpu.vector_load %arg7[%swap3A_1173, %swap3A_1174, %swap3A_1175] {strides = array<i32>} : memref<2x16x1024xf32, #tpu.memory_space<vmem>>, vector<16xf32>,
        tpu.vector_store %arg7[%swap3A_1173, %swap3A_1174, %swap3A_1175], %add3A_1168 {add = true, strides = array<i32>} : memref<2x16x1024xf32, #tpu.memory_space<vmem>>, vector<16xf32>,
        %mul3A_1177 = arith.mulf %min3A_483, %sub3A_1103 : vector<16xf32>
        %add3A_1178 = arith.addf %get3A_1090, %mul3A_1177 : vector<16xf32>
        %mul3A_1179 = arith.mulf %max3A_489, %sub3A_1104 : vector<16xf32>
        %add3A_1180 = arith.addf %add3A_1178, %mul3A_1179 : vector<16xf32>
        %mul3A_1181 = arith.constant 16 : i32
        %mul3A_1182 = arith.muli %add3A_1086, %mul3A_1181 : i32
        %swap3A_1183 = arith.constant 1 : i32
        %swap3A_1184 = arith.constant 6 : i32
        %swap3A_1185 = arith.index_cast %swap3A_1183 : i32 to index
        %swap3A_1186 = arith.index_cast %swap3A_1184 : i32 to index
        %swap3A_1187 = arith.index_cast %mul3A_1182 : i32 to index
        %swap3A_1188 = tpu.vector_load %arg7[%swap3A_1185, %swap3A_1186, %swap3A_1187] {strides = array<i32>} : memref<2x16x1024xf32, #tpu.memory_space<vmem>>, vector<16xf32>,
        tpu.vector_store %arg7[%swap3A_1185, %swap3A_1186, %swap3A_1187], %add3A_1180 {add = true, strides = array<i32>} : memref<2x16x1024xf32, #tpu.memory_space<vmem>>, vector<16xf32>,
        %mul3A_1189 = arith.mulf %min3A_499, %sub3A_1103 : vector<16xf32>
        %add3A_1190 = arith.addf %get3A_1090, %mul3A_1189 : vector<16xf32>
        %mul3A_1191 = arith.mulf %max3A_505, %sub3A_1104 : vector<16xf32>
        %add3A_1192 = arith.addf %add3A_1190, %mul3A_1191 : vector<16xf32>
        %mul3A_1193 = arith.constant 16 : i32
        %mul3A_1194 = arith.muli %add3A_1086, %mul3A_1193 : i32
        %swap3A_1195 = arith.constant 1 : i32
        %swap3A_1196 = arith.constant 7 : i32
        %swap3A_1197 = arith.index_cast %swap3A_1195 : i32 to index
        %swap3A_1198 = arith.index_cast %swap3A_1196 : i32 to index
        %swap3A_1199 = arith.index_cast %mul3A_1194 : i32 to index
        %swap3A_1200 = tpu.vector_load %arg7[%swap3A_1197, %swap3A_1198, %swap3A_1199] {strides = array<i32>} : memref<2x16x1024xf32, #tpu.memory_space<vmem>>, vector<16xf32>,
        tpu.vector_store %arg7[%swap3A_1197, %swap3A_1198, %swap3A_1199], %add3A_1192 {add = true, strides = array<i32>} : memref<2x16x1024xf32, #tpu.memory_space<vmem>>, vector<16xf32>,
        %mul3A_1201 = arith.mulf %min3A_515, %sub3A_1103 : vector<16xf32>
        %add3A_1202 = arith.addf %get3A_1090, %mul3A_1201 : vector<16xf32>
        %mul3A_1203 = arith.mulf %max3A_521, %sub3A_1104 : vector<16xf32>
        %add3A_1204 = arith.addf %add3A_1202, %mul3A_1203 : vector<16xf32>
        %mul3A_1205 = arith.constant 16 : i32
        %mul3A_1206 = arith.muli %add3A_1086, %mul3A_1205 : i32
        %swap3A_1207 = arith.constant 1 : i32
        %swap3A_1208 = arith.constant 8 : i32
        %swap3A_1209 = arith.index_cast %swap3A_1207 : i32 to index
        %swap3A_1210 = arith.index_cast %swap3A_1208 : i32 to index
        %swap3A_1211 = arith.index_cast %mul3A_1206 : i32 to index
        %swap3A_1212 = tpu.vector_load %arg7[%swap3A_1209, %swap3A_1210, %swap3A_1211] {strides = array<i32>} : memref<2x16x1024xf32, #tpu.memory_space<vmem>>, vector<16xf32>,
        tpu.vector_store %arg7[%swap3A_1209, %swap3A_1210, %swap3A_1211], %add3A_1204 {add = true, strides = array<i32>} : memref<2x16x1024xf32, #tpu.memory_space<vmem>>, vector<16xf32>,
        %mul3A_1213 = arith.mulf %min3A_531, %sub3A_1103 : vector<16xf32>
        %add3A_1214 = arith.addf %get3A_1090, %mul3A_1213 : vector<16xf32>
        %mul3A_1215 = arith.mulf %max3A_537, %sub3A_1104 : vector<16xf32>
        %add3A_1216 = arith.addf %add3A_1214, %mul3A_1215 : vector<16xf32>
        %mul3A_1217 = arith.constant 16 : i32
        %mul3A_1218 = arith.muli %add3A_1086, %mul3A_1217 : i32
        %swap3A_1219 = arith.constant 1 : i32
        %swap3A_1220 = arith.constant 9 : i32
        %swap3A_1221 = arith.index_cast %swap3A_1219 : i32 to index
        %swap3A_1222 = arith.index_cast %swap3A_1220 : i32 to index
        %swap3A_1223 = arith.index_cast %mul3A_1218 : i32 to index
        %swap3A_1224 = tpu.vector_load %arg7[%swap3A_1221, %swap3A_1222, %swap3A_1223] {strides = array<i32>} : memref<2x16x1024xf32, #tpu.memory_space<vmem>>, vector<16xf32>,
        tpu.vector_store %arg7[%swap3A_1221, %swap3A_1222, %swap3A_1223], %add3A_1216 {add = true, strides = array<i32>} : memref<2x16x1024xf32, #tpu.memory_space<vmem>>, vector<16xf32>,
        %mul3A_1225 = arith.mulf %min3A_547, %sub3A_1103 : vector<16xf32>
        %add3A_1226 = arith.addf %get3A_1090, %mul3A_1225 : vector<16xf32>
        %mul3A_1227 = arith.mulf %max3A_553, %sub3A_1104 : vector<16xf32>
        %add3A_1228 = arith.addf %add3A_1226, %mul3A_1227 : vector<16xf32>
        %mul3A_1229 = arith.constant 16 : i32
        %mul3A_1230 = arith.muli %add3A_1086, %mul3A_1229 : i32
        %swap3A_1231 = arith.constant 1 : i32
        %swap3A_1232 = arith.constant 10 : i32
        %swap3A_1233 = arith.index_cast %swap3A_1231 : i32 to index
        %swap3A_1234 = arith.index_cast %swap3A_1232 : i32 to index
        %swap3A_1235 = arith.index_cast %mul3A_1230 : i32 to index
        %swap3A_1236 = tpu.vector_load %arg7[%swap3A_1233, %swap3A_1234, %swap3A_1235] {strides = array<i32>} : memref<2x16x1024xf32, #tpu.memory_space<vmem>>, vector<16xf32>,
        tpu.vector_store %arg7[%swap3A_1233, %swap3A_1234, %swap3A_1235], %add3A_1228 {add = true, strides = array<i32>} : memref<2x16x1024xf32, #tpu.memory_space<vmem>>, vector<16xf32>,
        %mul3A_1237 = arith.mulf %min3A_563, %sub3A_1103 : vector<16xf32>
        %add3A_1238 = arith.addf %get3A_1090, %mul3A_1237 : vector<16xf32>
        %mul3A_1239 = arith.mulf %max3A_569, %sub3A_1104 : vector<16xf32>
        %add3A_1240 = arith.addf %add3A_1238, %mul3A_1239 : vector<16xf32>
        %mul3A_1241 = arith.constant 16 : i32
        %mul3A_1242 = arith.muli %add3A_1086, %mul3A_1241 : i32
        %swap3A_1243 = arith.constant 1 : i32
        %swap3A_1244 = arith.constant 11 : i32
        %swap3A_1245 = arith.index_cast %swap3A_1243 : i32 to index
        %swap3A_1246 = arith.index_cast %swap3A_1244 : i32 to index
        %swap3A_1247 = arith.index_cast %mul3A_1242 : i32 to index
        %swap3A_1248 = tpu.vector_load %arg7[%swap3A_1245, %swap3A_1246, %swap3A_1247] {strides = array<i32>} : memref<2x16x1024xf32, #tpu.memory_space<vmem>>, vector<16xf32>,
        tpu.vector_store %arg7[%swap3A_1245, %swap3A_1246, %swap3A_1247], %add3A_1240 {add = true, strides = array<i32>} : memref<2x16x1024xf32, #tpu.memory_space<vmem>>, vector<16xf32>,
        %mul3A_1249 = arith.mulf %min3A_579, %sub3A_1103 : vector<16xf32>
        %add3A_1250 = arith.addf %get3A_1090, %mul3A_1249 : vector<16xf32>
        %mul3A_1251 = arith.mulf %max3A_585, %sub3A_1104 : vector<16xf32>
        %add3A_1252 = arith.addf %add3A_1250, %mul3A_1251 : vector<16xf32>
        %mul3A_1253 = arith.constant 16 : i32
        %mul3A_1254 = arith.muli %add3A_1086, %mul3A_1253 : i32
        %swap3A_1255 = arith.constant 1 : i32
        %swap3A_1256 = arith.constant 12 : i32
        %swap3A_1257 = arith.index_cast %swap3A_1255 : i32 to index
        %swap3A_1258 = arith.index_cast %swap3A_1256 : i32 to index
        %swap3A_1259 = arith.index_cast %mul3A_1254 : i32 to index
        %swap3A_1260 = tpu.vector_load %arg7[%swap3A_1257, %swap3A_1258, %swap3A_1259] {strides = array<i32>} : memref<2x16x1024xf32, #tpu.memory_space<vmem>>, vector<16xf32>,
        tpu.vector_store %arg7[%swap3A_1257, %swap3A_1258, %swap3A_1259], %add3A_1252 {add = true, strides = array<i32>} : memref<2x16x1024xf32, #tpu.memory_space<vmem>>, vector<16xf32>,
        %mul3A_1261 = arith.mulf %min3A_595, %sub3A_1103 : vector<16xf32>
        %add3A_1262 = arith.addf %get3A_1090, %mul3A_1261 : vector<16xf32>
        %mul3A_1263 = arith.mulf %max3A_601, %sub3A_1104 : vector<16xf32>
        %add3A_1264 = arith.addf %add3A_1262, %mul3A_1263 : vector<16xf32>
        %mul3A_1265 = arith.constant 16 : i32
        %mul3A_1266 = arith.muli %add3A_1086, %mul3A_1265 : i32
        %swap3A_1267 = arith.constant 1 : i32
        %swap3A_1268 = arith.constant 13 : i32
        %swap3A_1269 = arith.index_cast %swap3A_1267 : i32 to index
        %swap3A_1270 = arith.index_cast %swap3A_1268 : i32 to index
        %swap3A_1271 = arith.index_cast %mul3A_1266 : i32 to index
        %swap3A_1272 = tpu.vector_load %arg7[%swap3A_1269, %swap3A_1270, %swap3A_1271] {strides = array<i32>} : memref<2x16x1024xf32, #tpu.memory_space<vmem>>, vector<16xf32>,
        tpu.vector_store %arg7[%swap3A_1269, %swap3A_1270, %swap3A_1271], %add3A_1264 {add = true, strides = array<i32>} : memref<2x16x1024xf32, #tpu.memory_space<vmem>>, vector<16xf32>,
        %mul3A_1273 = arith.mulf %min3A_611, %sub3A_1103 : vector<16xf32>
        %add3A_1274 = arith.addf %get3A_1090, %mul3A_1273 : vector<16xf32>
        %mul3A_1275 = arith.mulf %max3A_617, %sub3A_1104 : vector<16xf32>
        %add3A_1276 = arith.addf %add3A_1274, %mul3A_1275 : vector<16xf32>
        %mul3A_1277 = arith.constant 16 : i32
        %mul3A_1278 = arith.muli %add3A_1086, %mul3A_1277 : i32
        %swap3A_1279 = arith.constant 1 : i32
        %swap3A_1280 = arith.constant 14 : i32
        %swap3A_1281 = arith.index_cast %swap3A_1279 : i32 to index
        %swap3A_1282 = arith.index_cast %swap3A_1280 : i32 to index
        %swap3A_1283 = arith.index_cast %mul3A_1278 : i32 to index
        %swap3A_1284 = tpu.vector_load %arg7[%swap3A_1281, %swap3A_1282, %swap3A_1283] {strides = array<i32>} : memref<2x16x1024xf32, #tpu.memory_space<vmem>>, vector<16xf32>,
        tpu.vector_store %arg7[%swap3A_1281, %swap3A_1282, %swap3A_1283], %add3A_1276 {add = true, strides = array<i32>} : memref<2x16x1024xf32, #tpu.memory_space<vmem>>, vector<16xf32>,
        %mul3A_1285 = arith.mulf %min3A_627, %sub3A_1103 : vector<16xf32>
        %add3A_1286 = arith.addf %get3A_1090, %mul3A_1285 : vector<16xf32>
        %mul3A_1287 = arith.mulf %max3A_633, %sub3A_1104 : vector<16xf32>
        %add3A_1288 = arith.addf %add3A_1286, %mul3A_1287 : vector<16xf32>
        %mul3A_1289 = arith.constant 16 : i32
        %mul3A_1290 = arith.muli %add3A_1086, %mul3A_1289 : i32
        %swap3A_1291 = arith.constant 1 : i32
        %swap3A_1292 = arith.constant 15 : i32
        %swap3A_1293 = arith.index_cast %swap3A_1291 : i32 to index
        %swap3A_1294 = arith.index_cast %swap3A_1292 : i32 to index
        %swap3A_1295 = arith.index_cast %mul3A_1290 : i32 to index
        %swap3A_1296 = tpu.vector_load %arg7[%swap3A_1293, %swap3A_1294, %swap3A_1295] {strides = array<i32>} : memref<2x16x1024xf32, #tpu.memory_space<vmem>>, vector<16xf32>,
        tpu.vector_store %arg7[%swap3A_1293, %swap3A_1294, %swap3A_1295], %add3A_1288 {add = true, strides = array<i32>} : memref<2x16x1024xf32, #tpu.memory_space<vmem>>, vector<16xf32>,
        %mul3A_1297 = arith.constant 4 : i32
        %mul3A_1298 = arith.muli %scan3A_656, %mul3A_1297 : i32
        %add3A_1299 = arith.constant 3 : i32
        %add3A_1300 = arith.addi %mul3A_1298, %add3A_1299 : i32
        %mul3A_1301 = arith.constant 16 : i32
        %mul3A_1302 = arith.muli %add3A_1300, %mul3A_1301 : i32
        %get3A_1303 = arith.index_cast %mul3A_1302 : i32 to index
        %get3A_1304 = tpu.vector_load %arg8[%get3A_1303] {strides = array<i32>} : memref<3072xf32, #tpu.memory_space<vmem>>, vector<16xf32>,
        %mul3A_1305 = arith.constant 16 : i32
        %mul3A_1306 = arith.muli %add3A_1300, %mul3A_1305 : i32
        %add3A_1307 = arith.constant 1024 : i32
        %add3A_1308 = arith.addi %add3A_1307, %mul3A_1306 : i32
        %get3A_1309 = arith.index_cast %add3A_1308 : i32 to index
        %get3A_1310 = tpu.vector_load %arg8[%get3A_1309] {strides = array<i32>} : memref<3072xf32, #tpu.memory_space<vmem>>, vector<16xf32>,
        %mul3A_1311 = arith.constant 16 : i32
        %mul3A_1312 = arith.muli %add3A_1300, %mul3A_1311 : i32
        %add3A_1313 = arith.constant 2048 : i32
        %add3A_1314 = arith.addi %add3A_1313, %mul3A_1312 : i32
        %get3A_1315 = arith.index_cast %add3A_1314 : i32 to index
        %get3A_1316 = tpu.vector_load %arg8[%get3A_1315] {strides = array<i32>} : memref<3072xf32, #tpu.memory_space<vmem>>, vector<16xf32>,
        %sub3A_1317 = arith.subf %get3A_1310, %get3A_1304 : vector<16xf32>
        %sub3A_1318 = arith.subf %get3A_1316, %get3A_1310 : vector<16xf32>
        %mul3A_1319 = arith.mulf %min3A_387, %sub3A_1317 : vector<16xf32>
        %add3A_1320 = arith.addf %get3A_1304, %mul3A_1319 : vector<16xf32>
        %mul3A_1321 = arith.mulf %max3A_393, %sub3A_1318 : vector<16xf32>
        %add3A_1322 = arith.addf %add3A_1320, %mul3A_1321 : vector<16xf32>
        %mul3A_1323 = arith.constant 16 : i32
        %mul3A_1324 = arith.muli %add3A_1300, %mul3A_1323 : i32
        %swap3A_1325 = arith.constant 1 : i32
        %swap3A_1326 = arith.constant 0 : i32
        %swap3A_1327 = arith.index_cast %swap3A_1325 : i32 to index
        %swap3A_1328 = arith.index_cast %swap3A_1326 : i32 to index
        %swap3A_1329 = arith.index_cast %mul3A_1324 : i32 to index
        %swap3A_1330 = tpu.vector_load %arg7[%swap3A_1327, %swap3A_1328, %swap3A_1329] {strides = array<i32>} : memref<2x16x1024xf32, #tpu.memory_space<vmem>>, vector<16xf32>,
        tpu.vector_store %arg7[%swap3A_1327, %swap3A_1328, %swap3A_1329], %add3A_1322 {add = true, strides = array<i32>} : memref<2x16x1024xf32, #tpu.memory_space<vmem>>, vector<16xf32>,
        %mul3A_1331 = arith.mulf %min3A_403, %sub3A_1317 : vector<16xf32>
        %add3A_1332 = arith.addf %get3A_1304, %mul3A_1331 : vector<16xf32>
        %mul3A_1333 = arith.mulf %max3A_409, %sub3A_1318 : vector<16xf32>
        %add3A_1334 = arith.addf %add3A_1332, %mul3A_1333 : vector<16xf32>
        %mul3A_1335 = arith.constant 16 : i32
        %mul3A_1336 = arith.muli %add3A_1300, %mul3A_1335 : i32
        %swap3A_1337 = arith.constant 1 : i32
        %swap3A_1338 = arith.constant 1 : i32
        %swap3A_1339 = arith.index_cast %swap3A_1337 : i32 to index
        %swap3A_1340 = arith.index_cast %swap3A_1338 : i32 to index
        %swap3A_1341 = arith.index_cast %mul3A_1336 : i32 to index
        %swap3A_1342 = tpu.vector_load %arg7[%swap3A_1339, %swap3A_1340, %swap3A_1341] {strides = array<i32>} : memref<2x16x1024xf32, #tpu.memory_space<vmem>>, vector<16xf32>,
        tpu.vector_store %arg7[%swap3A_1339, %swap3A_1340, %swap3A_1341], %add3A_1334 {add = true, strides = array<i32>} : memref<2x16x1024xf32, #tpu.memory_space<vmem>>, vector<16xf32>,
        %mul3A_1343 = arith.mulf %min3A_419, %sub3A_1317 : vector<16xf32>
        %add3A_1344 = arith.addf %get3A_1304, %mul3A_1343 : vector<16xf32>
        %mul3A_1345 = arith.mulf %max3A_425, %sub3A_1318 : vector<16xf32>
        %add3A_1346 = arith.addf %add3A_1344, %mul3A_1345 : vector<16xf32>
        %mul3A_1347 = arith.constant 16 : i32
        %mul3A_1348 = arith.muli %add3A_1300, %mul3A_1347 : i32
        %swap3A_1349 = arith.constant 1 : i32
        %swap3A_1350 = arith.constant 2 : i32
        %swap3A_1351 = arith.index_cast %swap3A_1349 : i32 to index
        %swap3A_1352 = arith.index_cast %swap3A_1350 : i32 to index
        %swap3A_1353 = arith.index_cast %mul3A_1348 : i32 to index
        %swap3A_1354 = tpu.vector_load %arg7[%swap3A_1351, %swap3A_1352, %swap3A_1353] {strides = array<i32>} : memref<2x16x1024xf32, #tpu.memory_space<vmem>>, vector<16xf32>,
        tpu.vector_store %arg7[%swap3A_1351, %swap3A_1352, %swap3A_1353], %add3A_1346 {add = true, strides = array<i32>} : memref<2x16x1024xf32, #tpu.memory_space<vmem>>, vector<16xf32>,
        %mul3A_1355 = arith.mulf %min3A_435, %sub3A_1317 : vector<16xf32>
        %add3A_1356 = arith.addf %get3A_1304, %mul3A_1355 : vector<16xf32>
        %mul3A_1357 = arith.mulf %max3A_441, %sub3A_1318 : vector<16xf32>
        %add3A_1358 = arith.addf %add3A_1356, %mul3A_1357 : vector<16xf32>
        %mul3A_1359 = arith.constant 16 : i32
        %mul3A_1360 = arith.muli %add3A_1300, %mul3A_1359 : i32
        %swap3A_1361 = arith.constant 1 : i32
        %swap3A_1362 = arith.constant 3 : i32
        %swap3A_1363 = arith.index_cast %swap3A_1361 : i32 to index
        %swap3A_1364 = arith.index_cast %swap3A_1362 : i32 to index
        %swap3A_1365 = arith.index_cast %mul3A_1360 : i32 to index
        %swap3A_1366 = tpu.vector_load %arg7[%swap3A_1363, %swap3A_1364, %swap3A_1365] {strides = array<i32>} : memref<2x16x1024xf32, #tpu.memory_space<vmem>>, vector<16xf32>,
        tpu.vector_store %arg7[%swap3A_1363, %swap3A_1364, %swap3A_1365], %add3A_1358 {add = true, strides = array<i32>} : memref<2x16x1024xf32, #tpu.memory_space<vmem>>, vector<16xf32>,
        %mul3A_1367 = arith.mulf %min3A_451, %sub3A_1317 : vector<16xf32>
        %add3A_1368 = arith.addf %get3A_1304, %mul3A_1367 : vector<16xf32>
        %mul3A_1369 = arith.mulf %max3A_457, %sub3A_1318 : vector<16xf32>
        %add3A_1370 = arith.addf %add3A_1368, %mul3A_1369 : vector<16xf32>
        %mul3A_1371 = arith.constant 16 : i32
        %mul3A_1372 = arith.muli %add3A_1300, %mul3A_1371 : i32
        %swap3A_1373 = arith.constant 1 : i32
        %swap3A_1374 = arith.constant 4 : i32
        %swap3A_1375 = arith.index_cast %swap3A_1373 : i32 to index
        %swap3A_1376 = arith.index_cast %swap3A_1374 : i32 to index
        %swap3A_1377 = arith.index_cast %mul3A_1372 : i32 to index
        %swap3A_1378 = tpu.vector_load %arg7[%swap3A_1375, %swap3A_1376, %swap3A_1377] {strides = array<i32>} : memref<2x16x1024xf32, #tpu.memory_space<vmem>>, vector<16xf32>,
        tpu.vector_store %arg7[%swap3A_1375, %swap3A_1376, %swap3A_1377], %add3A_1370 {add = true, strides = array<i32>} : memref<2x16x1024xf32, #tpu.memory_space<vmem>>, vector<16xf32>,
        %mul3A_1379 = arith.mulf %min3A_467, %sub3A_1317 : vector<16xf32>
        %add3A_1380 = arith.addf %get3A_1304, %mul3A_1379 : vector<16xf32>
        %mul3A_1381 = arith.mulf %max3A_473, %sub3A_1318 : vector<16xf32>
        %add3A_1382 = arith.addf %add3A_1380, %mul3A_1381 : vector<16xf32>
        %mul3A_1383 = arith.constant 16 : i32
        %mul3A_1384 = arith.muli %add3A_1300, %mul3A_1383 : i32
        %swap3A_1385 = arith.constant 1 : i32
        %swap3A_1386 = arith.constant 5 : i32
        %swap3A_1387 = arith.index_cast %swap3A_1385 : i32 to index
        %swap3A_1388 = arith.index_cast %swap3A_1386 : i32 to index
        %swap3A_1389 = arith.index_cast %mul3A_1384 : i32 to index
        %swap3A_1390 = tpu.vector_load %arg7[%swap3A_1387, %swap3A_1388, %swap3A_1389] {strides = array<i32>} : memref<2x16x1024xf32, #tpu.memory_space<vmem>>, vector<16xf32>,
        tpu.vector_store %arg7[%swap3A_1387, %swap3A_1388, %swap3A_1389], %add3A_1382 {add = true, strides = array<i32>} : memref<2x16x1024xf32, #tpu.memory_space<vmem>>, vector<16xf32>,
        %mul3A_1391 = arith.mulf %min3A_483, %sub3A_1317 : vector<16xf32>
        %add3A_1392 = arith.addf %get3A_1304, %mul3A_1391 : vector<16xf32>
        %mul3A_1393 = arith.mulf %max3A_489, %sub3A_1318 : vector<16xf32>
        %add3A_1394 = arith.addf %add3A_1392, %mul3A_1393 : vector<16xf32>
        %mul3A_1395 = arith.constant 16 : i32
        %mul3A_1396 = arith.muli %add3A_1300, %mul3A_1395 : i32
        %swap3A_1397 = arith.constant 1 : i32
        %swap3A_1398 = arith.constant 6 : i32
        %swap3A_1399 = arith.index_cast %swap3A_1397 : i32 to index
        %swap3A_1400 = arith.index_cast %swap3A_1398 : i32 to index
        %swap3A_1401 = arith.index_cast %mul3A_1396 : i32 to index
        %swap3A_1402 = tpu.vector_load %arg7[%swap3A_1399, %swap3A_1400, %swap3A_1401] {strides = array<i32>} : memref<2x16x1024xf32, #tpu.memory_space<vmem>>, vector<16xf32>,
        tpu.vector_store %arg7[%swap3A_1399, %swap3A_1400, %swap3A_1401], %add3A_1394 {add = true, strides = array<i32>} : memref<2x16x1024xf32, #tpu.memory_space<vmem>>, vector<16xf32>,
        %mul3A_1403 = arith.mulf %min3A_499, %sub3A_1317 : vector<16xf32>
        %add3A_1404 = arith.addf %get3A_1304, %mul3A_1403 : vector<16xf32>
        %mul3A_1405 = arith.mulf %max3A_505, %sub3A_1318 : vector<16xf32>
        %add3A_1406 = arith.addf %add3A_1404, %mul3A_1405 : vector<16xf32>
        %mul3A_1407 = arith.constant 16 : i32
        %mul3A_1408 = arith.muli %add3A_1300, %mul3A_1407 : i32
        %swap3A_1409 = arith.constant 1 : i32
        %swap3A_1410 = arith.constant 7 : i32
        %swap3A_1411 = arith.index_cast %swap3A_1409 : i32 to index
        %swap3A_1412 = arith.index_cast %swap3A_1410 : i32 to index
        %swap3A_1413 = arith.index_cast %mul3A_1408 : i32 to index
        %swap3A_1414 = tpu.vector_load %arg7[%swap3A_1411, %swap3A_1412, %swap3A_1413] {strides = array<i32>} : memref<2x16x1024xf32, #tpu.memory_space<vmem>>, vector<16xf32>,
        tpu.vector_store %arg7[%swap3A_1411, %swap3A_1412, %swap3A_1413], %add3A_1406 {add = true, strides = array<i32>} : memref<2x16x1024xf32, #tpu.memory_space<vmem>>, vector<16xf32>,
        %mul3A_1415 = arith.mulf %min3A_515, %sub3A_1317 : vector<16xf32>
        %add3A_1416 = arith.addf %get3A_1304, %mul3A_1415 : vector<16xf32>
        %mul3A_1417 = arith.mulf %max3A_521, %sub3A_1318 : vector<16xf32>
        %add3A_1418 = arith.addf %add3A_1416, %mul3A_1417 : vector<16xf32>
        %mul3A_1419 = arith.constant 16 : i32
        %mul3A_1420 = arith.muli %add3A_1300, %mul3A_1419 : i32
        %swap3A_1421 = arith.constant 1 : i32
        %swap3A_1422 = arith.constant 8 : i32
        %swap3A_1423 = arith.index_cast %swap3A_1421 : i32 to index
        %swap3A_1424 = arith.index_cast %swap3A_1422 : i32 to index
        %swap3A_1425 = arith.index_cast %mul3A_1420 : i32 to index
        %swap3A_1426 = tpu.vector_load %arg7[%swap3A_1423, %swap3A_1424, %swap3A_1425] {strides = array<i32>} : memref<2x16x1024xf32, #tpu.memory_space<vmem>>, vector<16xf32>,
        tpu.vector_store %arg7[%swap3A_1423, %swap3A_1424, %swap3A_1425], %add3A_1418 {add = true, strides = array<i32>} : memref<2x16x1024xf32, #tpu.memory_space<vmem>>, vector<16xf32>,
        %mul3A_1427 = arith.mulf %min3A_531, %sub3A_1317 : vector<16xf32>
        %add3A_1428 = arith.addf %get3A_1304, %mul3A_1427 : vector<16xf32>
        %mul3A_1429 = arith.mulf %max3A_537, %sub3A_1318 : vector<16xf32>
        %add3A_1430 = arith.addf %add3A_1428, %mul3A_1429 : vector<16xf32>
        %mul3A_1431 = arith.constant 16 : i32
        %mul3A_1432 = arith.muli %add3A_1300, %mul3A_1431 : i32
        %swap3A_1433 = arith.constant 1 : i32
        %swap3A_1434 = arith.constant 9 : i32
        %swap3A_1435 = arith.index_cast %swap3A_1433 : i32 to index
        %swap3A_1436 = arith.index_cast %swap3A_1434 : i32 to index
        %swap3A_1437 = arith.index_cast %mul3A_1432 : i32 to index
        %swap3A_1438 = tpu.vector_load %arg7[%swap3A_1435, %swap3A_1436, %swap3A_1437] {strides = array<i32>} : memref<2x16x1024xf32, #tpu.memory_space<vmem>>, vector<16xf32>,
        tpu.vector_store %arg7[%swap3A_1435, %swap3A_1436, %swap3A_1437], %add3A_1430 {add = true, strides = array<i32>} : memref<2x16x1024xf32, #tpu.memory_space<vmem>>, vector<16xf32>,
        %mul3A_1439 = arith.mulf %min3A_547, %sub3A_1317 : vector<16xf32>
        %add3A_1440 = arith.addf %get3A_1304, %mul3A_1439 : vector<16xf32>
        %mul3A_1441 = arith.mulf %max3A_553, %sub3A_1318 : vector<16xf32>
        %add3A_1442 = arith.addf %add3A_1440, %mul3A_1441 : vector<16xf32>
        %mul3A_1443 = arith.constant 16 : i32
        %mul3A_1444 = arith.muli %add3A_1300, %mul3A_1443 : i32
        %swap3A_1445 = arith.constant 1 : i32
        %swap3A_1446 = arith.constant 10 : i32
        %swap3A_1447 = arith.index_cast %swap3A_1445 : i32 to index
        %swap3A_1448 = arith.index_cast %swap3A_1446 : i32 to index
        %swap3A_1449 = arith.index_cast %mul3A_1444 : i32 to index
        %swap3A_1450 = tpu.vector_load %arg7[%swap3A_1447, %swap3A_1448, %swap3A_1449] {strides = array<i32>} : memref<2x16x1024xf32, #tpu.memory_space<vmem>>, vector<16xf32>,
        tpu.vector_store %arg7[%swap3A_1447, %swap3A_1448, %swap3A_1449], %add3A_1442 {add = true, strides = array<i32>} : memref<2x16x1024xf32, #tpu.memory_space<vmem>>, vector<16xf32>,
        %mul3A_1451 = arith.mulf %min3A_563, %sub3A_1317 : vector<16xf32>
        %add3A_1452 = arith.addf %get3A_1304, %mul3A_1451 : vector<16xf32>
        %mul3A_1453 = arith.mulf %max3A_569, %sub3A_1318 : vector<16xf32>
        %add3A_1454 = arith.addf %add3A_1452, %mul3A_1453 : vector<16xf32>
        %mul3A_1455 = arith.constant 16 : i32
        %mul3A_1456 = arith.muli %add3A_1300, %mul3A_1455 : i32
        %swap3A_1457 = arith.constant 1 : i32
        %swap3A_1458 = arith.constant 11 : i32
        %swap3A_1459 = arith.index_cast %swap3A_1457 : i32 to index
        %swap3A_1460 = arith.index_cast %swap3A_1458 : i32 to index
        %swap3A_1461 = arith.index_cast %mul3A_1456 : i32 to index
        %swap3A_1462 = tpu.vector_load %arg7[%swap3A_1459, %swap3A_1460, %swap3A_1461] {strides = array<i32>} : memref<2x16x1024xf32, #tpu.memory_space<vmem>>, vector<16xf32>,
        tpu.vector_store %arg7[%swap3A_1459, %swap3A_1460, %swap3A_1461], %add3A_1454 {add = true, strides = array<i32>} : memref<2x16x1024xf32, #tpu.memory_space<vmem>>, vector<16xf32>,
        %mul3A_1463 = arith.mulf %min3A_579, %sub3A_1317 : vector<16xf32>
        %add3A_1464 = arith.addf %get3A_1304, %mul3A_1463 : vector<16xf32>
        %mul3A_1465 = arith.mulf %max3A_585, %sub3A_1318 : vector<16xf32>
        %add3A_1466 = arith.addf %add3A_1464, %mul3A_1465 : vector<16xf32>
        %mul3A_1467 = arith.constant 16 : i32
        %mul3A_1468 = arith.muli %add3A_1300, %mul3A_1467 : i32
        %swap3A_1469 = arith.constant 1 : i32
        %swap3A_1470 = arith.constant 12 : i32
        %swap3A_1471 = arith.index_cast %swap3A_1469 : i32 to index
        %swap3A_1472 = arith.index_cast %swap3A_1470 : i32 to index
        %swap3A_1473 = arith.index_cast %mul3A_1468 : i32 to index
        %swap3A_1474 = tpu.vector_load %arg7[%swap3A_1471, %swap3A_1472, %swap3A_1473] {strides = array<i32>} : memref<2x16x1024xf32, #tpu.memory_space<vmem>>, vector<16xf32>,
        tpu.vector_store %arg7[%swap3A_1471, %swap3A_1472, %swap3A_1473], %add3A_1466 {add = true, strides = array<i32>} : memref<2x16x1024xf32, #tpu.memory_space<vmem>>, vector<16xf32>,
        %mul3A_1475 = arith.mulf %min3A_595, %sub3A_1317 : vector<16xf32>
        %add3A_1476 = arith.addf %get3A_1304, %mul3A_1475 : vector<16xf32>
        %mul3A_1477 = arith.mulf %max3A_601, %sub3A_1318 : vector<16xf32>
        %add3A_1478 = arith.addf %add3A_1476, %mul3A_1477 : vector<16xf32>
        %mul3A_1479 = arith.constant 16 : i32
        %mul3A_1480 = arith.muli %add3A_1300, %mul3A_1479 : i32
        %swap3A_1481 = arith.constant 1 : i32
        %swap3A_1482 = arith.constant 13 : i32
        %swap3A_1483 = arith.index_cast %swap3A_1481 : i32 to index
        %swap3A_1484 = arith.index_cast %swap3A_1482 : i32 to index
        %swap3A_1485 = arith.index_cast %mul3A_1480 : i32 to index
        %swap3A_1486 = tpu.vector_load %arg7[%swap3A_1483, %swap3A_1484, %swap3A_1485] {strides = array<i32>} : memref<2x16x1024xf32, #tpu.memory_space<vmem>>, vector<16xf32>,
        tpu.vector_store %arg7[%swap3A_1483, %swap3A_1484, %swap3A_1485], %add3A_1478 {add = true, strides = array<i32>} : memref<2x16x1024xf32, #tpu.memory_space<vmem>>, vector<16xf32>,
        %mul3A_1487 = arith.mulf %min3A_611, %sub3A_1317 : vector<16xf32>
        %add3A_1488 = arith.addf %get3A_1304, %mul3A_1487 : vector<16xf32>
        %mul3A_1489 = arith.mulf %max3A_617, %sub3A_1318 : vector<16xf32>
        %add3A_1490 = arith.addf %add3A_1488, %mul3A_1489 : vector<16xf32>
        %mul3A_1491 = arith.constant 16 : i32
        %mul3A_1492 = arith.muli %add3A_1300, %mul3A_1491 : i32
        %swap3A_1493 = arith.constant 1 : i32
        %swap3A_1494 = arith.constant 14 : i32
        %swap3A_1495 = arith.index_cast %swap3A_1493 : i32 to index
        %swap3A_1496 = arith.index_cast %swap3A_1494 : i32 to index
        %swap3A_1497 = arith.index_cast %mul3A_1492 : i32 to index
        %swap3A_1498 = tpu.vector_load %arg7[%swap3A_1495, %swap3A_1496, %swap3A_1497] {strides = array<i32>} : memref<2x16x1024xf32, #tpu.memory_space<vmem>>, vector<16xf32>,
        tpu.vector_store %arg7[%swap3A_1495, %swap3A_1496, %swap3A_1497], %add3A_1490 {add = true, strides = array<i32>} : memref<2x16x1024xf32, #tpu.memory_space<vmem>>, vector<16xf32>,
        %mul3A_1499 = arith.mulf %min3A_627, %sub3A_1317 : vector<16xf32>
        %add3A_1500 = arith.addf %get3A_1304, %mul3A_1499 : vector<16xf32>
        %mul3A_1501 = arith.mulf %max3A_633, %sub3A_1318 : vector<16xf32>
        %add3A_1502 = arith.addf %add3A_1500, %mul3A_1501 : vector<16xf32>
        %mul3A_1503 = arith.constant 16 : i32
        %mul3A_1504 = arith.muli %add3A_1300, %mul3A_1503 : i32
        %swap3A_1505 = arith.constant 1 : i32
        %swap3A_1506 = arith.constant 15 : i32
        %swap3A_1507 = arith.index_cast %swap3A_1505 : i32 to index
        %swap3A_1508 = arith.index_cast %swap3A_1506 : i32 to index
        %swap3A_1509 = arith.index_cast %mul3A_1504 : i32 to index
        %swap3A_1510 = tpu.vector_load %arg7[%swap3A_1507, %swap3A_1508, %swap3A_1509] {strides = array<i32>} : memref<2x16x1024xf32, #tpu.memory_space<vmem>>, vector<16xf32>,
        tpu.vector_store %arg7[%swap3A_1507, %swap3A_1508, %swap3A_1509], %add3A_1502 {add = true, strides = array<i32>} : memref<2x16x1024xf32, #tpu.memory_space<vmem>>, vector<16xf32>,
      }
      %scan3A_639 = arith.constant 16 : i32
      %mul3A_640 = arith.constant 16 : i32
      %mul3A_641 = arith.muli %add3A_355, %mul3A_640 : i32
      %add3A_642 = arith.addi %mul3A_2, %mul3A_641 : i32
      %dma_start3A_643 = arith.constant 1 : i32
      %dma_start3A_644 = arith.constant 0 : i32
      %dma_start3A_645 = arith.constant 0 : i32
      %dma_start3A_646 = tpu.memref_slice %arg7[%dma_start3A_643, %dma_start3A_644, %dma_start3A_645] : memref<2x16x1024xf32, #tpu.memory_space<vmem>> -> memref<1x16x1024xf32, #tpu.memory_space<vmem>>
      %dma_start3A_647 = tpu.memref_squeeze %dma_start3A_646 : memref<1x16x1024xf32, #tpu.memory_space<vmem>> -> memref<16x1024xf32, #tpu.memory_space<vmem>>
      %dma_start3A_648 = arith.constant 0 : i32
      %dma_start3A_649 = tpu.memref_slice %arg5[%add3A_642, %dma_start3A_648] : memref<16384x1024xf32, #tpu.memory_space<hbm>> -> memref<16x1024xf32, #tpu.memory_space<hbm>>
      %dma_start3A_650 = arith.constant 0 : i32
      %dma_start3A_651 = tpu.memref_slice %arg5[%add3A_642, %dma_start3A_650] : memref<16384x1024xf32, #tpu.memory_space<hbm>> -> memref<16x1024xf32, #tpu.memory_space<hbm>>
      %dma_start3A_652 = arith.constant 0 : i32
      %dma_start3A_653 = arith.constant 0 : i32
      %dma_start3A_654 = tpu.memref_slice %arg7[%dma_start3A_643, %dma_start3A_652, %dma_start3A_653] : memref<2x16x1024xf32, #tpu.memory_space<vmem>> -> memref<1x16x1024xf32, #tpu.memory_space<vmem>>
      %dma_start3A_655 = tpu.memref_squeeze %dma_start3A_654 : memref<1x16x1024xf32, #tpu.memory_space<vmem>> -> memref<16x1024xf32, #tpu.memory_space<vmem>>
      tpu.enqueue_dma source(%dma_start3A_655 : memref<16x1024xf32, #tpu.memory_space<vmem>>) target(%dma_start3A_651 : memref<16x1024xf32, #tpu.memory_space<hbm>>) target_semaphore(%arg12 : memref<!tpu.dma_semaphore, #tpu.memory_space<semaphore_mem>>)
    }
    %scan3A_24 = arith.constant 16 : i32
    %dma_wait3A_25 = arith.constant 0 : i32
    %dma_wait3A_26 = arith.constant 0 : i32
    %dma_wait3A_27 = arith.constant 0 : i32
    %dma_wait3A_28 = tpu.memref_slice %arg7[%dma_wait3A_25, %dma_wait3A_26, %dma_wait3A_27] : memref<2x16x1024xf32, #tpu.memory_space<vmem>> -> memref<1x16x1024xf32, #tpu.memory_space<vmem>>
    %dma_wait3A_29 = tpu.memref_squeeze %dma_wait3A_28 : memref<1x16x1024xf32, #tpu.memory_space<vmem>> -> memref<16x1024xf32, #tpu.memory_space<vmem>>
    %dma_wait3A_30 = arith.constant 0 : i32
    %dma_wait3A_31 = arith.constant 0 : i32
    %dma_wait3A_32 = tpu.memref_slice %arg5[%dma_wait3A_30, %dma_wait3A_31] : memref<16384x1024xf32, #tpu.memory_space<hbm>> -> memref<16x1024xf32, #tpu.memory_space<hbm>>
    %dma_wait3A_33 = arith.constant 0 : i32
    %dma_wait3A_34 = arith.constant 0 : i32
    %dma_wait3A_35 = tpu.memref_slice %arg5[%dma_wait3A_33, %dma_wait3A_34] : memref<16384x1024xf32, #tpu.memory_space<hbm>> -> memref<16x1024xf32, #tpu.memory_space<hbm>>
    %dma_wait3A_36 = arith.constant 0 : i32
    %dma_wait3A_37 = arith.constant 0 : i32
    %dma_wait3A_38 = tpu.memref_slice %arg7[%dma_wait3A_25, %dma_wait3A_36, %dma_wait3A_37] : memref<2x16x1024xf32, #tpu.memory_space<vmem>> -> memref<1x16x1024xf32, #tpu.memory_space<vmem>>
    %dma_wait3A_39 = tpu.memref_squeeze %dma_wait3A_38 : memref<1x16x1024xf32, #tpu.memory_space<vmem>> -> memref<16x1024xf32, #tpu.memory_space<vmem>>
    tpu.wait_dma2 semaphore(%arg11 : memref<!tpu.dma_semaphore, #tpu.memory_space<semaphore_mem>>) src(%dma_wait3A_39 : memref<16x1024xf32, #tpu.memory_space<vmem>>) dst(%dma_wait3A_35 : memref<16x1024xf32, #tpu.memory_space<hbm>>)
    %dma_wait3A_40 = arith.constant 1 : i32
    %dma_wait3A_41 = arith.constant 0 : i32
    %dma_wait3A_42 = arith.constant 0 : i32
    %dma_wait3A_43 = tpu.memref_slice %arg7[%dma_wait3A_40, %dma_wait3A_41, %dma_wait3A_42] : memref<2x16x1024xf32, #tpu.memory_space<vmem>> -> memref<1x16x1024xf32, #tpu.memory_space<vmem>>
    %dma_wait3A_44 = tpu.memref_squeeze %dma_wait3A_43 : memref<1x16x1024xf32, #tpu.memory_space<vmem>> -> memref<16x1024xf32, #tpu.memory_space<vmem>>
    %dma_wait3A_45 = arith.constant 0 : i32
    %dma_wait3A_46 = arith.constant 0 : i32
    %dma_wait3A_47 = tpu.memref_slice %arg5[%dma_wait3A_45, %dma_wait3A_46] : memref<16384x1024xf32, #tpu.memory_space<hbm>> -> memref<16x1024xf32, #tpu.memory_space<hbm>>
    %dma_wait3A_48 = arith.constant 0 : i32
    %dma_wait3A_49 = arith.constant 0 : i32
    %dma_wait3A_50 = tpu.memref_slice %arg5[%dma_wait3A_48, %dma_wait3A_49] : memref<16384x1024xf32, #tpu.memory_space<hbm>> -> memref<16x1024xf32, #tpu.memory_space<hbm>>
    %dma_wait3A_51 = arith.constant 0 : i32
    %dma_wait3A_52 = arith.constant 0 : i32
    %dma_wait3A_53 = tpu.memref_slice %arg7[%dma_wait3A_40, %dma_wait3A_51, %dma_wait3A_52] : memref<2x16x1024xf32, #tpu.memory_space<vmem>> -> memref<1x16x1024xf32, #tpu.memory_space<vmem>>
    %dma_wait3A_54 = tpu.memref_squeeze %dma_wait3A_53 : memref<1x16x1024xf32, #tpu.memory_space<vmem>> -> memref<16x1024xf32, #tpu.memory_space<vmem>>
    tpu.wait_dma2 semaphore(%arg12 : memref<!tpu.dma_semaphore, #tpu.memory_space<semaphore_mem>>) src(%dma_wait3A_54 : memref<16x1024xf32, #tpu.memory_space<vmem>>) dst(%dma_wait3A_50 : memref<16x1024xf32, #tpu.memory_space<hbm>>)
    return
  }
}

</mosaic_0001>

<sc_bundles>
// kernel: kernel.3.cloned.1.call-start
scs
__scs_entry_jumppad:
0x0: {  	(pc) =	sbr.rel $0x88, $3  }
0x1: {  	(tag) =	ssettag $0x0;
	lr =	simm.s32 $0x1  }
0x2: {  	[smem:$0x3F9E] =	sst lr;
	_ =	strace $0xD0000000  }
0x3: {  	_ = 	snop  }
0x4: {  	_ = 	snop  }
0x5: {  	_ = 	snop  }
0x6: {  	_ = 	snop  }
0x7: {  	_ = 	snop  }
__scs_overlays_trampoline_lowered:
0x8: {  	[smem:$0x3FAD] =	sst s0  }
0x9: {  	[smem:$0x3FAE] =	sst s1  }
0xa: {  	[smem:$0x3FAF] =	sst s2  }
0xb: {  	[smem:$0x3FB0] =	sst s3  }
0xc: {  	[smem:$0x3FB1] =	sst s4  }
0xd: {  	[smem:$0x3FB2] =	sst s5  }
0xe: {  	[smem:$0x3FB3] =	sst s6  }
0xf: {  	[smem:$0x3FB4] =	sst s7  }
0x10: {  	[smem:$0x3FB5] =	sst s8  }
0x11: {  	[smem:$0x3FB6] =	sst s9;
	s0 =	simm.s32 @!p0 $0x0  }
0x12: {  	s1 =	sld [smem:$0x3F9C];
	s0 =	simm.s32 @p0 $0x1  }
0x13: {  	[smem:$0x3FB7] =	sst s0;
	s0 =	simm.s32 @!p1 $0x0  }
0x14: {  	s2 =	sld [smem:$0x3F9B];
	s0 =	simm.s32 @p1 $0x1  }
0x15: {  	[smem:$0x3FB8] =	sst s0;
	s0 =	simm.s32 @!p2 $0x0  }
0x16: {  	s3 =	sld [smem:$0x3FDB];
	s0 =	simm.s32 @p2 $0x1  }
0x17: {  	s4 =	simm.s32 $0x1BF5;
	[smem:$0x3FBA] =	sst s0  }
0x18: {  	s0 =	sld [smem:$0x3F9D];
	_ =	swait.ge [sflag:s4], $0x0  }
0x19: {  	s7 =	sld [smem:$0x3F9E]  }
0x1a: {  	s8 =	sadd.s32 $0xFFFFE003, lr  }
0x1b: {  	s9 =	sadd.s32 $0xFFFFFEF7, lr;
	s5 =	simm.s32 $0xFFFFFFFF;
	p2 =	slt.u32 s8, $0xFFFFF086  }
0x1c: {  	p1 =	slt.u32 s9, $0xF7A;
	s5 =	simm.s32 @!p2 $0x0  }
0x1d: {  	s5 =	simm.s32 @p1 $0x1;
	p0 =	seq.s32 s7, s2  }
0x1e: {  	s7 =	smul.u32 @!p0 $0xF7A, s2;
	p2 =	seq.s32 @!p0 s5, $0x0  }
0x1f: {  	s9 =	smul.u32 $0xF7A, s1;
	s8 =	simm.s32 @!p0 $0x1BF5;
	p2 =	por !p2, p0  }
0x20: {  	[sflag:s8] =	ssyncset.s32 @!p0 $0xFFFFF086;
	s6 =	sadd.s32 @!p0 s3, s7;
	s7 =	simm.s32 @!p0 $0x108  }
0x21: {  	s3 =	sadd.s32 s3, s9;
	s6 =	sadd.s32 @!p0 $0x88, s6;
	s7 =	simm.s32 @p2 $0x1082  }
0x22: {  	[simem:s7], [sflag:s8] =	dma.local @!p0 [hbm:s6], $0xF7A  }
0x23: {  	s9 =	sor.u32 $0xD0000000, s2;
	s6 =	simm.s32 $0x108;
	_ =	swait.ge @!p0 [sflag:s8], $0x0  }
0x24: {  	s3 =	sadd.s32 $0x88, s3;
	s6 =	simm.s32 @!p1 $0x1082;
	[sflag:s4] =	ssyncset.s32 $0xFFFFF086  }
0x25: {  	[simem:s6], [sflag:s4] =	dma.local [hbm:s3], $0xF7A  }
0x26: {  	[smem:$0x3F9E] =	sst s1;
	(tag) =	ssettag s2;
	_ =	strace s9  }
0x27: {  	s1 =	sld [smem:$0x3FAE]  }
0x28: {  	s2 =	sld [smem:$0x3FAF]  }
0x29: {  	s4 =	sld [smem:$0x3FB1]  }
0x2a: {  	p0 =	seq.s32 s5, $0x0;
	s5 =	sld [smem:$0x3FB2]  }
0x2b: {  	s6 =	sld [smem:$0x3FB3]  }
0x2c: {  	s7 =	sld [smem:$0x3FB4]  }
0x2d: {  	s3 =	simm.s32 $0x108;
	s8 =	sld [smem:$0x3FB5]  }
0x2e: {  	s3 =	simm.s32 @!p0 $0x1082;
	s9 =	sld [smem:$0x3FB6]  }
0x2f: {  	lr =	sadd.s32 s0, s3;
	s0 =	sld [smem:$0x3FAD]  }
0x30: {  	s3 =	sld [smem:$0x3FB0]  }
0x31: {  	[smem:$0x3FB9] =	sst s10  }
0x32: {  	s10 =	sld [smem:$0x3FB7];
	_ =	sdelay $0x3  }
0x33: {  	p0 =	seq.s32 s10, $0x1;
	s10 =	sld [smem:$0x3FB9];
	_ =	sdelay $0x3  }
0x34: {  	[smem:$0x3FB9] =	sst s10  }
0x35: {  	s10 =	sld [smem:$0x3FB8];
	_ =	sdelay $0x3  }
0x36: {  	p1 =	seq.s32 s10, $0x1;
	s10 =	sld [smem:$0x3FB9];
	_ =	sdelay $0x3  }
0x37: {  	[smem:$0x3FB9] =	sst s10  }
0x38: {  	s10 =	sld [smem:$0x3FBA]  }
0x39: {  	_ = 	snop;
	(pc) =	sbr.ind lr, $3  }
0x3a: {  	_ = 	snop  }
0x3b: {  	_ = 	snop  }
0x3c: {  	p2 =	seq.s32 s10, $0x1;
	s10 =	sld [smem:$0x3FB9]  }
0x3d: {  	_ =	shalt  }
0x3e: {  	_ =	shalt  }
0x3f: {  	_ =	shalt  }
0x40: {  	_ =	shalt  }
0x41: {  	_ =	shalt  }
0x42: {  	_ =	shalt  }
0x43: {  	_ =	shalt  }
0x44: {  	_ =	shalt  }
0x45: {  	_ =	shalt  }
0x46: {  	_ =	shalt  }
0x47: {  	_ =	shalt  }
0x48: {  	_ =	shalt  }
0x49: {  	_ =	shalt  }
0x4a: {  	_ =	shalt  }
0x4b: {  	_ =	shalt  }
0x4c: {  	_ =	shalt  }
0x4d: {  	_ =	shalt  }
0x4e: {  	_ =	shalt  }
0x4f: {  	_ =	shalt  }
0x50: {  	_ =	shalt  }
0x51: {  	_ =	shalt  }
0x52: {  	_ =	shalt  }
0x53: {  	_ =	shalt  }
0x54: {  	_ =	shalt  }
0x55: {  	_ =	shalt  }
0x56: {  	_ =	shalt  }
0x57: {  	_ =	shalt  }
0x58: {  	_ =	shalt  }
0x59: {  	_ =	shalt  }
0x5a: {  	_ =	shalt  }
0x5b: {  	_ =	shalt  }
0x5c: {  	_ =	shalt  }
0x5d: {  	_ =	shalt  }
0x5e: {  	_ =	shalt  }
0x5f: {  	_ =	shalt  }
0x60: {  	_ =	shalt  }
0x61: {  	_ =	shalt  }
0x62: {  	_ =	shalt  }
0x63: {  	_ =	shalt  }
0x64: {  	_ =	shalt  }
0x65: {  	_ =	shalt  }
0x66: {  	_ =	shalt  }
0x67: {  	_ =	shalt  }
0x68: {  	_ =	shalt  }
0x69: {  	_ =	shalt  }
0x6a: {  	_ =	shalt  }
0x6b: {  	_ =	shalt  }
0x6c: {  	_ =	shalt  }
0x6d: {  	_ =	shalt  }
0x6e: {  	_ =	shalt  }
0x6f: {  	_ =	shalt  }
0x70: {  	_ =	shalt  }
0x71: {  	_ =	shalt  }
0x72: {  	_ =	shalt  }
0x73: {  	_ =	shalt  }
0x74: {  	_ =	shalt  }
0x75: {  	_ =	shalt  }
0x76: {  	_ =	shalt  }
0x77: {  	_ =	shalt  }
0x78: {  	_ =	shalt  }
0x79: {  	_ =	shalt  }
0x7a: {  	_ =	shalt  }
0x7b: {  	_ =	shalt  }
0x7c: {  	_ =	shalt  }
0x7d: {  	_ =	shalt  }
0x7e: {  	_ =	shalt  }
0x7f: {  	_ =	shalt  }
0x80: {  	_ =	shalt  }
0x81: {  	_ =	shalt  }
0x82: {  	_ =	shalt  }
0x83: {  	_ =	shalt  }
0x84: {  	_ =	shalt  }
0x85: {  	_ =	shalt  }
0x86: {  	_ =	shalt  }
0x87: {  	_ =	shalt  }
.Lfunc_end0:
.L_simem_size_0:
called_computation_lowered:
.L_overlay_start_0:
0x88: {  	s2 =	sld [smem:$0x3FD9]  }
0x89: {  	s3 =	sld [smem:$0x3FFE];
	_ =	sdelay $0x1  }
0x8a: {  	s1 =	srdreg.scid  }
0x8b: {  	s0 =	sand.u32 $0x1, s1  }
0x8c: {  	s17 =	sshll.u32 s0, $0xA;
	s2 =	sadd.s32 s3, s2  }
0x8d: {  	s2 =	sadd.s32 s2, s17  }
0x8e: {  	[smem:$0x3FC5] =	sst s2  }
0x8f: {  	_ = 	snop  }
0x90: {  	s2 =	sld [smem:$0x3FC9]  }
0x91: {  	s18 =	sld [smem:$0x3FD0];
	(tm) =	ssettm $0x1  }
0x92: {  	s4 =	sld [smem:$0x3FFB];
	_ =	sdelay $0x3  }
0x93: {  	_ =	strace s4  }
0x94: {  	s4 =	sld [smem:$0x3FFC];
	_ =	sdelay $0x3  }
0x95: {  	_ =	strace s4  }
0x96: {  	s4 =	sld [smem:$0x3FFD];
	_ =	sdelay $0x3  }
0x97: {  	_ =	strace s4  }
0x98: {  	_ =	strace $0x8FFFFFFF  }
0x99: {  	s19 =	sld [smem:$0x3FDB];
	_ =	sdelay $0x1  }
0x9a: {  	s5 =	simm.s32 $_scs_section_size  }
0x9b: {  	s6 =	simm.s32 $_size__tile_overlayer_lowered;
	s7 =	simm.s32 $_tile_overlayer_lowered  }
0x9c: {  	s22 =	simm.s32 $0x1BFF;
	s21 =	sshll.u32 s7, $0x1;
	s4 =	sadd.s32 s5, s19  }
0x9d: {  	s8 =	simm.s32 $0x0;
	s20 =	sshll.u32 s6, $0x1;
	s6 =	sadd.s32 s21, s4  }
0x9e: {  	[timem:s8], [sflag:s22] =	dma.local [hbm:s6], s20  }
0x9f: {  	_ =	swait.ge [sflag:s22], s20  }
0xa0: {  	s5 =	ssub.s32 $0x0, s20;
	[sflag:s22] =	ssyncset.done $0x0  }
0xa1: {  	[sflag:s22] =	ssyncadd.s32 s5;
	_ =	sdelay $0x1  }
0xa2: {  	s23 =	simm.s32 $0x1B8B  }
0xa3: {  	_ =	swait.ge [sflag:s23], $0x1  }
0xa4: {  	[sflag:s23] =	ssyncset.done $0x0  }
0xa5: {  	s25 =	simm.s32 $0x1B8E;
	s24 =	sld [smem:$0x3FFE];
	[sflag:s23] =	ssyncadd.s32 $0xFFFFFFFF  }
0xa6: {  	s26 =	simm.s32 $execute0_lowered;
	[smem:$0x3FD2] =	sst s25  }
0xa7: {  	s6 =	sshll.u32 s26, $0x1;
	_ =	strace $0x80000046;
	[dreg:$0x1] =	wrdreg $0xFFFFFFFF  }
0xa8: {  	s28 =	simm.s32 $_size_execute0_lowered;
	s4 =	sadd.s32 s4, s6;
	[dreg:$0x0] =	wrdreg $0x0  }
0xa9: {  	s6 =	sshll.u32 s28, $0x1;
	[dreg:$0x2] =	wrdreg s4  }
0xaa: {  	[dreg:$0x3] =	wrdreg s6  }
0xab: {  	[dreg:$0x4] =	wrdreg $0xC0  }
0xac: {  	_ =	task [dreg:s8], $0x5FFFF  }
0xad: {  	[dreg:$0x1] =	wrdreg $0xFFFFFFFF  }
0xae: {  	[dreg:$0x0] =	wrdreg $0x60  }
0xaf: {  	[dreg:$0x2] =	wrdreg s2  }
0xb0: {  	[dreg:$0x3] =	wrdreg s24  }
0xb1: {  	[dreg:$0x4] =	wrdreg s18  }
0xb2: {  	[dreg:$0x5] =	wrdreg $0x9  }
0xb3: {  	_ =	task.clear_ibuf [dreg:s8], $0x6FFFF;
	_ =	strace $0x90000046  }
0xb4: {  	s29 =	simm.s32 $0x9;
	_ =	strace $0x80000048  }
0xb5: {  	_ =	swait.ge [sflag:s29], $0x1  }
0xb6: {  	[sflag:s29] =	ssyncadd.s32 $0xFFFFFFFF  }
0xb7: {  	_ =	strace $0x90000048  }
0xb8: {  	_ =	sfence  }
0xb9: {  	s30 =	sld [smem:$0x0];
	_ =	sdelay $0x2  }
0xba: {  	s31 =	sshll.u32 s1, $0xD;
	s1 =	sshrl.u32 s1, $0x2  }
0xbb: {  	s3 =	sand.u32 $0x4000, s31;
	s1 =	sadd.s32 s1, s30  }
0xbc: {  	s0 =	sor.u32 s3, s0;
	s1 =	sshll.u32 s1, $0x11  }
0xbd: {  	s0 =	sor.u32 s1, s0  }
0xbe: {  	s0 =	sadd.s32 $0x8F2B, s0  }
0xbf: {  	[sflag:s0] =	ssyncadd.remote.s32 $0x1  }
0xc0: {  	_ =	sfence.sel $0xFFFF  }
0xc1: {  	[dreg:$0x0] =	wrdreg $0xFFFFFFFF;
	(pc) =	sbr.abs _section_cstart, $3  }
0xc2: {  	[dreg:$0x1] =	wrdreg $0xFFFFFFFF  }
0xc3: {  	_ =	task.clear_ibuf [dreg:s8], $0x2FFFF;
	_ =	strace $0x9FFFFFFF  }
0xc4: {  	(tm) =	ssettm $0x7FFFFFFF  }
0xc5: {  	_ =	shalt  }
tec
execute0_lowered:
.L_overlay_start_1:
0x0: {  	(tag) =	ssettag $0x1  }
0x1: {  	s0 =	rddreg [dreg:$0x0]  }
0x2: {  	s1 =	srdreg.scid;
	s5 =	rddreg [dreg:$0x1]  }
0x3: {  	s3 =	stileid.u32;
	s2 =	rddreg [dreg:$0x2];
	s14 =	simm.s32 $0x4200  }
0x4: {  	s15 =	simm.s32 $0x1;
	s16 =	simm.s32 $0x2;
	s1 =	sand.u32 $0x1, s1  }
0x5: {  	s4 =	sshll.u32 s3, $0xA;
	s3 =	simm.s32 $0x0;
	s6 =	sshll.u32 s1, $0x9  }
0x6: {  	[smem:$0x7FF] =	sst s3;
	s1 =	ssub.s32 $0x2, s1;
	s4 =	sor.u32 s6, s4  }
0x7: {  	_ =	strace $0x80000047;
	s29 =	sshrl.u32 s1, $0x1;
	s6 =	sshrl.u32 s4, $0x3  }
0x8: {  	s1 =	ssub.s32 s1, s29;
	s6 =	sadd.s32 s6, s5;
	s5 =	sadd.s32 $0x400, s5  }
0x9: {  	s7 =	sshll.u32 s4, $0x7;
	s31 =	smax.u32 s1, $0x1;
	[dreg:$0x4] =	wrdreg s5  }
0xa: {  	s7 =	sadd.s32 s0, s7;
	s30 =	sadd.s32 $0x600, s6;
	[dreg:$0x6] =	wrdreg s31  }
0xb: {  	s8 =	sadd.s32 $0x1000, s7;
	s5 =	simm.s32 $0x0;
	[dreg:$0x5] =	wrdreg s30  }
.LBB2_1:
0xc: {  	s0 =	rddreg [dreg:$0x4];
	s1 =	simm.s32 $0x8200  }
0xd: {  	[tilespmem:s1], [sflag:$0x5] =	stream.linear.gather [hbm4b:s0+s3], $0xC00, $0x38;
	[tilespmem:$0x8E00] =	vst v63  }
0xe: {  	s28 =	rddreg [dreg:$0x5]  }
0xf: {  	[tilespmem:s3], [sflag:$0x6] =	stream.linear.gather [hbm4b:s28+s3], $0x200, $0x38;
	[tilespmem:$0x8E00] =	vst v63  }
0x10: {  	[dreg:$0x7] =	wrdreg s5;
	s29 =	simm.s32 $0x200;
	s30 =	simm.s32 $0x5  }
0x11: {  	[tilespmem:s29], [sflag:$0x1] =	stream.linear.gather [hbm4b:s7+s3], $0x4000, $0x38;
	[tilespmem:$0x8E00] =	vst v63  }
0x12: {  	_ =	swait.ge [sflag:s30], $0xC00  }
0x13: {  	[sflag:s30] =	ssyncset.done $0x0  }
0x14: {  	s31 =	simm.s32 $0x6;
	[sflag:s30] =	ssyncadd.s32 $0xFFFFF400  }
0x15: {  	_ =	swait.ge [sflag:s31], $0x200  }
0x16: {  	[sflag:s31] =	ssyncset.done $0x0  }
0x17: {  	s20 =	simm.s32 $0x0;
	[sflag:s31] =	ssyncadd.s32 $0xFFFFFE00  }
.LBB2_2:
0x18: {  	p0 =	seq.s32 s20, $0x0  }
0x19: {  	s22 =	sshll.u32 s20, $0x5;
	s0 =	simm.s32 @!p0 $0x4  }
0x1a: {  	s21 =	sshllo.u32 s20, $0x1;
	v0 =	vmov s22;
	s9 =	sor.u32 $0x2, s22;
	_ =	swait.ge @!p0 [sflag:s0], $0x4000  }
0x1b: {  	s23 =	simm.s32 $0x0;
	s6 =	sshll.u32 s21, $0xB;
	v0 =	vbroadcast v0, $0x0;
	v2 =	vmov s9;
	[sflag:s0] =	ssyncset.done @!p0 $0x0  }
0x1c: {  	s1 =	sor.u32 $0x1, s22;
	v2 =	vbroadcast v2, $0x0;
	[sflag:s0] =	ssyncadd.s32 @!p0 $0xFFFFC000;
	s0 =	sadd.s32 s6, s7  }
0x1d: {  	v1 =	vmov s1;
	[tilespmem:s14], [sflag:$0x2] =	stream.linear.gather [hbm4b:s0+s23], $0x4000, $0x38;
	[tilespmem:$0x8E00] =	vst v63  }
0x1e: {  	v1 =	vbroadcast v1, $0x0;
	_ =	swait.ge [sflag:s15], $0x4000  }
0x1f: {  	[sflag:s15] =	ssyncset.done $0x0  }
0x20: {  	s26 =	sor.u32 $0xC, s22;
	[sflag:s15] =	ssyncadd.s32 $0xFFFFC000  }
0x21: {  	s11 =	sor.u32 $0x4, s22;
	v16 =	vmov s26;
	v0 =	vld.idx.msk [tilespmem:v0+s23+$0x0], $0xffff  }
0x22: {  	s10 =	sor.u32 $0x3, s22;
	v16 =	vbroadcast v16, $0x0;
	v4 =	vld.idx.msk [tilespmem:v2+s23+$0x0], $0xffff;
	v2 =	vmov s11  }
0x23: {  	v3 =	vmov s10;
	v6 =	vbroadcast v2, $0x0  }
0x24: {  	v3 =	vbroadcast v3, $0x0;
	v1 =	vld.idx.msk [tilespmem:v1+s23+$0x0], $0xffff;
	_ =	sdelay $0x1  }
0x25: {  	v0 =	vcvt.s32.f32 v0  }
0x26: {  	s12 =	sor.u32 $0x5, s22  }
0x27: {  	s24 =	sor.u32 $0xA, s22;
	v24 =	vld.idx.msk [tilespmem:v16+s23+$0x0], $0xffff;
	v2 =	vmov s12;
	v5 =	vadd.f32 $-1.000000000e+00, v0  }
0x28: {  	s13 =	sor.u32 $0x6, s22;
	v8 =	vbroadcast v2, $0x0;
	v7 =	vcvt.s32.f32 v1;
	v13 =	vld.idx.msk [tilespmem:v6+s23+$0x0], $0xffff;
	v6 =	vmov s24  }
0x29: {  	s17 =	sor.u32 $0x7, s22;
	v15 =	vbroadcast v6, $0x0;
	v1 =	vmax.f32 v5, $0.0e+00;
	v5 =	vld.idx.msk [tilespmem:v3+s23+$0x0], $0xffff;
	v3 =	vmov s13  }
0x2a: {  	v9 =	vbroadcast v3, $0x0;
	v3 =	vmov s17  }
0x2b: {  	s18 =	sor.u32 $0x8, s22;
	v10 =	vbroadcast v3, $0x0  }
0x2c: {  	s19 =	sor.u32 $0x9, s22;
	v4 =	vcvt.s32.f32 v4;
	v2 =	vmin.f32 v7, $1.000000000e+00;
	v3 =	vmov s18  }
0x2d: {  	v7 =	vadd.f32 $-1.000000000e+00, v7;
	v11 =	vbroadcast v3, $0x0;
	v3 =	vmov s19  }
0x2e: {  	v24 =	vcvt.s32.f32 v24;
	v12 =	vadd.f32 $-1.000000000e+00, v4;
	v8 =	vld.idx.msk [tilespmem:v8+s23+$0x0], $0xffff;
	v14 =	vbroadcast v3, $0x0  }
0x2f: {  	s25 =	sor.u32 $0xB, s22;
	v0 =	vmin.f32 v0, $1.000000000e+00;
	v3 =	vmax.f32 v7, $0.0e+00;
	v7 =	vcvt.s32.f32 v5;
	v15 =	vld.idx.msk [tilespmem:v15+s23+$0x0], $0xffff  }
0x30: {  	s29 =	sor.u32 $0xD, s22;
	v13 =	vcvt.s32.f32 v13;
	v5 =	vmax.f32 v12, $0.0e+00;
	v12 =	vmov s25;
	v9 =	vld.idx.msk [tilespmem:v9+s23+$0x0], $0xffff  }
0x31: {  	s30 =	sor.u32 $0xE, s22;
	v12 =	vbroadcast v12, $0x0;
	v6 =	vmin.f32 v7, $1.000000000e+00;
	v17 =	vld.idx.msk [tilespmem:v10+s23+$0x0], $0xffff;
	v10 =	vmov s29  }
0x32: {  	s31 =	sor.u32 $0xF, s22;
	v7 =	vadd.f32 $-1.000000000e+00, v7;
	v19 =	vbroadcast v10, $0x0;
	v10 =	vmov s30  }
0x33: {  	v18 =	vld.idx.msk [tilespmem:v11+s23+$0x0], $0xffff;
	v11 =	vcvt.s32.f32 v8;
	v8 =	vmov s31;
	v20 =	vbroadcast v10, $0x0  }
0x34: {  	v4 =	vmin.f32 v4, $1.000000000e+00;
	v14 =	vld.idx.msk [tilespmem:v14+s23+$0x0], $0xffff;
	v10 =	vadd.f32 $-1.000000000e+00, v13;
	v21 =	vbroadcast v8, $0x0  }
0x35: {  	v7 =	vmax.f32 v7, $0.0e+00;
	v8 =	vmin.f32 v13, $1.000000000e+00;
	v13 =	vadd.f32 $-1.000000000e+00, v11  }
0x36: {  	v26 =	vcvt.s32.f32 v15;
	v22 =	vcvt.s32.f32 v9;
	v9 =	vmax.f32 v10, $0.0e+00  }
0x37: {  	v10 =	vmin.f32 v11, $1.000000000e+00;
	v23 =	vld.idx.msk [tilespmem:v12+s23+$0x0], $0xffff;
	v17 =	vcvt.s32.f32 v17;
	v11 =	vmax.f32 v13, $0.0e+00  }
0x38: {  	v13 =	vadd.f32 $-1.000000000e+00, v22;
	v18 =	vcvt.s32.f32 v18;
	v12 =	vmin.f32 v22, $1.000000000e+00;
	v25 =	vld.idx.msk [tilespmem:v19+s23+$0x0], $0xffff  }
0x39: {  	v16 =	vadd.f32 $-1.000000000e+00, v17;
	v22 =	vcvt.s32.f32 v14;
	v14 =	vmin.f32 v17, $1.000000000e+00;
	v27 =	vld.idx.msk [tilespmem:v20+s23+$0x0], $0xffff  }
0x3a: {  	v13 =	vmax.f32 v13, $0.0e+00;
	v19 =	vadd.f32 $-1.000000000e+00, v18;
	v28 =	vld.idx.msk [tilespmem:v21+s23+$0x0], $0xffff;
	v21 =	vadd.f32 $-1.000000000e+00, v26  }
0x3b: {  	v15 =	vmax.f32 v16, $0.0e+00;
	v20 =	vadd.f32 $-1.000000000e+00, v22;
	v16 =	vmin.f32 v18, $1.000000000e+00  }
0x3c: {  	v18 =	vmin.f32 v22, $1.000000000e+00;
	v23 =	vcvt.s32.f32 v23;
	v17 =	vmax.f32 v19, $0.0e+00  }
0x3d: {  	v21 =	vmax.f32 v21, $0.0e+00;
	v19 =	vmax.f32 v20, $0.0e+00;
	v20 =	vmin.f32 v26, $1.000000000e+00  }
0x3e: {  	v22 =	vmin.f32 v23, $1.000000000e+00;
	v23 =	vadd.f32 $-1.000000000e+00, v23;
	v26 =	vcvt.s32.f32 v25  }
0x3f: {  	v25 =	vadd.f32 $-1.000000000e+00, v24;
	v29 =	vcvt.s32.f32 v27;
	v30 =	vcvt.s32.f32 v28  }
0x40: {  	v24 =	vmin.f32 v24, $1.000000000e+00;
	v23 =	vmax.f32 v23, $0.0e+00;
	v27 =	vadd.f32 $-1.000000000e+00, v26  }
0x41: {  	v25 =	vmax.f32 v25, $0.0e+00;
	v31 =	vadd.f32 $-1.000000000e+00, v29;
	v32 =	vadd.f32 $-1.000000000e+00, v30  }
0x42: {  	s28 =	simm.s32 $0x0;
	s26 =	simm.s32 $0x0;
	v26 =	vmin.f32 v26, $1.000000000e+00;
	v28 =	vmin.f32 v29, $1.000000000e+00;
	v30 =	vmin.f32 v30, $1.000000000e+00  }
0x43: {  	p0 =	por $0x0, $0x0;
	s24 =	simm.s32 $0x8620;
	s25 =	simm.s32 $0x0;
	v27 =	vmax.f32 v27, $0.0e+00;
	v29 =	vmax.f32 v31, $0.0e+00;
	v31 =	vmax.f32 v32, $0.0e+00  }
.LBB2_3:
0x44: {  	v32 =	vld [tilespmem:s24+$0xFFFFFBE0];
	s0 =	sand.u32 $0x3C0, s23  }
0x45: {  	v33 =	vld [tilespmem:s0+$0x8600]  }
0x46: {  	v34 =	vld [tilespmem:s0+$0x8A00];
	_ =	sdelay $0x3  }
0x47: {  	v35 =	vsub.f32 v33, v32  }
0x48: {  	v33 =	vsub.f32 v34, v33  }
0x49: {  	v52 =	vmul.f32 v35, v0  }
0x4a: {  	v36 =	vmul.f32 v33, v1;
	v37 =	vmul.f32 v35, v2  }
0x4b: {  	v38 =	vmul.f32 v35, v4;
	v54 =	vmul.f32 v35, v6  }
0x4c: {  	v39 =	vmul.f32 v33, v3;
	v40 =	vmul.f32 v33, v5  }
0x4d: {  	v41 =	vmul.f32 v33, v7;
	v42 =	vmul.f32 v35, v8  }
0x4e: {  	v55 =	vmul.f32 v35, v10;
	v57 =	vmul.f32 v35, v12  }
0x4f: {  	v58 =	vmul.f32 v33, v9;
	v43 =	vmul.f32 v35, v14;
	v34 =	vadd.f32 v52, v32  }
0x50: {  	v44 =	vmul.f32 v33, v11;
	v53 =	vadd.f32 v37, v32;
	v38 =	vadd.f32 v38, v32  }
0x51: {  	s9 =	sand.u32 $0x1C00, s28;
	v48 =	vmul.f32 v35, v16;
	v37 =	vadd.f32 v54, v32;
	v56 =	vadd.f32 v42, v32  }
0x52: {  	s12 =	sand.u32 $0x40, s23;
	s29 =	sor.u32 $0x200, s9;
	v51 =	vmul.f32 v35, v20;
	v60 =	vadd.f32 v43, v32;
	v34 =	vadd.f32 v36, v34  }
0x53: {  	s0 =	simm.s32 $0x1;
	s1 =	sor.u32 s12, s29;
	v45 =	vmul.f32 v33, v13;
	v52 =	vadd.f32 v48, v32;
	v36 =	vadd.f32 v39, v53  }
0x54: {  	s0 =	simm.s32 @!p0 $0x0;
	s5 =	sor.u32 $0x80, s1;
	v61 =	vmul.f32 v33, v15;
	v42 =	vadd.f32 v51, v32;
	v38 =	vadd.f32 v40, v38;
	[tilespmem:s1+$0x0] =	vst.add.f32.msk $0xffff, v34  }
0x55: {  	s0 =	sshll.u32 s0, $0x6;
	s19 =	sor.u32 $0x100, s1;
	v50 =	vmul.f32 v35, v18;
	v37 =	vadd.f32 v41, v37;
	v39 =	vadd.f32 v55, v32;
	[tilespmem:s5+$0x0] =	vst.add.f32.msk $0xffff, v36  }
0x56: {  	s0 =	sadd.s32 s0, s28;
	v46 =	vmul.f32 v33, v27;
	v41 =	vadd.f32 v57, v32;
	v59 =	vadd.f32 v58, v56;
	s1 =	sor.u32 $0x180, s1;
	[tilespmem:s19+$0x0] =	vst.add.f32.msk $0xffff, v38  }
0x57: {  	s30 =	sor.u32 $0x200, s0;
	v54 =	vmul.f32 v35, v22;
	v49 =	vadd.f32 v61, v60;
	v62 =	vadd.f32 v44, v39;
	[tilespmem:s1+$0x0] =	vst.add.f32.msk $0xffff, v37  }
0x58: {  	s31 =	sor.u32 $0x280, s0;
	v53 =	vmul.f32 v33, v17;
	v55 =	vadd.f32 v50, v32;
	v63 =	vadd.f32 v45, v41;
	[tilespmem:s30+$0x200] =	vst.add.f32.msk $0xffff, v59  }
0x59: {  	s0 =	sor.u32 $0x300, s0;
	v56 =	vmul.f32 v33, v19;
	v57 =	vmul.f32 v33, v21;
	v43 =	vadd.f32 v54, v32;
	s5 =	sor.u32 s23, s28;
	[tilespmem:s31+$0x200] =	vst.add.f32.msk $0xffff, v62  }
0x5a: {  	v58 =	vmul.f32 v33, v23;
	s6 =	sor.u32 $0x380, s5;
	v37 =	vadd.f32 v53, v52;
	s30 =	sor.u32 $0x2200, s9;
	v59 =	vmul.f32 v35, v24;
	[tilespmem:s0+$0x200] =	vst.add.f32.msk $0xffff, v63  }
0x5b: {  	v61 =	vmul.f32 v35, v26;
	v34 =	vadd.f32 v56, v55;
	v44 =	vmul.f32 v35, v28;
	s10 =	sor.u32 s12, s30;
	s31 =	sor.u32 $0x2280, s9;
	[tilespmem:s6+$0x200] =	vst.add.f32.msk $0xffff, v49  }
0x5c: {  	v36 =	vadd.f32 v57, v42;
	s1 =	sor.u32 $0x2300, s9;
	s11 =	sor.u32 s12, s31;
	v62 =	vadd.f32 v59, v32;
	v63 =	vmul.f32 v33, v25;
	[tilespmem:s10+$0x0] =	vst.add.f32.msk $0xffff, v37  }
0x5d: {  	v60 =	vadd.f32 v58, v43;
	v45 =	vadd.f32 v61, v32;
	s13 =	sor.u32 s12, s1;
	v35 =	vmul.f32 v35, v30;
	s0 =	sor.u32 $0x2380, s9;
	[tilespmem:s11+$0x0] =	vst.add.f32.msk $0xffff, v34  }
0x5e: {  	v48 =	vadd.f32 v44, v32;
	s17 =	sor.u32 s12, s0;
	v49 =	vmul.f32 v33, v29;
	v47 =	vadd.f32 v63, v62;
	s10 =	sadd.s32 $0x2400, s9;
	[tilespmem:s13+$0x0] =	vst.add.f32.msk $0xffff, v36  }
0x5f: {  	s5 =	sadd.s32 $0x2480, s9;
	v32 =	vadd.f32 v35, v32;
	v33 =	vmul.f32 v33, v31;
	s6 =	sor.u32 s12, s10;
	v34 =	vadd.f32 v46, v45;
	[tilespmem:s17+$0x0] =	vst.add.f32.msk $0xffff, v60  }
0x60: {  	v50 =	vadd.f32 v49, v48;
	s13 =	sor.u32 s12, s5;
	[tilespmem:s6+$0x0] =	vst.add.f32.msk $0xffff, v47;
	s6 =	sadd.s32 $0x2500, s9  }
0x61: {  	v32 =	vadd.f32 v33, v32;
	s9 =	sadd.s32 $0x2580, s9;
	[tilespmem:s13+$0x0] =	vst.add.f32.msk $0xffff, v34;
	s18 =	sor.u32 s12, s6  }
0x62: {  	s12 =	sor.u32 s12, s9;
	[tilespmem:s18+$0x0] =	vst.add.f32.msk $0xffff, v50  }
0x63: {  	[tilespmem:s12+$0x0] =	vst.add.f32.msk $0xffff, v32  }
0x64: {  	v32 =	vld [tilespmem:s24+$0xFFFFFBF0]  }
0x65: {  	v51 =	vld [tilespmem:s24+$0xFFFFFFF0]  }
0x66: {  	v34 =	vld [tilespmem:s24+$0x3F0];
	_ =	sdelay $0x3  }
0x67: {  	v35 =	vsub.f32 v51, v32  }
0x68: {  	v33 =	vsub.f32 v34, v51  }
0x69: {  	v52 =	vmul.f32 v35, v0  }
0x6a: {  	v53 =	vmul.f32 v33, v1;
	v54 =	vmul.f32 v35, v2  }
0x6b: {  	v55 =	vmul.f32 v35, v4;
	v57 =	vmul.f32 v35, v6  }
0x6c: {  	v58 =	vmul.f32 v33, v3;
	v59 =	vmul.f32 v33, v5  }
0x6d: {  	v60 =	vmul.f32 v33, v7;
	v61 =	vmul.f32 v35, v8  }
0x6e: {  	v62 =	vmul.f32 v35, v10;
	v48 =	vmul.f32 v35, v12  }
0x6f: {  	v49 =	vmul.f32 v33, v9;
	v34 =	vadd.f32 v52, v32;
	v56 =	vadd.f32 v54, v32  }
0x70: {  	v50 =	vmul.f32 v35, v14;
	v38 =	vadd.f32 v55, v32;
	v37 =	vadd.f32 v57, v32  }
0x71: {  	s17 =	sadd.s32 $0x10, s23;
	v51 =	vmul.f32 v33, v11;
	v63 =	vadd.f32 v61, v32;
	v39 =	vadd.f32 v62, v32  }
0x72: {  	s13 =	sand.u32 $0x50, s17;
	v41 =	vadd.f32 v48, v32;
	v52 =	vmul.f32 v33, v13;
	v34 =	vadd.f32 v53, v34  }
0x73: {  	s19 =	sand.u32 $0x7, s26;
	s18 =	sor.u32 s13, s29;
	v54 =	vadd.f32 v50, v32;
	v55 =	vmul.f32 v33, v15;
	v36 =	vadd.f32 v58, v56  }
0x74: {  	s12 =	sshll.u32 s19, $0x4;
	s19 =	sor.u32 $0x80, s18;
	v61 =	vmul.f32 v35, v20;
	v48 =	vmul.f32 v35, v22;
	v38 =	vadd.f32 v59, v38;
	[tilespmem:s18+$0x0] =	vst.add.f32.msk $0xffff, v34  }
0x75: {  	s11 =	sor.u32 $0x100, s18;
	s12 =	sadd.s32 s28, s12;
	v50 =	vmul.f32 v33, v19;
	v37 =	vadd.f32 v60, v37;
	v53 =	vadd.f32 v49, v63;
	[tilespmem:s19+$0x0] =	vst.add.f32.msk $0xffff, v36  }
0x76: {  	v56 =	vadd.f32 v51, v39;
	v57 =	vadd.f32 v52, v41;
	v58 =	vmul.f32 v35, v16;
	s18 =	sor.u32 $0x180, s18;
	s19 =	sadd.s32 $0x10, s12;
	[tilespmem:s11+$0x0] =	vst.add.f32.msk $0xffff, v38  }
0x77: {  	v59 =	vadd.f32 v55, v54;
	v60 =	vmul.f32 v35, v18;
	v63 =	vmul.f32 v33, v17;
	s11 =	sor.u32 $0x200, s19;
	[tilespmem:s18+$0x0] =	vst.add.f32.msk $0xffff, v37  }
0x78: {  	v42 =	vadd.f32 v61, v32;
	v51 =	vmul.f32 v33, v21;
	v62 =	vadd.f32 v58, v32;
	[tilespmem:s11+$0x200] =	vst.add.f32.msk $0xffff, v53;
	s11 =	sor.u32 $0x280, s19  }
0x79: {  	s17 =	sor.u32 s17, s28;
	v43 =	vadd.f32 v48, v32;
	v52 =	vmul.f32 v33, v23;
	v49 =	vadd.f32 v60, v32;
	[tilespmem:s11+$0x200] =	vst.add.f32.msk $0xffff, v56;
	s11 =	sor.u32 $0x300, s19  }
0x7a: {  	s17 =	sor.u32 $0x380, s17;
	v55 =	vmul.f32 v35, v26;
	v37 =	vadd.f32 v63, v62;
	v53 =	vmul.f32 v35, v24;
	[tilespmem:s11+$0x200] =	vst.add.f32.msk $0xffff, v57  }
0x7b: {  	v54 =	vadd.f32 v52, v43;
	v58 =	vmul.f32 v35, v28;
	v34 =	vadd.f32 v50, v49;
	s19 =	sor.u32 s13, s30;
	[tilespmem:s17+$0x200] =	vst.add.f32.msk $0xffff, v59  }
0x7c: {  	v36 =	vadd.f32 v51, v42;
	s11 =	sor.u32 s13, s31;
	v56 =	vadd.f32 v53, v32;
	v57 =	vmul.f32 v33, v25;
	[tilespmem:s19+$0x0] =	vst.add.f32.msk $0xffff, v37  }
0x7d: {  	v60 =	vmul.f32 v33, v27;
	s18 =	sor.u32 s13, s1;
	v35 =	vmul.f32 v35, v30;
	v59 =	vadd.f32 v55, v32;
	[tilespmem:s11+$0x0] =	vst.add.f32.msk $0xffff, v34  }
0x7e: {  	v62 =	vadd.f32 v58, v32;
	v63 =	vmul.f32 v33, v29;
	s19 =	sor.u32 s13, s0;
	v61 =	vadd.f32 v57, v56;
	[tilespmem:s18+$0x0] =	vst.add.f32.msk $0xffff, v36  }
0x7f: {  	v33 =	vmul.f32 v33, v31;
	v32 =	vadd.f32 v35, v32;
	s11 =	sor.u32 s13, s10;
	v34 =	vadd.f32 v60, v59;
	[tilespmem:s19+$0x0] =	vst.add.f32.msk $0xffff, v54  }
0x80: {  	v40 =	vadd.f32 v63, v62;
	s18 =	sor.u32 s13, s5;
	[tilespmem:s11+$0x0] =	vst.add.f32.msk $0xffff, v61  }
0x81: {  	v32 =	vadd.f32 v33, v32;
	s19 =	sor.u32 s13, s6;
	[tilespmem:s18+$0x0] =	vst.add.f32.msk $0xffff, v34  }
0x82: {  	s13 =	sor.u32 s13, s9;
	[tilespmem:s19+$0x0] =	vst.add.f32.msk $0xffff, v40  }
0x83: {  	[tilespmem:s13+$0x0] =	vst.add.f32.msk $0xffff, v32  }
0x84: {  	v32 =	vld [tilespmem:s24+$0xFFFFFC00]  }
0x85: {  	v41 =	vld [tilespmem:s24+$0x0]  }
0x86: {  	v34 =	vld [tilespmem:s24+$0x400];
	_ =	sdelay $0x3  }
0x87: {  	v35 =	vsub.f32 v41, v32  }
0x88: {  	v33 =	vsub.f32 v34, v41  }
0x89: {  	v42 =	vmul.f32 v35, v0  }
0x8a: {  	v43 =	vmul.f32 v33, v1;
	v44 =	vmul.f32 v35, v2  }
0x8b: {  	v45 =	vmul.f32 v35, v4;
	v47 =	vmul.f32 v35, v6  }
0x8c: {  	v48 =	vmul.f32 v33, v3;
	v49 =	vmul.f32 v33, v5  }
0x8d: {  	v50 =	vmul.f32 v33, v7;
	v51 =	vmul.f32 v35, v8  }
0x8e: {  	v52 =	vmul.f32 v35, v10;
	v54 =	vmul.f32 v35, v12  }
0x8f: {  	v55 =	vmul.f32 v33, v9;
	v34 =	vadd.f32 v42, v32;
	v46 =	vadd.f32 v44, v32  }
0x90: {  	v56 =	vmul.f32 v35, v14;
	v38 =	vadd.f32 v45, v32;
	v37 =	vadd.f32 v47, v32  }
0x91: {  	s17 =	sadd.s32 $0x20, s23;
	v57 =	vmul.f32 v33, v11;
	v53 =	vadd.f32 v51, v32;
	v39 =	vadd.f32 v52, v32  }
0x92: {  	s13 =	sand.u32 $0x60, s17;
	v58 =	vmul.f32 v33, v13;
	v41 =	vadd.f32 v54, v32;
	v34 =	vadd.f32 v43, v34  }
0x93: {  	s11 =	sand.u32 $0x3, s25;
	s19 =	sor.u32 s13, s29;
	v61 =	vmul.f32 v33, v15;
	v60 =	vadd.f32 v56, v32;
	v36 =	vadd.f32 v48, v46  }
0x94: {  	s18 =	sshll.u32 s11, $0x5;
	s11 =	sor.u32 $0x80, s19;
	v51 =	vmul.f32 v35, v20;
	v54 =	vmul.f32 v35, v22;
	v38 =	vadd.f32 v49, v38;
	[tilespmem:s19+$0x0] =	vst.add.f32.msk $0xffff, v34  }
0x95: {  	s18 =	sadd.s32 s28, s18;
	v56 =	vmul.f32 v33, v19;
	v44 =	vmul.f32 v35, v28;
	v37 =	vadd.f32 v50, v37;
	[tilespmem:s11+$0x0] =	vst.add.f32.msk $0xffff, v36;
	s11 =	sor.u32 $0x100, s19  }
0x96: {  	s18 =	sadd.s32 $0x20, s18;
	v59 =	vadd.f32 v55, v53;
	v62 =	vadd.f32 v57, v39;
	v48 =	vmul.f32 v35, v16;
	s19 =	sor.u32 $0x180, s19;
	[tilespmem:s11+$0x0] =	vst.add.f32.msk $0xffff, v38  }
0x97: {  	v63 =	vadd.f32 v58, v41;
	v49 =	vadd.f32 v61, v60;
	v50 =	vmul.f32 v35, v18;
	[tilespmem:s19+$0x0] =	vst.add.f32.msk $0xffff, v37;
	s19 =	sor.u32 $0x200, s18  }
0x98: {  	v53 =	vmul.f32 v33, v17;
	v42 =	vadd.f32 v51, v32;
	v52 =	vadd.f32 v48, v32;
	[tilespmem:s19+$0x200] =	vst.add.f32.msk $0xffff, v59;
	s19 =	sor.u32 $0x280, s18  }
0x99: {  	s17 =	sor.u32 s17, s28;
	v57 =	vmul.f32 v33, v21;
	v43 =	vadd.f32 v54, v32;
	v55 =	vadd.f32 v50, v32;
	s18 =	sor.u32 $0x300, s18;
	[tilespmem:s19+$0x200] =	vst.add.f32.msk $0xffff, v62  }
0x9a: {  	v58 =	vmul.f32 v33, v23;
	v37 =	vadd.f32 v53, v52;
	v59 =	vmul.f32 v35, v24;
	s19 =	sor.u32 $0x380, s17;
	[tilespmem:s18+$0x200] =	vst.add.f32.msk $0xffff, v63  }
0x9b: {  	v61 =	vmul.f32 v35, v26;
	v46 =	vmul.f32 v33, v27;
	v34 =	vadd.f32 v56, v55;
	s17 =	sor.u32 s13, s30;
	[tilespmem:s19+$0x200] =	vst.add.f32.msk $0xffff, v49  }
0x9c: {  	v36 =	vadd.f32 v57, v42;
	s18 =	sor.u32 s13, s31;
	v62 =	vadd.f32 v59, v32;
	v63 =	vmul.f32 v33, v25;
	[tilespmem:s17+$0x0] =	vst.add.f32.msk $0xffff, v37  }
0x9d: {  	v60 =	vadd.f32 v58, v43;
	v45 =	vadd.f32 v61, v32;
	v35 =	vmul.f32 v35, v30;
	s19 =	sor.u32 s13, s1;
	[tilespmem:s18+$0x0] =	vst.add.f32.msk $0xffff, v34  }
0x9e: {  	v48 =	vadd.f32 v44, v32;
	v49 =	vmul.f32 v33, v29;
	s17 =	sor.u32 s13, s0;
	v47 =	vadd.f32 v63, v62;
	[tilespmem:s19+$0x0] =	vst.add.f32.msk $0xffff, v36  }
0x9f: {  	v32 =	vadd.f32 v35, v32;
	v33 =	vmul.f32 v33, v31;
	s18 =	sor.u32 s13, s10;
	v34 =	vadd.f32 v46, v45;
	[tilespmem:s17+$0x0] =	vst.add.f32.msk $0xffff, v60  }
0xa0: {  	v50 =	vadd.f32 v49, v48;
	s19 =	sor.u32 s13, s5;
	[tilespmem:s18+$0x0] =	vst.add.f32.msk $0xffff, v47  }
0xa1: {  	v32 =	vadd.f32 v33, v32;
	s17 =	sor.u32 s13, s6;
	[tilespmem:s19+$0x0] =	vst.add.f32.msk $0xffff, v34  }
0xa2: {  	s18 =	sor.u32 s13, s9;
	[tilespmem:s17+$0x0] =	vst.add.f32.msk $0xffff, v50  }
0xa3: {  	[tilespmem:s18+$0x0] =	vst.add.f32.msk $0xffff, v32  }
0xa4: {  	v32 =	vld [tilespmem:s24+$0xFFFFFC10]  }
0xa5: {  	v51 =	vld [tilespmem:s24+$0x10]  }
0xa6: {  	v34 =	vld [tilespmem:s24+$0x410];
	_ =	sdelay $0x3  }
0xa7: {  	v35 =	vsub.f32 v51, v32  }
0xa8: {  	v33 =	vsub.f32 v34, v51  }
0xa9: {  	v52 =	vmul.f32 v35, v0  }
0xaa: {  	v53 =	vmul.f32 v33, v1;
	v54 =	vmul.f32 v35, v2  }
0xab: {  	v55 =	vmul.f32 v35, v4;
	v57 =	vmul.f32 v35, v6  }
0xac: {  	v58 =	vmul.f32 v33, v3;
	v59 =	vmul.f32 v33, v5  }
0xad: {  	v60 =	vmul.f32 v33, v7;
	v61 =	vmul.f32 v35, v8  }
0xae: {  	v62 =	vmul.f32 v35, v10;
	v48 =	vmul.f32 v35, v12  }
0xaf: {  	v49 =	vmul.f32 v33, v9;
	v34 =	vadd.f32 v52, v32;
	v56 =	vadd.f32 v54, v32  }
0xb0: {  	v50 =	vmul.f32 v35, v14;
	v38 =	vadd.f32 v55, v32;
	v37 =	vadd.f32 v57, v32  }
0xb1: {  	s11 =	sadd.s32 $0x30, s23;
	v51 =	vmul.f32 v33, v11;
	v63 =	vadd.f32 v61, v32;
	v39 =	vadd.f32 v62, v32  }
0xb2: {  	s13 =	sand.u32 $0x70, s11;
	v47 =	vmul.f32 v35, v22;
	v41 =	vadd.f32 v48, v32;
	v34 =	vadd.f32 v53, v34  }
0xb3: {  	s17 =	sor.u32 s13, s29;
	v52 =	vmul.f32 v33, v13;
	v54 =	vadd.f32 v50, v32;
	v36 =	vadd.f32 v58, v56  }
0xb4: {  	s19 =	sor.u32 $0x80, s17;
	v55 =	vmul.f32 v33, v15;
	v43 =	vadd.f32 v47, v32;
	v38 =	vadd.f32 v59, v38;
	[tilespmem:s17+$0x0] =	vst.add.f32.msk $0xffff, v34  }
0xb5: {  	s29 =	sor.u32 $0x100, s17;
	v61 =	vmul.f32 v35, v20;
	v37 =	vadd.f32 v60, v37;
	v53 =	vadd.f32 v49, v63;
	[tilespmem:s19+$0x0] =	vst.add.f32.msk $0xffff, v36  }
0xb6: {  	s12 =	sadd.s32 $0x30, s12;
	v56 =	vadd.f32 v51, v39;
	v57 =	vadd.f32 v52, v41;
	v58 =	vmul.f32 v35, v16;
	s17 =	sor.u32 $0x180, s17;
	[tilespmem:s29+$0x0] =	vst.add.f32.msk $0xffff, v38  }
0xb7: {  	v59 =	vadd.f32 v55, v54;
	v60 =	vmul.f32 v35, v18;
	v63 =	vmul.f32 v33, v17;
	s19 =	sor.u32 $0x200, s12;
	[tilespmem:s17+$0x0] =	vst.add.f32.msk $0xffff, v37  }
0xb8: {  	v49 =	vmul.f32 v33, v19;
	v52 =	vmul.f32 v35, v24;
	v62 =	vadd.f32 v58, v32;
	s29 =	sor.u32 $0x280, s12;
	[tilespmem:s19+$0x200] =	vst.add.f32.msk $0xffff, v53  }
0xb9: {  	s11 =	sor.u32 s11, s28;
	v42 =	vadd.f32 v61, v32;
	v54 =	vmul.f32 v35, v26;
	v48 =	vadd.f32 v60, v32;
	s12 =	sor.u32 $0x300, s12;
	[tilespmem:s29+$0x200] =	vst.add.f32.msk $0xffff, v56  }
0xba: {  	s11 =	sor.u32 $0x380, s11;
	v50 =	vmul.f32 v33, v21;
	v55 =	vadd.f32 v52, v32;
	v37 =	vadd.f32 v63, v62;
	[tilespmem:s12+$0x200] =	vst.add.f32.msk $0xffff, v57  }
0xbb: {  	v51 =	vmul.f32 v33, v23;
	v58 =	vadd.f32 v54, v32;
	v34 =	vadd.f32 v49, v48;
	s17 =	sor.u32 s13, s30;
	[tilespmem:s11+$0x200] =	vst.add.f32.msk $0xffff, v59  }
0xbc: {  	s18 =	sor.u32 s13, s31;
	v36 =	vadd.f32 v50, v42;
	v56 =	vmul.f32 v33, v25;
	v57 =	vmul.f32 v35, v28;
	[tilespmem:s17+$0x0] =	vst.add.f32.msk $0xffff, v37  }
0xbd: {  	s1 =	sor.u32 s13, s1;
	v53 =	vadd.f32 v51, v43;
	v35 =	vmul.f32 v35, v30;
	v59 =	vmul.f32 v33, v27;
	[tilespmem:s18+$0x0] =	vst.add.f32.msk $0xffff, v34  }
0xbe: {  	p1 =	sne.s32 s28, $0x1E00;
	s0 =	sor.u32 s13, s0;
	v62 =	vmul.f32 v33, v29;
	v60 =	vadd.f32 v56, v55;
	v61 =	vadd.f32 v57, v32;
	[tilespmem:s1+$0x0] =	vst.add.f32.msk $0xffff, v36  }
.Ltmp0:
0xbf: {  	s19 =	sor.u32 s13, s10;
	v33 =	vmul.f32 v33, v31;
	v32 =	vadd.f32 v35, v32;
	v34 =	vadd.f32 v59, v58;
	[tilespmem:s0+$0x0] =	vst.add.f32.msk $0xffff, v53;
	(pc) =	sbr.rel @p1 .LBB2_3-.Ltmp0, $4  }
0xc0: {  	s29 =	sor.u32 s13, s5;
	v63 =	vadd.f32 v62, v61;
	[tilespmem:s19+$0x0] =	vst.add.f32.msk $0xffff, v60  }
0xc1: {  	p0 =	por !p0, !p0;
	s30 =	sor.u32 s13, s6;
	v32 =	vadd.f32 v33, v32;
	[tilespmem:s29+$0x0] =	vst.add.f32.msk $0xffff, v34  }
0xc2: {  	s26 =	sadd.s32 $0x4, s26;
	s25 =	sadd.s32 $0x2, s25;
	s31 =	sor.u32 s13, s9;
	[tilespmem:s30+$0x0] =	vst.add.f32.msk $0xffff, v63  }
0xc3: {  	s23 =	sadd.s32 $0x40, s23;
	s28 =	sadd.s32 $0x200, s28;
	s24 =	sadd.s32 $0x40, s24;
	[tilespmem:s31+$0x0] =	vst.add.f32.msk $0xffff, v32  }
0xc4: {  	s0 =	sadd.s32 s4, s22  }
0xc5: {  	s0 =	sshll.u32 s0, $0x7  }
0xc6: {  	s1 =	simm.s32 $0x200;
	p0 =	seq.s32 s20, $0xF;
	s0 =	sadd.s32 s2, s0  }
0xc7: {  	[hbm4b:s0+s3] =	stream.linear.scatter [tilespmem:s1], [sflag:$0x3], $0x4000, $0x38;
	[tilespmem:$0x8E00] =	vst v63  }
0xc8: {  	s22 =	sshll.u32 s21, $0x4;
	s0 =	simm.s32 @!p0 $0x3  }
0xc9: {  	v0 =	vmov s22;
	s5 =	simm.s32 @!p0 $0x200;
	s6 =	sor.u32 $0x1, s22;
	_ =	swait.ge @!p0 [sflag:s0], $0x4000  }
0xca: {  	s10 =	sor.u32 $0x2, s22;
	v0 =	vbroadcast v0, $0x0;
	v1 =	vmov s6;
	s1 =	sshll.u32 @!p0 s20, $0xC;
	[sflag:s0] =	ssyncset.done @!p0 $0x0  }
0xcb: {  	v1 =	vbroadcast v1, $0x0;
	[sflag:s0] =	ssyncadd.s32 @!p0 $0xFFFFC000;
	s0 =	sadd.s32 @!p0 s1, s8;
	s1 =	simm.s32 @!p0 $0x0  }
0xcc: {  	v2 =	vmov s10;
	[tilespmem:s5], [sflag:$0x1] =	stream.linear.gather @!p0 [hbm4b:s0+s1], $0x4000, $0x38;
	[tilespmem:$0x8E00] =	vst v63  }
0xcd: {  	v2 =	vbroadcast v2, $0x0;
	_ =	swait.ge [sflag:s16], $0x4000  }
0xce: {  	s13 =	sor.u32 $0x5, s22;
	[sflag:s16] =	ssyncset.done $0x0  }
0xcf: {  	s23 =	simm.s32 $0x0;
	v5 =	vmov s13;
	[sflag:s16] =	ssyncadd.s32 $0xFFFFC000  }
0xd0: {  	s12 =	sor.u32 $0x4, s22;
	v5 =	vbroadcast v5, $0x0;
	v0 =	vld.idx.msk [tilespmem:v0+s23+$0x0], $0xffff  }
0xd1: {  	s31 =	sshllo.u32 s21, $0x4;
	s11 =	sor.u32 $0x3, s22;
	v4 =	vmov s12;
	v1 =	vld.idx.msk [tilespmem:v1+s23+$0x0], $0xffff  }
0xd2: {  	v22 =	vmov s31;
	v3 =	vmov s11;
	v4 =	vbroadcast v4, $0x0  }
0xd3: {  	v3 =	vbroadcast v3, $0x0;
	v2 =	vld.idx.msk [tilespmem:v2+s23+$0x0], $0xffff;
	_ =	sdelay $0x1  }
0xd4: {  	s17 =	sor.u32 $0x6, s22;
	v0 =	vcvt.s32.f32 v0  }
0xd5: {  	v8 =	vmov s17;
	v14 =	vld.idx.msk [tilespmem:v5+s23+$0x0], $0xffff;
	v7 =	vcvt.s32.f32 v1  }
0xd6: {  	v8 =	vbroadcast v8, $0x0;
	v28 =	vld.idx.msk [tilespmem:v22+s23+$0x0], $0xffff;
	v6 =	vadd.f32 $-1.000000000e+00, v0  }
0xd7: {  	s18 =	sor.u32 $0x7, s22;
	s25 =	sor.u32 $0xA, s22;
	v11 =	vcvt.s32.f32 v2;
	v9 =	vadd.f32 $-1.000000000e+00, v7;
	v2 =	vmin.f32 v7, $1.000000000e+00;
	v7 =	vld.idx.msk [tilespmem:v4+s23+$0x0], $0xffff  }
0xd8: {  	s19 =	sor.u32 $0x8, s22;
	v4 =	vmov s25;
	v1 =	vmax.f32 v6, $0.0e+00;
	v6 =	vld.idx.msk [tilespmem:v3+s23+$0x0], $0xffff;
	v3 =	vmov s18  }
0xd9: {  	s24 =	sor.u32 $0x9, s22;
	v15 =	vbroadcast v4, $0x0;
	v10 =	vbroadcast v3, $0x0;
	v3 =	vmov s19  }
0xda: {  	v12 =	vbroadcast v3, $0x0;
	v3 =	vmov s24  }
0xdb: {  	s26 =	sor.u32 $0xB, s22;
	v30 =	vcvt.s32.f32 v28;
	v4 =	vmin.f32 v11, $1.000000000e+00;
	v13 =	vbroadcast v3, $0x0  }
0xdc: {  	v3 =	vmax.f32 v9, $0.0e+00;
	v9 =	vadd.f32 $-1.000000000e+00, v11;
	v11 =	vmov s26  }
0xdd: {  	s28 =	sor.u32 $0xC, s22;
	v14 =	vcvt.s32.f32 v14;
	v0 =	vmin.f32 v0, $1.000000000e+00;
	v11 =	vbroadcast v11, $0x0  }
0xde: {  	s29 =	sor.u32 $0xD, s22;
	v32 =	vadd.f32 $-1.000000000e+00, v30;
	v5 =	vmax.f32 v9, $0.0e+00;
	v9 =	vld.idx.msk [tilespmem:v8+s23+$0x0], $0xffff;
	v8 =	vmov s28  }
0xdf: {  	s30 =	sor.u32 $0xE, s22;
	v6 =	vcvt.s32.f32 v6;
	v15 =	vld.idx.msk [tilespmem:v15+s23+$0x0], $0xffff;
	v18 =	vbroadcast v8, $0x0;
	v8 =	vmov s29  }
0xe0: {  	v17 =	vld.idx.msk [tilespmem:v10+s23+$0x0], $0xffff;
	v10 =	vcvt.s32.f32 v7;
	v19 =	vbroadcast v8, $0x0;
	v7 =	vmov s30  }
0xe1: {  	v30 =	vmin.f32 v30, $1.000000000e+00;
	v16 =	vadd.f32 $-1.000000000e+00, v6;
	v12 =	vld.idx.msk [tilespmem:v12+s23+$0x0], $0xffff;
	v20 =	vbroadcast v7, $0x0  }
0xe2: {  	v6 =	vmin.f32 v6, $1.000000000e+00;
	v13 =	vld.idx.msk [tilespmem:v13+s23+$0x0], $0xffff;
	v8 =	vmin.f32 v10, $1.000000000e+00;
	v10 =	vadd.f32 $-1.000000000e+00, v10  }
0xe3: {  	v7 =	vmax.f32 v16, $0.0e+00;
	v16 =	vadd.f32 $-1.000000000e+00, v14;
	v21 =	vcvt.s32.f32 v9;
	v23 =	vld.idx.msk [tilespmem:v11+s23+$0x0], $0xffff  }
0xe4: {  	v26 =	vcvt.s32.f32 v15;
	v9 =	vmax.f32 v10, $0.0e+00;
	v10 =	vmin.f32 v14, $1.000000000e+00  }
0xe5: {  	v11 =	vmax.f32 v16, $0.0e+00;
	v14 =	vcvt.s32.f32 v17;
	v16 =	vadd.f32 $-1.000000000e+00, v21;
	v24 =	vld.idx.msk [tilespmem:v18+s23+$0x0], $0xffff  }
0xe6: {  	v22 =	vadd.f32 $-1.000000000e+00, v26;
	v17 =	vcvt.s32.f32 v12;
	v12 =	vmin.f32 v21, $1.000000000e+00;
	v25 =	vld.idx.msk [tilespmem:v19+s23+$0x0], $0xffff  }
0xe7: {  	v18 =	vadd.f32 $-1.000000000e+00, v14;
	v21 =	vcvt.s32.f32 v13;
	v13 =	vmax.f32 v16, $0.0e+00;
	v27 =	vld.idx.msk [tilespmem:v20+s23+$0x0], $0xffff  }
0xe8: {  	v19 =	vadd.f32 $-1.000000000e+00, v17;
	v16 =	vmin.f32 v17, $1.000000000e+00;
	v23 =	vcvt.s32.f32 v23  }
0xe9: {  	v15 =	vmax.f32 v18, $0.0e+00;
	v20 =	vadd.f32 $-1.000000000e+00, v21;
	v18 =	vmin.f32 v21, $1.000000000e+00  }
0xea: {  	v21 =	vmax.f32 v22, $0.0e+00;
	v17 =	vmax.f32 v19, $0.0e+00;
	v24 =	vcvt.s32.f32 v24  }
0xeb: {  	v22 =	vmin.f32 v23, $1.000000000e+00;
	v23 =	vadd.f32 $-1.000000000e+00, v23;
	v19 =	vmax.f32 v20, $0.0e+00  }
0xec: {  	v20 =	vmin.f32 v26, $1.000000000e+00;
	v26 =	vcvt.s32.f32 v25;
	v29 =	vcvt.s32.f32 v27  }
0xed: {  	v14 =	vmin.f32 v14, $1.000000000e+00;
	v25 =	vadd.f32 $-1.000000000e+00, v24;
	v23 =	vmax.f32 v23, $0.0e+00  }
0xee: {  	v24 =	vmin.f32 v24, $1.000000000e+00;
	v27 =	vadd.f32 $-1.000000000e+00, v26;
	v31 =	vadd.f32 $-1.000000000e+00, v29  }
0xef: {  	v26 =	vmin.f32 v26, $1.000000000e+00;
	v25 =	vmax.f32 v25, $0.0e+00;
	v28 =	vmin.f32 v29, $1.000000000e+00  }
0xf0: {  	s21 =	simm.s32 $0x8620;
	s24 =	simm.s32 $0x0;
	v27 =	vmax.f32 v27, $0.0e+00;
	v29 =	vmax.f32 v31, $0.0e+00;
	v31 =	vmax.f32 v32, $0.0e+00  }
.LBB2_5:
0xf1: {  	v32 =	vld [tilespmem:s21+$0xFFFFFBE0];
	s0 =	sand.u32 $0x3C0, s24  }
0xf2: {  	v33 =	vld [tilespmem:s0+$0x8600]  }
0xf3: {  	v34 =	vld [tilespmem:s0+$0x8A00];
	_ =	sdelay $0x3  }
0xf4: {  	v35 =	vsub.f32 v33, v32  }
0xf5: {  	v33 =	vsub.f32 v34, v33  }
0xf6: {  	v52 =	vmul.f32 v35, v0  }
0xf7: {  	v36 =	vmul.f32 v33, v1;
	v37 =	vmul.f32 v35, v2  }
0xf8: {  	v38 =	vmul.f32 v35, v4;
	v54 =	vmul.f32 v35, v6  }
0xf9: {  	v39 =	vmul.f32 v33, v3;
	v40 =	vmul.f32 v33, v5  }
0xfa: {  	v41 =	vmul.f32 v33, v7;
	v42 =	vmul.f32 v35, v8  }
0xfb: {  	v55 =	vmul.f32 v35, v10;
	v57 =	vmul.f32 v35, v12  }
0xfc: {  	v58 =	vmul.f32 v33, v9;
	v43 =	vmul.f32 v35, v14;
	v34 =	vadd.f32 v52, v32  }
0xfd: {  	v44 =	vmul.f32 v33, v11;
	v53 =	vadd.f32 v37, v32;
	v38 =	vadd.f32 v38, v32  }
0xfe: {  	s18 =	sand.u32 $0x1C00, s23;
	v48 =	vmul.f32 v35, v16;
	v37 =	vadd.f32 v54, v32;
	v56 =	vadd.f32 v42, v32  }
0xff: {  	s19 =	sand.u32 $0x40, s24;
	s0 =	sor.u32 $0x4200, s18;
	v51 =	vmul.f32 v35, v20;
	v60 =	vadd.f32 v43, v32;
	v34 =	vadd.f32 v36, v34  }
0x100: {  	s1 =	sor.u32 $0x4280, s18;
	s5 =	sor.u32 s19, s0;
	v45 =	vmul.f32 v33, v13;
	v52 =	vadd.f32 v48, v32;
	v36 =	vadd.f32 v39, v53  }
0x101: {  	s6 =	sor.u32 s19, s1;
	v61 =	vmul.f32 v33, v15;
	v42 =	vadd.f32 v51, v32;
	v38 =	vadd.f32 v40, v38;
	[tilespmem:s5+$0x0] =	vst.add.f32.msk $0xffff, v34;
	s5 =	sor.u32 $0x4300, s18  }
0x102: {  	s10 =	sor.u32 $0x4380, s18;
	v50 =	vmul.f32 v35, v18;
	v37 =	vadd.f32 v41, v37;
	v39 =	vadd.f32 v55, v32;
	[tilespmem:s6+$0x0] =	vst.add.f32.msk $0xffff, v36;
	s25 =	sor.u32 s19, s5  }
0x103: {  	s26 =	sor.u32 s19, s10;
	v46 =	vmul.f32 v33, v27;
	v41 =	vadd.f32 v57, v32;
	v59 =	vadd.f32 v58, v56;
	[tilespmem:s25+$0x0] =	vst.add.f32.msk $0xffff, v38;
	s25 =	sadd.s32 $0x4400, s18  }
0x104: {  	v54 =	vmul.f32 v35, v22;
	v49 =	vadd.f32 v61, v60;
	v62 =	vadd.f32 v44, v39;
	s6 =	sadd.s32 $0x4480, s18;
	[tilespmem:s26+$0x0] =	vst.add.f32.msk $0xffff, v37;
	s9 =	sor.u32 s19, s25  }
0x105: {  	v53 =	vmul.f32 v33, v17;
	v55 =	vadd.f32 v50, v32;
	v63 =	vadd.f32 v45, v41;
	s28 =	sor.u32 s19, s6;
	s26 =	sadd.s32 $0x4500, s18;
	[tilespmem:s9+$0x0] =	vst.add.f32.msk $0xffff, v59  }
0x106: {  	v56 =	vmul.f32 v33, v19;
	v57 =	vmul.f32 v33, v21;
	v43 =	vadd.f32 v54, v32;
	s29 =	sor.u32 s19, s26;
	[tilespmem:s28+$0x0] =	vst.add.f32.msk $0xffff, v62;
	s28 =	sadd.s32 $0x4580, s18  }
0x107: {  	v58 =	vmul.f32 v33, v23;
	v37 =	vadd.f32 v53, v52;
	s9 =	sor.u32 $0x6200, s18;
	v59 =	vmul.f32 v35, v24;
	[tilespmem:s29+$0x0] =	vst.add.f32.msk $0xffff, v63;
	s11 =	sor.u32 s19, s28  }
0x108: {  	v61 =	vmul.f32 v35, v26;
	v34 =	vadd.f32 v56, v55;
	v44 =	vmul.f32 v35, v28;
	s30 =	sor.u32 s19, s9;
	s29 =	sor.u32 $0x6280, s18;
	[tilespmem:s11+$0x0] =	vst.add.f32.msk $0xffff, v49  }
0x109: {  	v36 =	vadd.f32 v57, v42;
	v62 =	vadd.f32 v59, v32;
	v63 =	vmul.f32 v33, v25;
	s31 =	sor.u32 s19, s29;
	[tilespmem:s30+$0x0] =	vst.add.f32.msk $0xffff, v37;
	s30 =	sor.u32 $0x6300, s18  }
0x10a: {  	v60 =	vadd.f32 v58, v43;
	v45 =	vadd.f32 v61, v32;
	v35 =	vmul.f32 v35, v30;
	[tilespmem:s31+$0x0] =	vst.add.f32.msk $0xffff, v34;
	s12 =	sor.u32 s19, s30;
	s31 =	sor.u32 $0x6380, s18  }
0x10b: {  	v48 =	vadd.f32 v44, v32;
	v49 =	vmul.f32 v33, v29;
	v47 =	vadd.f32 v63, v62;
	[tilespmem:s12+$0x0] =	vst.add.f32.msk $0xffff, v36;
	s13 =	sor.u32 s19, s31;
	s12 =	sadd.s32 $0x6400, s18  }
0x10c: {  	v32 =	vadd.f32 v35, v32;
	v33 =	vmul.f32 v33, v31;
	v34 =	vadd.f32 v46, v45;
	[tilespmem:s13+$0x0] =	vst.add.f32.msk $0xffff, v60;
	s17 =	sor.u32 s19, s12;
	s13 =	sadd.s32 $0x6480, s18  }
0x10d: {  	v50 =	vadd.f32 v49, v48;
	[tilespmem:s17+$0x0] =	vst.add.f32.msk $0xffff, v47;
	s11 =	sor.u32 s19, s13;
	s17 =	sadd.s32 $0x6500, s18  }
0x10e: {  	v32 =	vadd.f32 v33, v32;
	s18 =	sadd.s32 $0x6580, s18;
	[tilespmem:s11+$0x0] =	vst.add.f32.msk $0xffff, v34;
	s11 =	sor.u32 s19, s17  }
0x10f: {  	s19 =	sor.u32 s19, s18;
	[tilespmem:s11+$0x0] =	vst.add.f32.msk $0xffff, v50  }
0x110: {  	[tilespmem:s19+$0x0] =	vst.add.f32.msk $0xffff, v32  }
0x111: {  	v32 =	vld [tilespmem:s21+$0xFFFFFBF0]  }
0x112: {  	v51 =	vld [tilespmem:s21+$0xFFFFFFF0]  }
0x113: {  	v34 =	vld [tilespmem:s21+$0x3F0];
	_ =	sdelay $0x3  }
0x114: {  	v35 =	vsub.f32 v51, v32  }
0x115: {  	v33 =	vsub.f32 v34, v51  }
0x116: {  	v52 =	vmul.f32 v35, v0  }
0x117: {  	v53 =	vmul.f32 v33, v1;
	v54 =	vmul.f32 v35, v2  }
0x118: {  	v55 =	vmul.f32 v35, v4;
	v57 =	vmul.f32 v35, v6  }
0x119: {  	v58 =	vmul.f32 v33, v3;
	v59 =	vmul.f32 v33, v5  }
0x11a: {  	v60 =	vmul.f32 v33, v7;
	v61 =	vmul.f32 v35, v8  }
0x11b: {  	v62 =	vmul.f32 v35, v10;
	v48 =	vmul.f32 v35, v12  }
0x11c: {  	v49 =	vmul.f32 v33, v9;
	v34 =	vadd.f32 v52, v32;
	v56 =	vadd.f32 v54, v32  }
0x11d: {  	v50 =	vmul.f32 v35, v14;
	v38 =	vadd.f32 v55, v32;
	v37 =	vadd.f32 v57, v32  }
0x11e: {  	s19 =	sadd.s32 $0x10, s24;
	v51 =	vmul.f32 v33, v11;
	v63 =	vadd.f32 v61, v32;
	v39 =	vadd.f32 v62, v32  }
0x11f: {  	s19 =	sand.u32 $0x50, s19;
	v41 =	vadd.f32 v48, v32;
	v52 =	vmul.f32 v33, v13;
	v34 =	vadd.f32 v53, v34  }
0x120: {  	s11 =	sor.u32 s19, s0;
	v54 =	vadd.f32 v50, v32;
	v55 =	vmul.f32 v33, v15;
	v36 =	vadd.f32 v58, v56  }
0x121: {  	v61 =	vmul.f32 v35, v20;
	v48 =	vmul.f32 v35, v22;
	v38 =	vadd.f32 v59, v38;
	[tilespmem:s11+$0x0] =	vst.add.f32.msk $0xffff, v34;
	s11 =	sor.u32 s19, s1  }
0x122: {  	v50 =	vmul.f32 v33, v19;
	v37 =	vadd.f32 v60, v37;
	v53 =	vadd.f32 v49, v63;
	[tilespmem:s11+$0x0] =	vst.add.f32.msk $0xffff, v36;
	s11 =	sor.u32 s19, s5  }
0x123: {  	v56 =	vadd.f32 v51, v39;
	v57 =	vadd.f32 v52, v41;
	v58 =	vmul.f32 v35, v16;
	[tilespmem:s11+$0x0] =	vst.add.f32.msk $0xffff, v38;
	s11 =	sor.u32 s19, s10  }
0x124: {  	v59 =	vadd.f32 v55, v54;
	v60 =	vmul.f32 v35, v18;
	v63 =	vmul.f32 v33, v17;
	[tilespmem:s11+$0x0] =	vst.add.f32.msk $0xffff, v37;
	s11 =	sor.u32 s19, s25  }
0x125: {  	v42 =	vadd.f32 v61, v32;
	v51 =	vmul.f32 v33, v21;
	v62 =	vadd.f32 v58, v32;
	[tilespmem:s11+$0x0] =	vst.add.f32.msk $0xffff, v53;
	s11 =	sor.u32 s19, s6  }
0x126: {  	v43 =	vadd.f32 v48, v32;
	v52 =	vmul.f32 v33, v23;
	v49 =	vadd.f32 v60, v32;
	[tilespmem:s11+$0x0] =	vst.add.f32.msk $0xffff, v56;
	s11 =	sor.u32 s19, s26  }
0x127: {  	v55 =	vmul.f32 v35, v26;
	v37 =	vadd.f32 v63, v62;
	v53 =	vmul.f32 v35, v24;
	[tilespmem:s11+$0x0] =	vst.add.f32.msk $0xffff, v57;
	s11 =	sor.u32 s19, s28  }
0x128: {  	v54 =	vadd.f32 v52, v43;
	v58 =	vmul.f32 v35, v28;
	v34 =	vadd.f32 v50, v49;
	[tilespmem:s11+$0x0] =	vst.add.f32.msk $0xffff, v59;
	s11 =	sor.u32 s19, s9  }
0x129: {  	v36 =	vadd.f32 v51, v42;
	v56 =	vadd.f32 v53, v32;
	v57 =	vmul.f32 v33, v25;
	[tilespmem:s11+$0x0] =	vst.add.f32.msk $0xffff, v37;
	s11 =	sor.u32 s19, s29  }
0x12a: {  	v60 =	vmul.f32 v33, v27;
	v35 =	vmul.f32 v35, v30;
	v59 =	vadd.f32 v55, v32;
	[tilespmem:s11+$0x0] =	vst.add.f32.msk $0xffff, v34;
	s11 =	sor.u32 s19, s30  }
0x12b: {  	v62 =	vadd.f32 v58, v32;
	v63 =	vmul.f32 v33, v29;
	v61 =	vadd.f32 v57, v56;
	[tilespmem:s11+$0x0] =	vst.add.f32.msk $0xffff, v36;
	s11 =	sor.u32 s19, s31  }
0x12c: {  	v33 =	vmul.f32 v33, v31;
	v32 =	vadd.f32 v35, v32;
	v34 =	vadd.f32 v60, v59;
	[tilespmem:s11+$0x0] =	vst.add.f32.msk $0xffff, v54;
	s11 =	sor.u32 s19, s12  }
0x12d: {  	v40 =	vadd.f32 v63, v62;
	[tilespmem:s11+$0x0] =	vst.add.f32.msk $0xffff, v61;
	s11 =	sor.u32 s19, s13  }
0x12e: {  	v32 =	vadd.f32 v33, v32;
	[tilespmem:s11+$0x0] =	vst.add.f32.msk $0xffff, v34;
	s11 =	sor.u32 s19, s17  }
0x12f: {  	s19 =	sor.u32 s19, s18;
	[tilespmem:s11+$0x0] =	vst.add.f32.msk $0xffff, v40  }
0x130: {  	[tilespmem:s19+$0x0] =	vst.add.f32.msk $0xffff, v32  }
0x131: {  	v32 =	vld [tilespmem:s21+$0xFFFFFC00]  }
0x132: {  	v41 =	vld [tilespmem:s21+$0x0]  }
0x133: {  	v34 =	vld [tilespmem:s21+$0x400];
	_ =	sdelay $0x3  }
0x134: {  	v35 =	vsub.f32 v41, v32  }
0x135: {  	v33 =	vsub.f32 v34, v41  }
0x136: {  	v42 =	vmul.f32 v35, v0  }
0x137: {  	v43 =	vmul.f32 v33, v1;
	v44 =	vmul.f32 v35, v2  }
0x138: {  	v45 =	vmul.f32 v35, v4;
	v47 =	vmul.f32 v35, v6  }
0x139: {  	v48 =	vmul.f32 v33, v3;
	v49 =	vmul.f32 v33, v5  }
0x13a: {  	v50 =	vmul.f32 v33, v7;
	v51 =	vmul.f32 v35, v8  }
0x13b: {  	v52 =	vmul.f32 v35, v10;
	v54 =	vmul.f32 v35, v12  }
0x13c: {  	v55 =	vmul.f32 v33, v9;
	v34 =	vadd.f32 v42, v32;
	v46 =	vadd.f32 v44, v32  }
0x13d: {  	v56 =	vmul.f32 v35, v14;
	v38 =	vadd.f32 v45, v32;
	v37 =	vadd.f32 v47, v32  }
0x13e: {  	s19 =	sadd.s32 $0x20, s24;
	v57 =	vmul.f32 v33, v11;
	v53 =	vadd.f32 v51, v32;
	v39 =	vadd.f32 v52, v32  }
0x13f: {  	s19 =	sand.u32 $0x60, s19;
	v58 =	vmul.f32 v33, v13;
	v41 =	vadd.f32 v54, v32;
	v34 =	vadd.f32 v43, v34  }
0x140: {  	s11 =	sor.u32 s19, s0;
	v61 =	vmul.f32 v33, v15;
	v60 =	vadd.f32 v56, v32;
	v36 =	vadd.f32 v48, v46  }
0x141: {  	v51 =	vmul.f32 v35, v20;
	v54 =	vmul.f32 v35, v22;
	v38 =	vadd.f32 v49, v38;
	[tilespmem:s11+$0x0] =	vst.add.f32.msk $0xffff, v34;
	s11 =	sor.u32 s19, s1  }
0x142: {  	v56 =	vmul.f32 v33, v19;
	v44 =	vmul.f32 v35, v28;
	v37 =	vadd.f32 v50, v37;
	[tilespmem:s11+$0x0] =	vst.add.f32.msk $0xffff, v36;
	s11 =	sor.u32 s19, s5  }
0x143: {  	v59 =	vadd.f32 v55, v53;
	v62 =	vadd.f32 v57, v39;
	v48 =	vmul.f32 v35, v16;
	[tilespmem:s11+$0x0] =	vst.add.f32.msk $0xffff, v38;
	s11 =	sor.u32 s19, s10  }
0x144: {  	v63 =	vadd.f32 v58, v41;
	v49 =	vadd.f32 v61, v60;
	v50 =	vmul.f32 v35, v18;
	[tilespmem:s11+$0x0] =	vst.add.f32.msk $0xffff, v37;
	s11 =	sor.u32 s19, s25  }
0x145: {  	v53 =	vmul.f32 v33, v17;
	v42 =	vadd.f32 v51, v32;
	v52 =	vadd.f32 v48, v32;
	[tilespmem:s11+$0x0] =	vst.add.f32.msk $0xffff, v59;
	s11 =	sor.u32 s19, s6  }
0x146: {  	v57 =	vmul.f32 v33, v21;
	v43 =	vadd.f32 v54, v32;
	v55 =	vadd.f32 v50, v32;
	[tilespmem:s11+$0x0] =	vst.add.f32.msk $0xffff, v62;
	s11 =	sor.u32 s19, s26  }
0x147: {  	v58 =	vmul.f32 v33, v23;
	v37 =	vadd.f32 v53, v52;
	v59 =	vmul.f32 v35, v24;
	[tilespmem:s11+$0x0] =	vst.add.f32.msk $0xffff, v63;
	s11 =	sor.u32 s19, s28  }
0x148: {  	v61 =	vmul.f32 v35, v26;
	v46 =	vmul.f32 v33, v27;
	v34 =	vadd.f32 v56, v55;
	[tilespmem:s11+$0x0] =	vst.add.f32.msk $0xffff, v49;
	s11 =	sor.u32 s19, s9  }
0x149: {  	v36 =	vadd.f32 v57, v42;
	v62 =	vadd.f32 v59, v32;
	v63 =	vmul.f32 v33, v25;
	[tilespmem:s11+$0x0] =	vst.add.f32.msk $0xffff, v37;
	s11 =	sor.u32 s19, s29  }
0x14a: {  	v60 =	vadd.f32 v58, v43;
	v45 =	vadd.f32 v61, v32;
	v35 =	vmul.f32 v35, v30;
	[tilespmem:s11+$0x0] =	vst.add.f32.msk $0xffff, v34;
	s11 =	sor.u32 s19, s30  }
0x14b: {  	v48 =	vadd.f32 v44, v32;
	v49 =	vmul.f32 v33, v29;
	v47 =	vadd.f32 v63, v62;
	[tilespmem:s11+$0x0] =	vst.add.f32.msk $0xffff, v36;
	s11 =	sor.u32 s19, s31  }
0x14c: {  	v32 =	vadd.f32 v35, v32;
	v33 =	vmul.f32 v33, v31;
	v34 =	vadd.f32 v46, v45;
	[tilespmem:s11+$0x0] =	vst.add.f32.msk $0xffff, v60;
	s11 =	sor.u32 s19, s12  }
0x14d: {  	v50 =	vadd.f32 v49, v48;
	[tilespmem:s11+$0x0] =	vst.add.f32.msk $0xffff, v47;
	s11 =	sor.u32 s19, s13  }
0x14e: {  	v32 =	vadd.f32 v33, v32;
	[tilespmem:s11+$0x0] =	vst.add.f32.msk $0xffff, v34;
	s11 =	sor.u32 s19, s17  }
0x14f: {  	s19 =	sor.u32 s19, s18;
	[tilespmem:s11+$0x0] =	vst.add.f32.msk $0xffff, v50  }
0x150: {  	[tilespmem:s19+$0x0] =	vst.add.f32.msk $0xffff, v32  }
0x151: {  	v32 =	vld [tilespmem:s21+$0xFFFFFC10]  }
0x152: {  	v51 =	vld [tilespmem:s21+$0x10]  }
0x153: {  	v34 =	vld [tilespmem:s21+$0x410];
	_ =	sdelay $0x3  }
0x154: {  	v35 =	vsub.f32 v51, v32  }
0x155: {  	v33 =	vsub.f32 v34, v51  }
0x156: {  	v52 =	vmul.f32 v35, v0  }
0x157: {  	v53 =	vmul.f32 v33, v1;
	v54 =	vmul.f32 v35, v2  }
0x158: {  	v55 =	vmul.f32 v35, v4;
	v57 =	vmul.f32 v35, v6  }
0x159: {  	v58 =	vmul.f32 v33, v3;
	v59 =	vmul.f32 v33, v5  }
0x15a: {  	v60 =	vmul.f32 v33, v7;
	v61 =	vmul.f32 v35, v8  }
0x15b: {  	v62 =	vmul.f32 v35, v10;
	v48 =	vmul.f32 v35, v12  }
0x15c: {  	v49 =	vmul.f32 v33, v9;
	v34 =	vadd.f32 v52, v32;
	v56 =	vadd.f32 v54, v32  }
0x15d: {  	v50 =	vmul.f32 v35, v14;
	v38 =	vadd.f32 v55, v32;
	v37 =	vadd.f32 v57, v32  }
0x15e: {  	s19 =	sadd.s32 $0x30, s24;
	v51 =	vmul.f32 v33, v11;
	v63 =	vadd.f32 v61, v32;
	v39 =	vadd.f32 v62, v32  }
0x15f: {  	s19 =	sand.u32 $0x70, s19;
	v47 =	vmul.f32 v35, v22;
	v41 =	vadd.f32 v48, v32;
	v34 =	vadd.f32 v53, v34  }
0x160: {  	s0 =	sor.u32 s19, s0;
	v52 =	vmul.f32 v33, v13;
	v54 =	vadd.f32 v50, v32;
	v36 =	vadd.f32 v58, v56  }
0x161: {  	s1 =	sor.u32 s19, s1;
	v55 =	vmul.f32 v33, v15;
	v43 =	vadd.f32 v47, v32;
	v38 =	vadd.f32 v59, v38;
	[tilespmem:s0+$0x0] =	vst.add.f32.msk $0xffff, v34  }
0x162: {  	s5 =	sor.u32 s19, s5;
	v61 =	vmul.f32 v35, v20;
	v37 =	vadd.f32 v60, v37;
	v53 =	vadd.f32 v49, v63;
	[tilespmem:s1+$0x0] =	vst.add.f32.msk $0xffff, v36  }
0x163: {  	s11 =	sor.u32 s19, s10;
	v56 =	vadd.f32 v51, v39;
	v57 =	vadd.f32 v52, v41;
	v58 =	vmul.f32 v35, v16;
	[tilespmem:s5+$0x0] =	vst.add.f32.msk $0xffff, v38  }
0x164: {  	s25 =	sor.u32 s19, s25;
	v59 =	vadd.f32 v55, v54;
	v60 =	vmul.f32 v35, v18;
	v63 =	vmul.f32 v33, v17;
	[tilespmem:s11+$0x0] =	vst.add.f32.msk $0xffff, v37  }
0x165: {  	v49 =	vmul.f32 v33, v19;
	v52 =	vmul.f32 v35, v24;
	v62 =	vadd.f32 v58, v32;
	s1 =	sor.u32 s19, s6;
	[tilespmem:s25+$0x0] =	vst.add.f32.msk $0xffff, v53  }
0x166: {  	v42 =	vadd.f32 v61, v32;
	v54 =	vmul.f32 v35, v26;
	v48 =	vadd.f32 v60, v32;
	s5 =	sor.u32 s19, s26;
	[tilespmem:s1+$0x0] =	vst.add.f32.msk $0xffff, v56  }
0x167: {  	v50 =	vmul.f32 v33, v21;
	v55 =	vadd.f32 v52, v32;
	s6 =	sor.u32 s19, s28;
	v37 =	vadd.f32 v63, v62;
	[tilespmem:s5+$0x0] =	vst.add.f32.msk $0xffff, v57  }
0x168: {  	s10 =	sor.u32 s19, s9;
	v51 =	vmul.f32 v33, v23;
	v58 =	vadd.f32 v54, v32;
	v34 =	vadd.f32 v49, v48;
	[tilespmem:s6+$0x0] =	vst.add.f32.msk $0xffff, v59  }
0x169: {  	v36 =	vadd.f32 v50, v42;
	s11 =	sor.u32 s19, s29;
	v56 =	vmul.f32 v33, v25;
	v57 =	vmul.f32 v35, v28;
	[tilespmem:s10+$0x0] =	vst.add.f32.msk $0xffff, v37  }
0x16a: {  	v53 =	vadd.f32 v51, v43;
	s25 =	sor.u32 s19, s30;
	v35 =	vmul.f32 v35, v30;
	v59 =	vmul.f32 v33, v27;
	[tilespmem:s11+$0x0] =	vst.add.f32.msk $0xffff, v34  }
0x16b: {  	p0 =	sne.s32 s24, $0x3C0;
	s26 =	sor.u32 s19, s31;
	v62 =	vmul.f32 v33, v29;
	v60 =	vadd.f32 v56, v55;
	v61 =	vadd.f32 v57, v32;
	[tilespmem:s25+$0x0] =	vst.add.f32.msk $0xffff, v36  }
.Ltmp1:
0x16c: {  	s28 =	sor.u32 s19, s12;
	v33 =	vmul.f32 v33, v31;
	v32 =	vadd.f32 v35, v32;
	v34 =	vadd.f32 v59, v58;
	[tilespmem:s26+$0x0] =	vst.add.f32.msk $0xffff, v53;
	(pc) =	sbr.rel @p0 .LBB2_5-.Ltmp1, $4  }
0x16d: {  	s29 =	sor.u32 s19, s13;
	v63 =	vadd.f32 v62, v61;
	[tilespmem:s28+$0x0] =	vst.add.f32.msk $0xffff, v60  }
0x16e: {  	s30 =	sor.u32 s19, s17;
	v32 =	vadd.f32 v33, v32;
	[tilespmem:s29+$0x0] =	vst.add.f32.msk $0xffff, v34  }
0x16f: {  	s31 =	sor.u32 s19, s18;
	[tilespmem:s30+$0x0] =	vst.add.f32.msk $0xffff, v63  }
0x170: {  	s23 =	sadd.s32 $0x200, s23;
	s24 =	sadd.s32 $0x40, s24;
	s21 =	sadd.s32 $0x40, s21;
	[tilespmem:s31+$0x0] =	vst.add.f32.msk $0xffff, v32  }
0x171: {  	s20 =	sadd.s32 $0x1, s20  }
0x172: {  	p0 =	sne.s32 s20, $0x10  }
.Ltmp2:
0x173: {  	_ = 	snop;
	(pc) =	sbr.rel @p0 .LBB2_2-.Ltmp2, $4  }
0x174: {  	s0 =	sadd.s32 s4, s22  }
0x175: {  	s0 =	sshll.u32 s0, $0x7  }
0x176: {  	s0 =	sadd.s32 s2, s0  }
0x177: {  	[hbm4b:s0+s3] =	stream.linear.scatter [tilespmem:s14], [sflag:$0x4], $0x4000, $0x38;
	[tilespmem:$0x8E00] =	vst v63  }
0x178: {  	s0 =	simm.s32 $0x3  }
0x179: {  	_ =	swait.ge [sflag:s0], $0x4000  }
0x17a: {  	[sflag:s0] =	ssyncset.done $0x0  }
0x17b: {  	s1 =	simm.s32 $0x4;
	[sflag:s0] =	ssyncadd.s32 $0xFFFFC000  }
0x17c: {  	_ =	swait.ge [sflag:s1], $0x4000  }
0x17d: {  	s5 =	rddreg [dreg:$0x7]  }
0x17e: {  	s31 =	rddreg [dreg:$0x6];
	s5 =	sadd.s32 $0x1, s5  }
0x17f: {  	p0 =	sne.s32 s5, s31  }
.Ltmp3:
0x180: {  	_ = 	snop;
	(pc) =	sbr.rel @p0 .LBB2_1-.Ltmp3, $3  }
0x181: {  	_ =	sdelay $0x1  }
0x182: {  	[sflag:s1] =	ssyncset.done $0x0  }
0x183: {  	[sflag:s1] =	ssyncadd.s32 $0xFFFFC000  }
0x184: {  	_ =	sfence.sel $0x180000  }
0x185: {  	[bflag:$0x0] =	sbarrier.arrive $0xFFFF  }
0x186: {  	_ =	strace $0x90000047  }
0x187: {  	s0 =	stileid.u32;
	[bflag:$0x2] =	sbarrier.arrive $0xFFFF  }
0x188: {  	p0 =	sne.s32 s0, $0x0;
	s0 =	rddreg [dreg:$0x3]  }
0x189: {  	s0 =	sadd.s32 @!p0 $0x100000, s0  }
0x18a: {  	[sflag:s0] =	ssyncadd.tile.s32 @!p0 $0x1;
	_ =	shalt  }
.Lfunc_end2:
_tile_overlayer_lowered:
.L_overlay_start_2:
0x18b: {  	(tag) =	ssettag $0x2  }
0x18c: {  	s0 =	rddreg [dreg:$0x0];
	s2 =	stileid.u32  }
0x18d: {  	s1 =	rddreg [dreg:$0x1];
	p0 =	sne.s32 s2, $0x0  }
0x18e: {  	s3 =	rddreg [dreg:$0x2];
	[bflag:$0x3] =	sbarrier.arrive $0xFFFF;
	s2 =	simm.s32 @!p0 $0x1C07  }
0x18f: {  	[timem:s3], [sflag:s2] =	dma.local @!p0 [hbm:s0], s1  }
0x190: {  	s0 =	simm.s32 @!p0 $0x7  }
0x191: {  	_ =	swait.ge @!p0 [sflag:s0], s1  }
0x192: {  	s1 =	ssub.s32 @!p0 $0x0, s1;
	[sflag:s0] =	ssyncset.done @!p0 $0x0  }
0x193: {  	[sflag:s0] =	ssyncadd.s32 @!p0 s1  }
0x194: {  	[bflag:$0x3] =	sbarrier.arrive $0xFFFF  }
0x195: {  	_ =	shalt  }

</sc_bundles>
